<compile_context>
chip_gen: v7x
topology: tpu7x:2x2x1
jax: 0.10.2.dev20260603
libtpu: 0.0.44.dev20260713+nightly
codegen_flags: <defaults>
</compile_context>

<pallas_src>
import jax
import jax.numpy as jnp
from jax import lax
from jax.experimental import pallas as pl
from jax.experimental.pallas import tpu as pltpu
from jax.experimental.pallas import tpu_sc as plsc

N = 10000
D = 128
C = 40
CP = 48
NPAD = 10240
TRASH = N
NC = 2
NS = 16
NW = NC * NS
CHUNK = 128
NB = 4
NBP = 4
RPS = NPAD // NS
BLK = 1000


def _sc_degree(nch):

    def body(col_hbm, out_hbm, acc, idx_v, ones_v, zrow_v, dsem):
        cid = lax.axis_index("c")
        sid = lax.axis_index("s")
        wid = sid * NC + cid

        @pl.loop(0, CHUNK)
        def _(i):
            ones_v[i, pl.ds(0, 16)] = jnp.full((16,), 1.0, jnp.float32)
            zrow_v[i, pl.ds(0, 16)] = jnp.zeros((16,), jnp.float32)

        @pl.loop(0, RPS // CHUNK)
        def _(r):
            pltpu.sync_copy(zrow_v, acc.at[pl.ds(sid * RPS + r * CHUNK, CHUNK)])

        plsc.subcore_barrier()
        pltpu.sync_copy(col_hbm.at[wid], idx_v)

        for b in range(NB):
            pltpu.async_copy(ones_v, acc.at[idx_v.at[b]], dsem.at[b], add=True)

        @pl.loop(0, nch // NB - 1)
        def _(g):
            base = g * NB
            for b in range(NB):
                pltpu.make_async_copy(
                    ones_v, acc.at[idx_v.at[base + b]], dsem.at[b]).wait()
                pltpu.async_copy(ones_v, acc.at[idx_v.at[base + NB + b]],
                                 dsem.at[b], add=True)

        last = nch - NB
        for b in range(NB):
            pltpu.make_async_copy(
                ones_v, acc.at[idx_v.at[last + b]], dsem.at[b]).wait()

        plsc.subcore_barrier()
        pltpu.sync_copy(acc.at[pl.ds(sid * RPS, RPS)],
                        out_hbm.at[cid].at[pl.ds(sid * RPS, RPS)])

    return pl.kernel(
        body,
        out_type=jax.ShapeDtypeStruct((NC, NPAD, 16), jnp.float32),
        mesh=plsc.VectorSubcoreMesh(core_axis_name="c", subcore_axis_name="s",
                                    num_cores=NC, num_subcores=NS),
        scratch_types=[
            pltpu.VMEM_SHARED((NPAD, 16), jnp.float32),
            pltpu.VMEM((nch, CHUNK), jnp.int32),
            pltpu.VMEM((CHUNK, 16), jnp.float32),
            pltpu.VMEM((CHUNK, 16), jnp.float32),
            pltpu.SemaphoreType.DMA((NB,)),
        ],
        compiler_params=pltpu.CompilerParams(use_tc_tiling_on_sc=False),
    )


def _sc_propagate(nch):

    stage = N // NS
    stage0 = (stage // 8) * 8

    def body(hp_hbm, row_hbm, col_hbm, out_hbm,
             acc, hps, ridx_v, cidx_v, gbuf_v, zrow_v, gsem, ssem):
        cid = lax.axis_index("c")
        sid = lax.axis_index("s")
        wid = sid * NC + cid

        @pl.loop(0, CHUNK)
        def _(i):
            @pl.loop(0, CP, step=16)
            def _(cc):
                zrow_v[i, pl.ds(cc, 16)] = jnp.zeros((16,), jnp.float32)

        pltpu.sync_copy(hp_hbm.at[pl.ds(sid * stage0, stage0)],
                        hps.at[pl.ds(sid * stage0, stage0)])

        @pl.when(sid == NS - 1)
        def _():
            pltpu.sync_copy(hp_hbm.at[pl.ds(NS * stage0, N - NS * stage0)],
                            hps.at[pl.ds(NS * stage0, N - NS * stage0)])

        @pl.loop(0, RPS // CHUNK)
        def _(r):
            pltpu.sync_copy(zrow_v, acc.at[pl.ds(sid * RPS + r * CHUNK, CHUNK)])

        pltpu.sync_copy(row_hbm.at[wid], ridx_v)
        pltpu.sync_copy(col_hbm.at[wid], cidx_v)
        plsc.subcore_barrier()

        for b in range(NBP):
            pltpu.async_copy(hps.at[ridx_v.at[b]], gbuf_v.at[b], gsem.at[b])

        @pl.loop(0, nch // NBP - 1)
        def _(g):
            base = g * NBP
            for b in range(NBP):
                pltpu.make_async_copy(hps.at[ridx_v.at[base + b]],
                                      gbuf_v.at[b], gsem.at[b]).wait()
                pltpu.async_copy(gbuf_v.at[b], acc.at[cidx_v.at[base + b]],
                                 ssem.at[b], add=True)
            for b in range(NBP):
                pltpu.make_async_copy(gbuf_v.at[b], acc.at[cidx_v.at[base + b]],
                                      ssem.at[b]).wait()
                pltpu.async_copy(hps.at[ridx_v.at[base + NBP + b]],
                                 gbuf_v.at[b], gsem.at[b])

        last = nch - NBP
        for b in range(NBP):
            pltpu.make_async_copy(hps.at[ridx_v.at[last + b]],
                                  gbuf_v.at[b], gsem.at[b]).wait()
            pltpu.async_copy(gbuf_v.at[b], acc.at[cidx_v.at[last + b]],
                             ssem.at[b], add=True)
        for b in range(NBP):
            pltpu.make_async_copy(gbuf_v.at[b], acc.at[cidx_v.at[last + b]],
                                  ssem.at[b]).wait()

        plsc.subcore_barrier()
        pltpu.sync_copy(acc.at[pl.ds(sid * RPS, RPS)],
                        out_hbm.at[cid].at[pl.ds(sid * RPS, RPS)])

    return pl.kernel(
        body,
        out_type=jax.ShapeDtypeStruct((NC, NPAD, CP), jnp.float32),
        mesh=plsc.VectorSubcoreMesh(core_axis_name="c", subcore_axis_name="s",
                                    num_cores=NC, num_subcores=NS),
        scratch_types=[
            pltpu.VMEM_SHARED((NPAD, CP), jnp.float32),
            pltpu.VMEM_SHARED((N, CP), jnp.float32),
            pltpu.VMEM((nch, CHUNK), jnp.int32),
            pltpu.VMEM((nch, CHUNK), jnp.int32),
            pltpu.VMEM((NBP, CHUNK, CP), jnp.float32),
            pltpu.VMEM((CHUNK, CP), jnp.float32),
            pltpu.SemaphoreType.DMA((NBP,)),
            pltpu.SemaphoreType.DMA((NBP,)),
        ],
        compiler_params=pltpu.CompilerParams(use_tc_tiling_on_sc=False),
    )


def _tc_matmul(x, wp):
    def body(x_ref, w_ref, o_ref):
        o_ref[...] = lax.dot_general(
            x_ref[...], w_ref[...], (((1,), (1,)), ((), ())),
            preferred_element_type=jnp.float32)

    return pl.pallas_call(
        body,
        grid=(N // BLK,),
        in_specs=[pl.BlockSpec((BLK, D), lambda i: (i, 0)),
                  pl.BlockSpec((CP, D), lambda i: (0, 0))],
        out_specs=pl.BlockSpec((BLK, CP), lambda i: (i, 0)),
        out_shape=jax.ShapeDtypeStruct((N, CP), jnp.float32),
    )(x, wp)


def _tc_dis_scale(degs, y0):

    def body(da_ref, db_ref, y_ref, dis_ref, hp_ref):
        deg = da_ref[0, :, 0:1] + db_ref[0, :, 0:1] + 1.0
        dis = jnp.broadcast_to(lax.rsqrt(deg), (BLK, CP))
        dis_ref[...] = dis
        hp_ref[...] = y_ref[...] * dis

    return pl.pallas_call(
        body,
        grid=(N // BLK,),
        in_specs=[pl.BlockSpec((1, BLK, 16), lambda i: (0, i, 0)),
                  pl.BlockSpec((1, BLK, 16), lambda i: (1, i, 0)),
                  pl.BlockSpec((BLK, CP), lambda i: (i, 0))],
        out_specs=[pl.BlockSpec((BLK, CP), lambda i: (i, 0)),
                   pl.BlockSpec((BLK, CP), lambda i: (i, 0))],
        out_shape=[jax.ShapeDtypeStruct((N, CP), jnp.float32),
                   jax.ShapeDtypeStruct((N, CP), jnp.float32)],
    )(degs, degs, y0)


def _tc_mid_combine(p, hp, dis):

    def body(pa_ref, pb_ref, hp_ref, dis_ref, o_ref):
        d = dis_ref[...]
        o_ref[...] = d * d * (pa_ref[0] + pb_ref[0] + hp_ref[...])

    return pl.pallas_call(
        body,
        grid=(N // BLK,),
        in_specs=[pl.BlockSpec((1, BLK, CP), lambda i: (0, i, 0)),
                  pl.BlockSpec((1, BLK, CP), lambda i: (1, i, 0)),
                  pl.BlockSpec((BLK, CP), lambda i: (i, 0)),
                  pl.BlockSpec((BLK, CP), lambda i: (i, 0))],
        out_specs=pl.BlockSpec((BLK, CP), lambda i: (i, 0)),
        out_shape=jax.ShapeDtypeStruct((N, CP), jnp.float32),
    )(p, p, hp, dis)


def _tc_final(p, hp, dis, b2):

    def body(pa_ref, pb_ref, hp_ref, dis_ref, b_ref, o_ref):
        t = dis_ref[...] * (pa_ref[0] + pb_ref[0] + hp_ref[...])
        l = t[:, :C] + b_ref[...]
        m = jnp.max(l, axis=1, keepdims=True)
        e = jnp.exp(l - m)
        lse = jnp.log(jnp.sum(e, axis=1, keepdims=True)) + m
        o_ref[...] = l - lse

    return pl.pallas_call(
        body,
        grid=(N // BLK,),
        in_specs=[pl.BlockSpec((1, BLK, CP), lambda i: (0, i, 0)),
                  pl.BlockSpec((1, BLK, CP), lambda i: (1, i, 0)),
                  pl.BlockSpec((BLK, CP), lambda i: (i, 0)),
                  pl.BlockSpec((BLK, CP), lambda i: (i, 0)),
                  pl.BlockSpec((1, C), lambda i: (0, 0))],
        out_specs=pl.BlockSpec((BLK, C), lambda i: (i, 0)),
        out_shape=jax.ShapeDtypeStruct((N, C), jnp.float32),
    )(p, p, hp, dis, b2)


def kernel(x, edge_index, W, b):
    E = edge_index.shape[1]
    nch = -(-E // (NW * CHUNK))
    ring = NB * NBP // 2
    nch = -(-nch // ring) * ring
    ep = NW * nch * CHUNK
    row = edge_index[0].astype(jnp.int32)
    col = edge_index[1].astype(jnp.int32)
    npad_e = ep - E
    row_w = jnp.concatenate(
        [row, jnp.zeros((npad_e,), jnp.int32)]).reshape(NW, nch, CHUNK)
    trash_cols = TRASH + jnp.arange(npad_e, dtype=jnp.int32) % (NPAD - N)
    col_w = jnp.concatenate([col, trash_cols]).reshape(NW, nch, CHUNK)
    wp = jnp.zeros((CP, D), jnp.float32).at[:C].set(W.astype(jnp.float32))
    b2 = b.astype(jnp.float32).reshape(1, C)

    degs = _sc_degree(nch)(col_w)
    y0 = _tc_matmul(x.astype(jnp.float32), wp)
    dis48, h0p = _tc_dis_scale(degs, y0)

    prop = _sc_propagate(nch)
    p1 = prop(h0p, row_w, col_w)
    h1p = _tc_mid_combine(p1, h0p, dis48)
    p2 = prop(h1p, row_w, col_w)
    return _tc_final(p2, h1p, dis48, b2)

# --- scband reference (transcript-rebuilt; emitter-appended) ---
"""Pipeline reference for scband-sgcnet-25391846654274 (READ-ONLY COPY).

The authoritative reference and input builder live on the scoring server;
editing this copy changes nothing except your own understanding.
"""

import jax, jax.numpy as jnp
import numpy as np

N_NODES = 10000
N_EDGES = 320000
D_FEAT = 128
N_CLASSES = 40
K = 2


def setup_inputs(seed: int = 0) -> dict:
    key = jax.random.key(seed)
    k1, k2, k3 = jax.random.split(key, 3)
    x = jax.random.normal(k1, (N_NODES, D_FEAT), dtype=jnp.float32)
    edge_index = jax.random.randint(k2, (2, N_EDGES), 0, N_NODES)
    # SGConv linear layer params (PyG Linear: weight [out, in], bias [out])
    W = jax.random.normal(k3, (N_CLASSES, D_FEAT), dtype=jnp.float32) * (1.0 / np.sqrt(D_FEAT))
    b = jnp.zeros((N_CLASSES,), dtype=jnp.float32)
    return {"x": x, "edge_index": edge_index, "W": W, "b": b}


def reference(x, edge_index, W, b):
    N = x.shape[0]
    row = edge_index[0]
    col = edge_index[1]
    # add self loops (PyG gcn_norm default, fill_value=1)
    loop = jnp.arange(N, dtype=row.dtype)
    row = jnp.concatenate([row, loop])
    col = jnp.concatenate([col, loop])
    ew = jnp.ones(row.shape[0], dtype=x.dtype)
    # symmetric GCN normalization
    deg = jnp.zeros((N,), dtype=x.dtype).at[col].add(ew)
    deg_inv_sqrt = jnp.where(deg > 0, jax.lax.rsqrt(jnp.maximum(deg, 1e-12)), 0.0)
    norm = deg_inv_sqrt[row] * ew * deg_inv_sqrt[col]
    # K-step propagation: h <- S h
    h = x
    for _ in range(K):
        msg = h[row] * norm[:, None]
        h = jnp.zeros_like(h).at[col].add(msg)
    # linear layer
    out = h @ W.T + b
    # log_softmax over classes
    return jax.nn.log_softmax(out, axis=1)

if __name__ == "__main__":
    import jax
    _d = setup_inputs()
    print(jax.jit(kernel)(*tuple(_d.values())))

</pallas_src>

<mosaic_0001>
#map = affine_map<(d0, d1) -> (0, 0)>
#map1 = affine_map<(d0, d1) -> (0, 0, 0)>
module attributes {stable_mosaic.version = 14 : i64} {
  func.func @body(%arg0: i32, %arg1: i32, %arg2: memref<10000x48xf32, #tpu.memory_space<hbm>>, %arg3: memref<32x80x128xi32, #tpu.memory_space<hbm>>, %arg4: memref<32x80x128xi32, #tpu.memory_space<hbm>>, %arg5: memref<2x10240x48xf32, #tpu.memory_space<hbm>>, %arg6: memref<10240x48xf32, #tpu.memory_space<vmem_shared>>, %arg7: memref<10000x48xf32, #tpu.memory_space<vmem_shared>>, %arg8: memref<80x128xi32, #tpu.memory_space<vmem>>, %arg9: memref<80x128xi32, #tpu.memory_space<vmem>>, %arg10: memref<4x128x48xf32, #tpu.memory_space<vmem>>, %arg11: memref<128x48xf32, #tpu.memory_space<vmem>>, %arg12: memref<4x!tpu.dma_semaphore, #tpu.memory_space<semaphore_mem>>, %arg13: memref<4x!tpu.dma_semaphore, #tpu.memory_space<semaphore_mem>>) attributes {dimension_semantics = [#tpu.dimension_semantics<core_parallel>, #tpu.dimension_semantics<subcore_parallel>], iteration_bounds = array<i64: 2, 16>, scalar_prefetch = 0 : i64, scratch_operands = 8 : i64, tpu.core_type = #tpu.core_type<sc_vector_subcore>, window_params = [{transform_indices = #map}, {transform_indices = #map1}, {transform_indices = #map1}, {transform_indices = #map1}]} {
    %mul3A = arith.constant 2 : i32
    %mul3A_0 = arith.muli %arg1, %mul3A : i32
    %add3A = arith.addi %mul3A_0, %arg0 : i32
    %scan3A = arith.constant 0 : i32
    %scan3A_1 = arith.constant 128 : i32
    %scan3A_2 = arith.addi %scan3A, %scan3A_1 : i32
    %scan3A_3 = arith.constant 1 : i32
    scf.for %scan3A_264 = %scan3A to %scan3A_2 step %scan3A_3  : i32 {
      %mul3A_265 = arith.constant 1 : i32
      %mul3A_266 = arith.muli %scan3A_264, %mul3A_265 : i32
      %add3A_267 = arith.constant 0 : i32
      %add3A_268 = arith.addi %add3A_267, %mul3A_266 : i32
      %scan3A_269 = arith.constant 0 : i32
      %scan3A_270 = arith.constant 3 : i32
      %scan3A_271 = arith.addi %scan3A_269, %scan3A_270 : i32
      %scan3A_272 = arith.constant 1 : i32
      scf.for %scan3A_274 = %scan3A_269 to %scan3A_271 step %scan3A_272  : i32 {
        %mul3A_275 = arith.constant 16 : i32
        %mul3A_276 = arith.muli %scan3A_274, %mul3A_275 : i32
        %add3A_277 = arith.constant 0 : i32
        %add3A_278 = arith.addi %add3A_277, %mul3A_276 : i32
        %broadcast_in_dim3A = arith.constant 0.000000e+00 : f32
        %broadcast_in_dim3A_279 = vector.broadcast %broadcast_in_dim3A : f32 to vector<16xf32>
        %swap3A = arith.index_cast %add3A_268 : i32 to index
        %swap3A_280 = arith.index_cast %add3A_278 : i32 to index
        %swap3A_281 = tpu.vector_load %arg11[%swap3A, %swap3A_280] {strides = array<i32>} : memref<128x48xf32, #tpu.memory_space<vmem>>, vector<1x16xf32>,
        %swap3A_282 = vector.shape_cast %swap3A_281 : vector<1x16xf32> to vector<16xf32>
        %swap3A_283 = vector.shape_cast %broadcast_in_dim3A_279 : vector<16xf32> to vector<1x16xf32>
        tpu.vector_store %arg11[%swap3A, %swap3A_280], %swap3A_283 {strides = array<i32>} : memref<128x48xf32, #tpu.memory_space<vmem>>, vector<1x16xf32>,
      }
      %scan3A_273 = arith.constant 3 : i32
    }
    %scan3A_4 = arith.constant 128 : i32
    %mul3A_5 = arith.constant 624 : i32
    %mul3A_6 = arith.muli %arg1, %mul3A_5 : i32
    %mul3A_7 = arith.constant 624 : i32
    %mul3A_8 = arith.muli %arg1, %mul3A_7 : i32
    "tpu.region"() ({
      %run_scoped3A = tpu.sem_alloc : memref<!tpu.dma_semaphore, #tpu.memory_space<semaphore_mem>>
      %dma_start3A_264 = arith.constant 0 : i32
      %dma_start3A_265 = tpu.memref_slice %arg7[%mul3A_8, %dma_start3A_264] : memref<10000x48xf32, #tpu.memory_space<vmem_shared>> -> memref<624x48xf32, #tpu.memory_space<vmem_shared>>
      %dma_start3A_266 = arith.constant 0 : i32
      %dma_start3A_267 = tpu.memref_slice %arg2[%mul3A_6, %dma_start3A_266] : memref<10000x48xf32, #tpu.memory_space<hbm>> -> memref<624x48xf32, #tpu.memory_space<hbm>>
      tpu.enqueue_dma source(%dma_start3A_267 : memref<624x48xf32, #tpu.memory_space<hbm>>) target(%dma_start3A_265 : memref<624x48xf32, #tpu.memory_space<vmem_shared>>) target_semaphore(%run_scoped3A : memref<!tpu.dma_semaphore, #tpu.memory_space<semaphore_mem>>)
      %dma_wait3A_268 = arith.constant 0 : i32
      %dma_wait3A_269 = tpu.memref_slice %arg7[%mul3A_8, %dma_wait3A_268] : memref<10000x48xf32, #tpu.memory_space<vmem_shared>> -> memref<624x48xf32, #tpu.memory_space<vmem_shared>>
      %dma_wait3A_270 = arith.constant 0 : i32
      %dma_wait3A_271 = tpu.memref_slice %arg2[%mul3A_6, %dma_wait3A_270] : memref<10000x48xf32, #tpu.memory_space<hbm>> -> memref<624x48xf32, #tpu.memory_space<hbm>>
      tpu.wait_dma2 semaphore(%run_scoped3A : memref<!tpu.dma_semaphore, #tpu.memory_space<semaphore_mem>>) src(%dma_wait3A_271 : memref<624x48xf32, #tpu.memory_space<hbm>>) dst(%dma_wait3A_269 : memref<624x48xf32, #tpu.memory_space<vmem_shared>>)
      tpu.yield
    }) : () -> ()
    %eq3A = arith.constant 15 : i32
    %eq3A_9 = arith.cmpi eq, %arg1, %eq3A : i32
    %convert_element_type3A = arith.extui %eq3A_9 : i1 to i32
    %cond3A = arith.constant 0 : i32
    %cond3A_10 = arith.cmpi ne, %convert_element_type3A, %cond3A : i32
    scf.if %cond3A_10 {
      "tpu.region"() ({
        %run_scoped3A = tpu.sem_alloc : memref<!tpu.dma_semaphore, #tpu.memory_space<semaphore_mem>>
        %dma_start3A_264 = arith.constant 9984 : i32
        %dma_start3A_265 = arith.constant 0 : i32
        %dma_start3A_266 = tpu.memref_slice %arg7[%dma_start3A_264, %dma_start3A_265] : memref<10000x48xf32, #tpu.memory_space<vmem_shared>> -> memref<16x48xf32, #tpu.memory_space<vmem_shared>>
        %dma_start3A_267 = arith.constant 9984 : i32
        %dma_start3A_268 = arith.constant 0 : i32
        %dma_start3A_269 = tpu.memref_slice %arg2[%dma_start3A_267, %dma_start3A_268] : memref<10000x48xf32, #tpu.memory_space<hbm>> -> memref<16x48xf32, #tpu.memory_space<hbm>>
        tpu.enqueue_dma source(%dma_start3A_269 : memref<16x48xf32, #tpu.memory_space<hbm>>) target(%dma_start3A_266 : memref<16x48xf32, #tpu.memory_space<vmem_shared>>) target_semaphore(%run_scoped3A : memref<!tpu.dma_semaphore, #tpu.memory_space<semaphore_mem>>)
        %dma_wait3A_270 = arith.constant 9984 : i32
        %dma_wait3A_271 = arith.constant 0 : i32
        %dma_wait3A_272 = tpu.memref_slice %arg7[%dma_wait3A_270, %dma_wait3A_271] : memref<10000x48xf32, #tpu.memory_space<vmem_shared>> -> memref<16x48xf32, #tpu.memory_space<vmem_shared>>
        %dma_wait3A_273 = arith.constant 9984 : i32
        %dma_wait3A_274 = arith.constant 0 : i32
        %dma_wait3A_275 = tpu.memref_slice %arg2[%dma_wait3A_273, %dma_wait3A_274] : memref<10000x48xf32, #tpu.memory_space<hbm>> -> memref<16x48xf32, #tpu.memory_space<hbm>>
        tpu.wait_dma2 semaphore(%run_scoped3A : memref<!tpu.dma_semaphore, #tpu.memory_space<semaphore_mem>>) src(%dma_wait3A_275 : memref<16x48xf32, #tpu.memory_space<hbm>>) dst(%dma_wait3A_272 : memref<16x48xf32, #tpu.memory_space<vmem_shared>>)
        tpu.yield
      }) : () -> ()
    } else {
    }
    %scan3A_11 = arith.constant 0 : i32
    %scan3A_12 = arith.constant 5 : i32
    %scan3A_13 = arith.addi %scan3A_11, %scan3A_12 : i32
    %scan3A_14 = arith.constant 1 : i32
    scf.for %scan3A_264 = %scan3A_11 to %scan3A_13 step %scan3A_14  : i32 {
      %mul3A_265 = arith.constant 1 : i32
      %mul3A_266 = arith.muli %scan3A_264, %mul3A_265 : i32
      %add3A_267 = arith.constant 0 : i32
      %add3A_268 = arith.addi %add3A_267, %mul3A_266 : i32
      %mul3A_269 = arith.constant 640 : i32
      %mul3A_270 = arith.muli %arg1, %mul3A_269 : i32
      %mul3A_271 = arith.constant 128 : i32
      %mul3A_272 = arith.muli %add3A_268, %mul3A_271 : i32
      %add3A_273 = arith.addi %mul3A_270, %mul3A_272 : i32
      "tpu.region"() ({
        %run_scoped3A = tpu.sem_alloc : memref<!tpu.dma_semaphore, #tpu.memory_space<semaphore_mem>>
        %dma_start3A_274 = arith.constant 0 : i32
        %dma_start3A_275 = tpu.memref_slice %arg6[%add3A_273, %dma_start3A_274] : memref<10240x48xf32, #tpu.memory_space<vmem_shared>> -> memref<128x48xf32, #tpu.memory_space<vmem_shared>>
        %dma_start3A_276 = arith.constant 0 : i32
        %dma_start3A_277 = tpu.memref_slice %arg6[%add3A_273, %dma_start3A_276] : memref<10240x48xf32, #tpu.memory_space<vmem_shared>> -> memref<128x48xf32, #tpu.memory_space<vmem_shared>>
        tpu.enqueue_dma source(%arg11 : memref<128x48xf32, #tpu.memory_space<vmem>>) target(%dma_start3A_277 : memref<128x48xf32, #tpu.memory_space<vmem_shared>>) target_semaphore(%run_scoped3A : memref<!tpu.dma_semaphore, #tpu.memory_space<semaphore_mem>>)
        %dma_wait3A_278 = arith.constant 0 : i32
        %dma_wait3A_279 = tpu.memref_slice %arg6[%add3A_273, %dma_wait3A_278] : memref<10240x48xf32, #tpu.memory_space<vmem_shared>> -> memref<128x48xf32, #tpu.memory_space<vmem_shared>>
        %dma_wait3A_280 = arith.constant 0 : i32
        %dma_wait3A_281 = tpu.memref_slice %arg6[%add3A_273, %dma_wait3A_280] : memref<10240x48xf32, #tpu.memory_space<vmem_shared>> -> memref<128x48xf32, #tpu.memory_space<vmem_shared>>
        tpu.wait_dma2 semaphore(%run_scoped3A : memref<!tpu.dma_semaphore, #tpu.memory_space<semaphore_mem>>) src(%arg11 : memref<128x48xf32, #tpu.memory_space<vmem>>) dst(%dma_wait3A_281 : memref<128x48xf32, #tpu.memory_space<vmem_shared>>)
        tpu.yield
      }) : () -> ()
    }
    %scan3A_15 = arith.constant 5 : i32
    "tpu.region"() ({
      %run_scoped3A = tpu.sem_alloc : memref<!tpu.dma_semaphore, #tpu.memory_space<semaphore_mem>>
      %dma_start3A_264 = arith.constant 0 : i32
      %dma_start3A_265 = arith.constant 0 : i32
      %dma_start3A_266 = tpu.memref_slice %arg3[%add3A, %dma_start3A_264, %dma_start3A_265] : memref<32x80x128xi32, #tpu.memory_space<hbm>> -> memref<1x80x128xi32, #tpu.memory_space<hbm>>
      %dma_start3A_267 = tpu.memref_squeeze %dma_start3A_266 : memref<1x80x128xi32, #tpu.memory_space<hbm>> -> memref<80x128xi32, #tpu.memory_space<hbm>>
      %dma_start3A_268 = arith.constant 0 : i32
      %dma_start3A_269 = arith.constant 0 : i32
      %dma_start3A_270 = tpu.memref_slice %arg3[%add3A, %dma_start3A_268, %dma_start3A_269] : memref<32x80x128xi32, #tpu.memory_space<hbm>> -> memref<1x80x128xi32, #tpu.memory_space<hbm>>
      %dma_start3A_271 = tpu.memref_squeeze %dma_start3A_270 : memref<1x80x128xi32, #tpu.memory_space<hbm>> -> memref<80x128xi32, #tpu.memory_space<hbm>>
      tpu.enqueue_dma source(%dma_start3A_271 : memref<80x128xi32, #tpu.memory_space<hbm>>) target(%arg8 : memref<80x128xi32, #tpu.memory_space<vmem>>) target_semaphore(%run_scoped3A : memref<!tpu.dma_semaphore, #tpu.memory_space<semaphore_mem>>)
      %dma_wait3A_272 = arith.constant 0 : i32
      %dma_wait3A_273 = arith.constant 0 : i32
      %dma_wait3A_274 = tpu.memref_slice %arg3[%add3A, %dma_wait3A_272, %dma_wait3A_273] : memref<32x80x128xi32, #tpu.memory_space<hbm>> -> memref<1x80x128xi32, #tpu.memory_space<hbm>>
      %dma_wait3A_275 = tpu.memref_squeeze %dma_wait3A_274 : memref<1x80x128xi32, #tpu.memory_space<hbm>> -> memref<80x128xi32, #tpu.memory_space<hbm>>
      %dma_wait3A_276 = arith.constant 0 : i32
      %dma_wait3A_277 = arith.constant 0 : i32
      %dma_wait3A_278 = tpu.memref_slice %arg3[%add3A, %dma_wait3A_276, %dma_wait3A_277] : memref<32x80x128xi32, #tpu.memory_space<hbm>> -> memref<1x80x128xi32, #tpu.memory_space<hbm>>
      %dma_wait3A_279 = tpu.memref_squeeze %dma_wait3A_278 : memref<1x80x128xi32, #tpu.memory_space<hbm>> -> memref<80x128xi32, #tpu.memory_space<hbm>>
      tpu.wait_dma2 semaphore(%run_scoped3A : memref<!tpu.dma_semaphore, #tpu.memory_space<semaphore_mem>>) src(%dma_wait3A_279 : memref<80x128xi32, #tpu.memory_space<hbm>>) dst(%arg8 : memref<80x128xi32, #tpu.memory_space<vmem>>)
      tpu.yield
    }) : () -> ()
    "tpu.region"() ({
      %run_scoped3A = tpu.sem_alloc : memref<!tpu.dma_semaphore, #tpu.memory_space<semaphore_mem>>
      %dma_start3A_264 = arith.constant 0 : i32
      %dma_start3A_265 = arith.constant 0 : i32
      %dma_start3A_266 = tpu.memref_slice %arg4[%add3A, %dma_start3A_264, %dma_start3A_265] : memref<32x80x128xi32, #tpu.memory_space<hbm>> -> memref<1x80x128xi32, #tpu.memory_space<hbm>>
      %dma_start3A_267 = tpu.memref_squeeze %dma_start3A_266 : memref<1x80x128xi32, #tpu.memory_space<hbm>> -> memref<80x128xi32, #tpu.memory_space<hbm>>
      %dma_start3A_268 = arith.constant 0 : i32
      %dma_start3A_269 = arith.constant 0 : i32
      %dma_start3A_270 = tpu.memref_slice %arg4[%add3A, %dma_start3A_268, %dma_start3A_269] : memref<32x80x128xi32, #tpu.memory_space<hbm>> -> memref<1x80x128xi32, #tpu.memory_space<hbm>>
      %dma_start3A_271 = tpu.memref_squeeze %dma_start3A_270 : memref<1x80x128xi32, #tpu.memory_space<hbm>> -> memref<80x128xi32, #tpu.memory_space<hbm>>
      tpu.enqueue_dma source(%dma_start3A_271 : memref<80x128xi32, #tpu.memory_space<hbm>>) target(%arg9 : memref<80x128xi32, #tpu.memory_space<vmem>>) target_semaphore(%run_scoped3A : memref<!tpu.dma_semaphore, #tpu.memory_space<semaphore_mem>>)
      %dma_wait3A_272 = arith.constant 0 : i32
      %dma_wait3A_273 = arith.constant 0 : i32
      %dma_wait3A_274 = tpu.memref_slice %arg4[%add3A, %dma_wait3A_272, %dma_wait3A_273] : memref<32x80x128xi32, #tpu.memory_space<hbm>> -> memref<1x80x128xi32, #tpu.memory_space<hbm>>
      %dma_wait3A_275 = tpu.memref_squeeze %dma_wait3A_274 : memref<1x80x128xi32, #tpu.memory_space<hbm>> -> memref<80x128xi32, #tpu.memory_space<hbm>>
      %dma_wait3A_276 = arith.constant 0 : i32
      %dma_wait3A_277 = arith.constant 0 : i32
      %dma_wait3A_278 = tpu.memref_slice %arg4[%add3A, %dma_wait3A_276, %dma_wait3A_277] : memref<32x80x128xi32, #tpu.memory_space<hbm>> -> memref<1x80x128xi32, #tpu.memory_space<hbm>>
      %dma_wait3A_279 = tpu.memref_squeeze %dma_wait3A_278 : memref<1x80x128xi32, #tpu.memory_space<hbm>> -> memref<80x128xi32, #tpu.memory_space<hbm>>
      tpu.wait_dma2 semaphore(%run_scoped3A : memref<!tpu.dma_semaphore, #tpu.memory_space<semaphore_mem>>) src(%dma_wait3A_279 : memref<80x128xi32, #tpu.memory_space<hbm>>) dst(%arg9 : memref<80x128xi32, #tpu.memory_space<vmem>>)
      tpu.yield
    }) : () -> ()
    %barrier3A = arith.constant 0 : index
    tpu.barrier barrier_id(%barrier3A)
    %dma_start3A = arith.constant 0 : i32
    %dma_start3A_16 = arith.constant 0 : i32
    %dma_start3A_17 = arith.constant 0 : i32
    %dma_start3A_18 = arith.constant 0 : i32
    %dma_start3A_19 = arith.constant 0 : i32
    %dma_start3A_20 = tpu.memref_slice %arg10[%dma_start3A_16, %dma_start3A_18, %dma_start3A_19] : memref<4x128x48xf32, #tpu.memory_space<vmem>> -> memref<1x128x48xf32, #tpu.memory_space<vmem>>
    %dma_start3A_21 = tpu.memref_squeeze %dma_start3A_20 : memref<1x128x48xf32, #tpu.memory_space<vmem>> -> memref<128x48xf32, #tpu.memory_space<vmem>>
    %dma_start3A_22 = arith.constant 0 : i32
    %dma_start3A_23 = tpu.memref_slice %arg8[%dma_start3A, %dma_start3A_22] : memref<80x128xi32, #tpu.memory_space<vmem>> -> memref<1x128xi32, #tpu.memory_space<vmem>>
    %dma_start3A_24 = tpu.memref_squeeze %dma_start3A_23 : memref<1x128xi32, #tpu.memory_space<vmem>> -> memref<128xi32, #tpu.memory_space<vmem>>
    %dma_start3A_25 = arith.constant 0 : i32
    %dma_start3A_26 = arith.constant 0 : i32
    %dma_start3A_27 = tpu.memref_slice %arg7[%dma_start3A_25, %dma_start3A_26] : memref<10000x48xf32, #tpu.memory_space<vmem_shared>> -> memref<10000x48xf32, #tpu.memory_space<vmem_shared>>
    %dma_start3A_28 = tpu.memref_slice %arg12[%dma_start3A_17] : memref<4x!tpu.dma_semaphore, #tpu.memory_space<semaphore_mem>> -> memref<1x!tpu.dma_semaphore, #tpu.memory_space<semaphore_mem>>
    %dma_start3A_29 = tpu.memref_squeeze %dma_start3A_28 : memref<1x!tpu.dma_semaphore, #tpu.memory_space<semaphore_mem>> -> memref<!tpu.dma_semaphore, #tpu.memory_space<semaphore_mem>>
    tpu.enqueue_indirect_dma source(%dma_start3A_27 : memref<10000x48xf32, #tpu.memory_space<vmem_shared>>) target(%dma_start3A_21 : memref<128x48xf32, #tpu.memory_space<vmem>>) offsets(%dma_start3A_24 : memref<128xi32, #tpu.memory_space<vmem>>) semaphore(%dma_start3A_29 : memref<!tpu.dma_semaphore, #tpu.memory_space<semaphore_mem>>)
    %dma_start3A_30 = arith.constant 1 : i32
    %dma_start3A_31 = arith.constant 1 : i32
    %dma_start3A_32 = arith.constant 1 : i32
    %dma_start3A_33 = arith.constant 0 : i32
    %dma_start3A_34 = arith.constant 0 : i32
    %dma_start3A_35 = tpu.memref_slice %arg10[%dma_start3A_31, %dma_start3A_33, %dma_start3A_34] : memref<4x128x48xf32, #tpu.memory_space<vmem>> -> memref<1x128x48xf32, #tpu.memory_space<vmem>>
    %dma_start3A_36 = tpu.memref_squeeze %dma_start3A_35 : memref<1x128x48xf32, #tpu.memory_space<vmem>> -> memref<128x48xf32, #tpu.memory_space<vmem>>
    %dma_start3A_37 = arith.constant 0 : i32
    %dma_start3A_38 = tpu.memref_slice %arg8[%dma_start3A_30, %dma_start3A_37] : memref<80x128xi32, #tpu.memory_space<vmem>> -> memref<1x128xi32, #tpu.memory_space<vmem>>
    %dma_start3A_39 = tpu.memref_squeeze %dma_start3A_38 : memref<1x128xi32, #tpu.memory_space<vmem>> -> memref<128xi32, #tpu.memory_space<vmem>>
    %dma_start3A_40 = arith.constant 0 : i32
    %dma_start3A_41 = arith.constant 0 : i32
    %dma_start3A_42 = tpu.memref_slice %arg7[%dma_start3A_40, %dma_start3A_41] : memref<10000x48xf32, #tpu.memory_space<vmem_shared>> -> memref<10000x48xf32, #tpu.memory_space<vmem_shared>>
    %dma_start3A_43 = tpu.memref_slice %arg12[%dma_start3A_32] : memref<4x!tpu.dma_semaphore, #tpu.memory_space<semaphore_mem>> -> memref<1x!tpu.dma_semaphore, #tpu.memory_space<semaphore_mem>>
    %dma_start3A_44 = tpu.memref_squeeze %dma_start3A_43 : memref<1x!tpu.dma_semaphore, #tpu.memory_space<semaphore_mem>> -> memref<!tpu.dma_semaphore, #tpu.memory_space<semaphore_mem>>
    tpu.enqueue_indirect_dma source(%dma_start3A_42 : memref<10000x48xf32, #tpu.memory_space<vmem_shared>>) target(%dma_start3A_36 : memref<128x48xf32, #tpu.memory_space<vmem>>) offsets(%dma_start3A_39 : memref<128xi32, #tpu.memory_space<vmem>>) semaphore(%dma_start3A_44 : memref<!tpu.dma_semaphore, #tpu.memory_space<semaphore_mem>>)
    %dma_start3A_45 = arith.constant 2 : i32
    %dma_start3A_46 = arith.constant 2 : i32
    %dma_start3A_47 = arith.constant 2 : i32
    %dma_start3A_48 = arith.constant 0 : i32
    %dma_start3A_49 = arith.constant 0 : i32
    %dma_start3A_50 = tpu.memref_slice %arg10[%dma_start3A_46, %dma_start3A_48, %dma_start3A_49] : memref<4x128x48xf32, #tpu.memory_space<vmem>> -> memref<1x128x48xf32, #tpu.memory_space<vmem>>
    %dma_start3A_51 = tpu.memref_squeeze %dma_start3A_50 : memref<1x128x48xf32, #tpu.memory_space<vmem>> -> memref<128x48xf32, #tpu.memory_space<vmem>>
    %dma_start3A_52 = arith.constant 0 : i32
    %dma_start3A_53 = tpu.memref_slice %arg8[%dma_start3A_45, %dma_start3A_52] : memref<80x128xi32, #tpu.memory_space<vmem>> -> memref<1x128xi32, #tpu.memory_space<vmem>>
    %dma_start3A_54 = tpu.memref_squeeze %dma_start3A_53 : memref<1x128xi32, #tpu.memory_space<vmem>> -> memref<128xi32, #tpu.memory_space<vmem>>
    %dma_start3A_55 = arith.constant 0 : i32
    %dma_start3A_56 = arith.constant 0 : i32
    %dma_start3A_57 = tpu.memref_slice %arg7[%dma_start3A_55, %dma_start3A_56] : memref<10000x48xf32, #tpu.memory_space<vmem_shared>> -> memref<10000x48xf32, #tpu.memory_space<vmem_shared>>
    %dma_start3A_58 = tpu.memref_slice %arg12[%dma_start3A_47] : memref<4x!tpu.dma_semaphore, #tpu.memory_space<semaphore_mem>> -> memref<1x!tpu.dma_semaphore, #tpu.memory_space<semaphore_mem>>
    %dma_start3A_59 = tpu.memref_squeeze %dma_start3A_58 : memref<1x!tpu.dma_semaphore, #tpu.memory_space<semaphore_mem>> -> memref<!tpu.dma_semaphore, #tpu.memory_space<semaphore_mem>>
    tpu.enqueue_indirect_dma source(%dma_start3A_57 : memref<10000x48xf32, #tpu.memory_space<vmem_shared>>) target(%dma_start3A_51 : memref<128x48xf32, #tpu.memory_space<vmem>>) offsets(%dma_start3A_54 : memref<128xi32, #tpu.memory_space<vmem>>) semaphore(%dma_start3A_59 : memref<!tpu.dma_semaphore, #tpu.memory_space<semaphore_mem>>)
    %dma_start3A_60 = arith.constant 3 : i32
    %dma_start3A_61 = arith.constant 3 : i32
    %dma_start3A_62 = arith.constant 3 : i32
    %dma_start3A_63 = arith.constant 0 : i32
    %dma_start3A_64 = arith.constant 0 : i32
    %dma_start3A_65 = tpu.memref_slice %arg10[%dma_start3A_61, %dma_start3A_63, %dma_start3A_64] : memref<4x128x48xf32, #tpu.memory_space<vmem>> -> memref<1x128x48xf32, #tpu.memory_space<vmem>>
    %dma_start3A_66 = tpu.memref_squeeze %dma_start3A_65 : memref<1x128x48xf32, #tpu.memory_space<vmem>> -> memref<128x48xf32, #tpu.memory_space<vmem>>
    %dma_start3A_67 = arith.constant 0 : i32
    %dma_start3A_68 = tpu.memref_slice %arg8[%dma_start3A_60, %dma_start3A_67] : memref<80x128xi32, #tpu.memory_space<vmem>> -> memref<1x128xi32, #tpu.memory_space<vmem>>
    %dma_start3A_69 = tpu.memref_squeeze %dma_start3A_68 : memref<1x128xi32, #tpu.memory_space<vmem>> -> memref<128xi32, #tpu.memory_space<vmem>>
    %dma_start3A_70 = arith.constant 0 : i32
    %dma_start3A_71 = arith.constant 0 : i32
    %dma_start3A_72 = tpu.memref_slice %arg7[%dma_start3A_70, %dma_start3A_71] : memref<10000x48xf32, #tpu.memory_space<vmem_shared>> -> memref<10000x48xf32, #tpu.memory_space<vmem_shared>>
    %dma_start3A_73 = tpu.memref_slice %arg12[%dma_start3A_62] : memref<4x!tpu.dma_semaphore, #tpu.memory_space<semaphore_mem>> -> memref<1x!tpu.dma_semaphore, #tpu.memory_space<semaphore_mem>>
    %dma_start3A_74 = tpu.memref_squeeze %dma_start3A_73 : memref<1x!tpu.dma_semaphore, #tpu.memory_space<semaphore_mem>> -> memref<!tpu.dma_semaphore, #tpu.memory_space<semaphore_mem>>
    tpu.enqueue_indirect_dma source(%dma_start3A_72 : memref<10000x48xf32, #tpu.memory_space<vmem_shared>>) target(%dma_start3A_66 : memref<128x48xf32, #tpu.memory_space<vmem>>) offsets(%dma_start3A_69 : memref<128xi32, #tpu.memory_space<vmem>>) semaphore(%dma_start3A_74 : memref<!tpu.dma_semaphore, #tpu.memory_space<semaphore_mem>>)
    %scan3A_75 = arith.constant 0 : i32
    %scan3A_76 = arith.constant 19 : i32
    %scan3A_77 = arith.addi %scan3A_75, %scan3A_76 : i32
    %scan3A_78 = arith.constant 1 : i32
    scf.for %scan3A_264 = %scan3A_75 to %scan3A_77 step %scan3A_78  : i32 {
      %mul3A_265 = arith.constant 1 : i32
      %mul3A_266 = arith.muli %scan3A_264, %mul3A_265 : i32
      %add3A_267 = arith.constant 0 : i32
      %add3A_268 = arith.addi %add3A_267, %mul3A_266 : i32
      %mul3A_269 = arith.constant 4 : i32
      %mul3A_270 = arith.muli %add3A_268, %mul3A_269 : i32
      %add3A_271 = arith.constant 0 : i32
      %add3A_272 = arith.addi %mul3A_270, %add3A_271 : i32
      %dma_wait3A_273 = arith.constant 0 : i32
      %dma_wait3A_274 = arith.constant 0 : i32
      %dma_wait3A_275 = arith.constant 0 : i32
      %dma_wait3A_276 = arith.constant 0 : i32
      %dma_wait3A_277 = tpu.memref_slice %arg10[%dma_wait3A_273, %dma_wait3A_275, %dma_wait3A_276] : memref<4x128x48xf32, #tpu.memory_space<vmem>> -> memref<1x128x48xf32, #tpu.memory_space<vmem>>
      %dma_wait3A_278 = tpu.memref_squeeze %dma_wait3A_277 : memref<1x128x48xf32, #tpu.memory_space<vmem>> -> memref<128x48xf32, #tpu.memory_space<vmem>>
      %dma_wait3A_279 = arith.constant 0 : i32
      %dma_wait3A_280 = tpu.memref_slice %arg8[%add3A_272, %dma_wait3A_279] : memref<80x128xi32, #tpu.memory_space<vmem>> -> memref<1x128xi32, #tpu.memory_space<vmem>>
      %dma_wait3A_281 = tpu.memref_squeeze %dma_wait3A_280 : memref<1x128xi32, #tpu.memory_space<vmem>> -> memref<128xi32, #tpu.memory_space<vmem>>
      %dma_wait3A_282 = arith.constant 0 : i32
      %dma_wait3A_283 = arith.constant 0 : i32
      %dma_wait3A_284 = tpu.memref_slice %arg7[%dma_wait3A_282, %dma_wait3A_283] : memref<10000x48xf32, #tpu.memory_space<vmem_shared>> -> memref<10000x48xf32, #tpu.memory_space<vmem_shared>>
      %dma_wait3A_285 = tpu.memref_slice %arg12[%dma_wait3A_274] : memref<4x!tpu.dma_semaphore, #tpu.memory_space<semaphore_mem>> -> memref<1x!tpu.dma_semaphore, #tpu.memory_space<semaphore_mem>>
      %dma_wait3A_286 = tpu.memref_squeeze %dma_wait3A_285 : memref<1x!tpu.dma_semaphore, #tpu.memory_space<semaphore_mem>> -> memref<!tpu.dma_semaphore, #tpu.memory_space<semaphore_mem>>
      tpu.wait_indirect_dma semaphore(%dma_wait3A_286 : memref<!tpu.dma_semaphore, #tpu.memory_space<semaphore_mem>>) src(%dma_wait3A_284 : memref<10000x48xf32, #tpu.memory_space<vmem_shared>>) dst(%dma_wait3A_278 : memref<128x48xf32, #tpu.memory_space<vmem>>)
      %add3A_287 = arith.constant 0 : i32
      %add3A_288 = arith.addi %mul3A_270, %add3A_287 : i32
      %dma_start3A_289 = arith.constant 0 : i32
      %dma_start3A_290 = arith.constant 0 : i32
      %dma_start3A_291 = arith.constant 0 : i32
      %dma_start3A_292 = arith.constant 0 : i32
      %dma_start3A_293 = tpu.memref_slice %arg10[%dma_start3A_289, %dma_start3A_291, %dma_start3A_292] : memref<4x128x48xf32, #tpu.memory_space<vmem>> -> memref<1x128x48xf32, #tpu.memory_space<vmem>>
      %dma_start3A_294 = tpu.memref_squeeze %dma_start3A_293 : memref<1x128x48xf32, #tpu.memory_space<vmem>> -> memref<128x48xf32, #tpu.memory_space<vmem>>
      %dma_start3A_295 = arith.constant 0 : i32
      %dma_start3A_296 = tpu.memref_slice %arg9[%add3A_288, %dma_start3A_295] : memref<80x128xi32, #tpu.memory_space<vmem>> -> memref<1x128xi32, #tpu.memory_space<vmem>>
      %dma_start3A_297 = tpu.memref_squeeze %dma_start3A_296 : memref<1x128xi32, #tpu.memory_space<vmem>> -> memref<128xi32, #tpu.memory_space<vmem>>
      %dma_start3A_298 = arith.constant 0 : i32
      %dma_start3A_299 = arith.constant 0 : i32
      %dma_start3A_300 = tpu.memref_slice %arg6[%dma_start3A_298, %dma_start3A_299] : memref<10240x48xf32, #tpu.memory_space<vmem_shared>> -> memref<10240x48xf32, #tpu.memory_space<vmem_shared>>
      %dma_start3A_301 = tpu.memref_slice %arg13[%dma_start3A_290] : memref<4x!tpu.dma_semaphore, #tpu.memory_space<semaphore_mem>> -> memref<1x!tpu.dma_semaphore, #tpu.memory_space<semaphore_mem>>
      %dma_start3A_302 = tpu.memref_squeeze %dma_start3A_301 : memref<1x!tpu.dma_semaphore, #tpu.memory_space<semaphore_mem>> -> memref<!tpu.dma_semaphore, #tpu.memory_space<semaphore_mem>>
      tpu.enqueue_indirect_dma source(%dma_start3A_294 : memref<128x48xf32, #tpu.memory_space<vmem>>) target(%dma_start3A_300 : memref<10240x48xf32, #tpu.memory_space<vmem_shared>>) offsets(%dma_start3A_297 : memref<128xi32, #tpu.memory_space<vmem>>) semaphore(%dma_start3A_302 : memref<!tpu.dma_semaphore, #tpu.memory_space<semaphore_mem>>) {add = true}
      %add3A_303 = arith.constant 1 : i32
      %add3A_304 = arith.addi %mul3A_270, %add3A_303 : i32
      %dma_wait3A_305 = arith.constant 1 : i32
      %dma_wait3A_306 = arith.constant 1 : i32
      %dma_wait3A_307 = arith.constant 0 : i32
      %dma_wait3A_308 = arith.constant 0 : i32
      %dma_wait3A_309 = tpu.memref_slice %arg10[%dma_wait3A_305, %dma_wait3A_307, %dma_wait3A_308] : memref<4x128x48xf32, #tpu.memory_space<vmem>> -> memref<1x128x48xf32, #tpu.memory_space<vmem>>
      %dma_wait3A_310 = tpu.memref_squeeze %dma_wait3A_309 : memref<1x128x48xf32, #tpu.memory_space<vmem>> -> memref<128x48xf32, #tpu.memory_space<vmem>>
      %dma_wait3A_311 = arith.constant 0 : i32
      %dma_wait3A_312 = tpu.memref_slice %arg8[%add3A_304, %dma_wait3A_311] : memref<80x128xi32, #tpu.memory_space<vmem>> -> memref<1x128xi32, #tpu.memory_space<vmem>>
      %dma_wait3A_313 = tpu.memref_squeeze %dma_wait3A_312 : memref<1x128xi32, #tpu.memory_space<vmem>> -> memref<128xi32, #tpu.memory_space<vmem>>
      %dma_wait3A_314 = arith.constant 0 : i32
      %dma_wait3A_315 = arith.constant 0 : i32
      %dma_wait3A_316 = tpu.memref_slice %arg7[%dma_wait3A_314, %dma_wait3A_315] : memref<10000x48xf32, #tpu.memory_space<vmem_shared>> -> memref<10000x48xf32, #tpu.memory_space<vmem_shared>>
      %dma_wait3A_317 = tpu.memref_slice %arg12[%dma_wait3A_306] : memref<4x!tpu.dma_semaphore, #tpu.memory_space<semaphore_mem>> -> memref<1x!tpu.dma_semaphore, #tpu.memory_space<semaphore_mem>>
      %dma_wait3A_318 = tpu.memref_squeeze %dma_wait3A_317 : memref<1x!tpu.dma_semaphore, #tpu.memory_space<semaphore_mem>> -> memref<!tpu.dma_semaphore, #tpu.memory_space<semaphore_mem>>
      tpu.wait_indirect_dma semaphore(%dma_wait3A_318 : memref<!tpu.dma_semaphore, #tpu.memory_space<semaphore_mem>>) src(%dma_wait3A_316 : memref<10000x48xf32, #tpu.memory_space<vmem_shared>>) dst(%dma_wait3A_310 : memref<128x48xf32, #tpu.memory_space<vmem>>)
      %add3A_319 = arith.constant 1 : i32
      %add3A_320 = arith.addi %mul3A_270, %add3A_319 : i32
      %dma_start3A_321 = arith.constant 1 : i32
      %dma_start3A_322 = arith.constant 1 : i32
      %dma_start3A_323 = arith.constant 0 : i32
      %dma_start3A_324 = arith.constant 0 : i32
      %dma_start3A_325 = tpu.memref_slice %arg10[%dma_start3A_321, %dma_start3A_323, %dma_start3A_324] : memref<4x128x48xf32, #tpu.memory_space<vmem>> -> memref<1x128x48xf32, #tpu.memory_space<vmem>>
      %dma_start3A_326 = tpu.memref_squeeze %dma_start3A_325 : memref<1x128x48xf32, #tpu.memory_space<vmem>> -> memref<128x48xf32, #tpu.memory_space<vmem>>
      %dma_start3A_327 = arith.constant 0 : i32
      %dma_start3A_328 = tpu.memref_slice %arg9[%add3A_320, %dma_start3A_327] : memref<80x128xi32, #tpu.memory_space<vmem>> -> memref<1x128xi32, #tpu.memory_space<vmem>>
      %dma_start3A_329 = tpu.memref_squeeze %dma_start3A_328 : memref<1x128xi32, #tpu.memory_space<vmem>> -> memref<128xi32, #tpu.memory_space<vmem>>
      %dma_start3A_330 = arith.constant 0 : i32
      %dma_start3A_331 = arith.constant 0 : i32
      %dma_start3A_332 = tpu.memref_slice %arg6[%dma_start3A_330, %dma_start3A_331] : memref<10240x48xf32, #tpu.memory_space<vmem_shared>> -> memref<10240x48xf32, #tpu.memory_space<vmem_shared>>
      %dma_start3A_333 = tpu.memref_slice %arg13[%dma_start3A_322] : memref<4x!tpu.dma_semaphore, #tpu.memory_space<semaphore_mem>> -> memref<1x!tpu.dma_semaphore, #tpu.memory_space<semaphore_mem>>
      %dma_start3A_334 = tpu.memref_squeeze %dma_start3A_333 : memref<1x!tpu.dma_semaphore, #tpu.memory_space<semaphore_mem>> -> memref<!tpu.dma_semaphore, #tpu.memory_space<semaphore_mem>>
      tpu.enqueue_indirect_dma source(%dma_start3A_326 : memref<128x48xf32, #tpu.memory_space<vmem>>) target(%dma_start3A_332 : memref<10240x48xf32, #tpu.memory_space<vmem_shared>>) offsets(%dma_start3A_329 : memref<128xi32, #tpu.memory_space<vmem>>) semaphore(%dma_start3A_334 : memref<!tpu.dma_semaphore, #tpu.memory_space<semaphore_mem>>) {add = true}
      %add3A_335 = arith.constant 2 : i32
      %add3A_336 = arith.addi %mul3A_270, %add3A_335 : i32
      %dma_wait3A_337 = arith.constant 2 : i32
      %dma_wait3A_338 = arith.constant 2 : i32
      %dma_wait3A_339 = arith.constant 0 : i32
      %dma_wait3A_340 = arith.constant 0 : i32
      %dma_wait3A_341 = tpu.memref_slice %arg10[%dma_wait3A_337, %dma_wait3A_339, %dma_wait3A_340] : memref<4x128x48xf32, #tpu.memory_space<vmem>> -> memref<1x128x48xf32, #tpu.memory_space<vmem>>
      %dma_wait3A_342 = tpu.memref_squeeze %dma_wait3A_341 : memref<1x128x48xf32, #tpu.memory_space<vmem>> -> memref<128x48xf32, #tpu.memory_space<vmem>>
      %dma_wait3A_343 = arith.constant 0 : i32
      %dma_wait3A_344 = tpu.memref_slice %arg8[%add3A_336, %dma_wait3A_343] : memref<80x128xi32, #tpu.memory_space<vmem>> -> memref<1x128xi32, #tpu.memory_space<vmem>>
      %dma_wait3A_345 = tpu.memref_squeeze %dma_wait3A_344 : memref<1x128xi32, #tpu.memory_space<vmem>> -> memref<128xi32, #tpu.memory_space<vmem>>
      %dma_wait3A_346 = arith.constant 0 : i32
      %dma_wait3A_347 = arith.constant 0 : i32
      %dma_wait3A_348 = tpu.memref_slice %arg7[%dma_wait3A_346, %dma_wait3A_347] : memref<10000x48xf32, #tpu.memory_space<vmem_shared>> -> memref<10000x48xf32, #tpu.memory_space<vmem_shared>>
      %dma_wait3A_349 = tpu.memref_slice %arg12[%dma_wait3A_338] : memref<4x!tpu.dma_semaphore, #tpu.memory_space<semaphore_mem>> -> memref<1x!tpu.dma_semaphore, #tpu.memory_space<semaphore_mem>>
      %dma_wait3A_350 = tpu.memref_squeeze %dma_wait3A_349 : memref<1x!tpu.dma_semaphore, #tpu.memory_space<semaphore_mem>> -> memref<!tpu.dma_semaphore, #tpu.memory_space<semaphore_mem>>
      tpu.wait_indirect_dma semaphore(%dma_wait3A_350 : memref<!tpu.dma_semaphore, #tpu.memory_space<semaphore_mem>>) src(%dma_wait3A_348 : memref<10000x48xf32, #tpu.memory_space<vmem_shared>>) dst(%dma_wait3A_342 : memref<128x48xf32, #tpu.memory_space<vmem>>)
      %add3A_351 = arith.constant 2 : i32
      %add3A_352 = arith.addi %mul3A_270, %add3A_351 : i32
      %dma_start3A_353 = arith.constant 2 : i32
      %dma_start3A_354 = arith.constant 2 : i32
      %dma_start3A_355 = arith.constant 0 : i32
      %dma_start3A_356 = arith.constant 0 : i32
      %dma_start3A_357 = tpu.memref_slice %arg10[%dma_start3A_353, %dma_start3A_355, %dma_start3A_356] : memref<4x128x48xf32, #tpu.memory_space<vmem>> -> memref<1x128x48xf32, #tpu.memory_space<vmem>>
      %dma_start3A_358 = tpu.memref_squeeze %dma_start3A_357 : memref<1x128x48xf32, #tpu.memory_space<vmem>> -> memref<128x48xf32, #tpu.memory_space<vmem>>
      %dma_start3A_359 = arith.constant 0 : i32
      %dma_start3A_360 = tpu.memref_slice %arg9[%add3A_352, %dma_start3A_359] : memref<80x128xi32, #tpu.memory_space<vmem>> -> memref<1x128xi32, #tpu.memory_space<vmem>>
      %dma_start3A_361 = tpu.memref_squeeze %dma_start3A_360 : memref<1x128xi32, #tpu.memory_space<vmem>> -> memref<128xi32, #tpu.memory_space<vmem>>
      %dma_start3A_362 = arith.constant 0 : i32
      %dma_start3A_363 = arith.constant 0 : i32
      %dma_start3A_364 = tpu.memref_slice %arg6[%dma_start3A_362, %dma_start3A_363] : memref<10240x48xf32, #tpu.memory_space<vmem_shared>> -> memref<10240x48xf32, #tpu.memory_space<vmem_shared>>
      %dma_start3A_365 = tpu.memref_slice %arg13[%dma_start3A_354] : memref<4x!tpu.dma_semaphore, #tpu.memory_space<semaphore_mem>> -> memref<1x!tpu.dma_semaphore, #tpu.memory_space<semaphore_mem>>
      %dma_start3A_366 = tpu.memref_squeeze %dma_start3A_365 : memref<1x!tpu.dma_semaphore, #tpu.memory_space<semaphore_mem>> -> memref<!tpu.dma_semaphore, #tpu.memory_space<semaphore_mem>>
      tpu.enqueue_indirect_dma source(%dma_start3A_358 : memref<128x48xf32, #tpu.memory_space<vmem>>) target(%dma_start3A_364 : memref<10240x48xf32, #tpu.memory_space<vmem_shared>>) offsets(%dma_start3A_361 : memref<128xi32, #tpu.memory_space<vmem>>) semaphore(%dma_start3A_366 : memref<!tpu.dma_semaphore, #tpu.memory_space<semaphore_mem>>) {add = true}
      %add3A_367 = arith.constant 3 : i32
      %add3A_368 = arith.addi %mul3A_270, %add3A_367 : i32
      %dma_wait3A_369 = arith.constant 3 : i32
      %dma_wait3A_370 = arith.constant 3 : i32
      %dma_wait3A_371 = arith.constant 0 : i32
      %dma_wait3A_372 = arith.constant 0 : i32
      %dma_wait3A_373 = tpu.memref_slice %arg10[%dma_wait3A_369, %dma_wait3A_371, %dma_wait3A_372] : memref<4x128x48xf32, #tpu.memory_space<vmem>> -> memref<1x128x48xf32, #tpu.memory_space<vmem>>
      %dma_wait3A_374 = tpu.memref_squeeze %dma_wait3A_373 : memref<1x128x48xf32, #tpu.memory_space<vmem>> -> memref<128x48xf32, #tpu.memory_space<vmem>>
      %dma_wait3A_375 = arith.constant 0 : i32
      %dma_wait3A_376 = tpu.memref_slice %arg8[%add3A_368, %dma_wait3A_375] : memref<80x128xi32, #tpu.memory_space<vmem>> -> memref<1x128xi32, #tpu.memory_space<vmem>>
      %dma_wait3A_377 = tpu.memref_squeeze %dma_wait3A_376 : memref<1x128xi32, #tpu.memory_space<vmem>> -> memref<128xi32, #tpu.memory_space<vmem>>
      %dma_wait3A_378 = arith.constant 0 : i32
      %dma_wait3A_379 = arith.constant 0 : i32
      %dma_wait3A_380 = tpu.memref_slice %arg7[%dma_wait3A_378, %dma_wait3A_379] : memref<10000x48xf32, #tpu.memory_space<vmem_shared>> -> memref<10000x48xf32, #tpu.memory_space<vmem_shared>>
      %dma_wait3A_381 = tpu.memref_slice %arg12[%dma_wait3A_370] : memref<4x!tpu.dma_semaphore, #tpu.memory_space<semaphore_mem>> -> memref<1x!tpu.dma_semaphore, #tpu.memory_space<semaphore_mem>>
      %dma_wait3A_382 = tpu.memref_squeeze %dma_wait3A_381 : memref<1x!tpu.dma_semaphore, #tpu.memory_space<semaphore_mem>> -> memref<!tpu.dma_semaphore, #tpu.memory_space<semaphore_mem>>
      tpu.wait_indirect_dma semaphore(%dma_wait3A_382 : memref<!tpu.dma_semaphore, #tpu.memory_space<semaphore_mem>>) src(%dma_wait3A_380 : memref<10000x48xf32, #tpu.memory_space<vmem_shared>>) dst(%dma_wait3A_374 : memref<128x48xf32, #tpu.memory_space<vmem>>)
      %add3A_383 = arith.constant 3 : i32
      %add3A_384 = arith.addi %mul3A_270, %add3A_383 : i32
      %dma_start3A_385 = arith.constant 3 : i32
      %dma_start3A_386 = arith.constant 3 : i32
      %dma_start3A_387 = arith.constant 0 : i32
      %dma_start3A_388 = arith.constant 0 : i32
      %dma_start3A_389 = tpu.memref_slice %arg10[%dma_start3A_385, %dma_start3A_387, %dma_start3A_388] : memref<4x128x48xf32, #tpu.memory_space<vmem>> -> memref<1x128x48xf32, #tpu.memory_space<vmem>>
      %dma_start3A_390 = tpu.memref_squeeze %dma_start3A_389 : memref<1x128x48xf32, #tpu.memory_space<vmem>> -> memref<128x48xf32, #tpu.memory_space<vmem>>
      %dma_start3A_391 = arith.constant 0 : i32
      %dma_start3A_392 = tpu.memref_slice %arg9[%add3A_384, %dma_start3A_391] : memref<80x128xi32, #tpu.memory_space<vmem>> -> memref<1x128xi32, #tpu.memory_space<vmem>>
      %dma_start3A_393 = tpu.memref_squeeze %dma_start3A_392 : memref<1x128xi32, #tpu.memory_space<vmem>> -> memref<128xi32, #tpu.memory_space<vmem>>
      %dma_start3A_394 = arith.constant 0 : i32
      %dma_start3A_395 = arith.constant 0 : i32
      %dma_start3A_396 = tpu.memref_slice %arg6[%dma_start3A_394, %dma_start3A_395] : memref<10240x48xf32, #tpu.memory_space<vmem_shared>> -> memref<10240x48xf32, #tpu.memory_space<vmem_shared>>
      %dma_start3A_397 = tpu.memref_slice %arg13[%dma_start3A_386] : memref<4x!tpu.dma_semaphore, #tpu.memory_space<semaphore_mem>> -> memref<1x!tpu.dma_semaphore, #tpu.memory_space<semaphore_mem>>
      %dma_start3A_398 = tpu.memref_squeeze %dma_start3A_397 : memref<1x!tpu.dma_semaphore, #tpu.memory_space<semaphore_mem>> -> memref<!tpu.dma_semaphore, #tpu.memory_space<semaphore_mem>>
      tpu.enqueue_indirect_dma source(%dma_start3A_390 : memref<128x48xf32, #tpu.memory_space<vmem>>) target(%dma_start3A_396 : memref<10240x48xf32, #tpu.memory_space<vmem_shared>>) offsets(%dma_start3A_393 : memref<128xi32, #tpu.memory_space<vmem>>) semaphore(%dma_start3A_398 : memref<!tpu.dma_semaphore, #tpu.memory_space<semaphore_mem>>) {add = true}
      %add3A_399 = arith.constant 0 : i32
      %add3A_400 = arith.addi %mul3A_270, %add3A_399 : i32
      %dma_wait3A_401 = arith.constant 0 : i32
      %dma_wait3A_402 = arith.constant 0 : i32
      %dma_wait3A_403 = arith.constant 0 : i32
      %dma_wait3A_404 = arith.constant 0 : i32
      %dma_wait3A_405 = tpu.memref_slice %arg10[%dma_wait3A_401, %dma_wait3A_403, %dma_wait3A_404] : memref<4x128x48xf32, #tpu.memory_space<vmem>> -> memref<1x128x48xf32, #tpu.memory_space<vmem>>
      %dma_wait3A_406 = tpu.memref_squeeze %dma_wait3A_405 : memref<1x128x48xf32, #tpu.memory_space<vmem>> -> memref<128x48xf32, #tpu.memory_space<vmem>>
      %dma_wait3A_407 = arith.constant 0 : i32
      %dma_wait3A_408 = tpu.memref_slice %arg9[%add3A_400, %dma_wait3A_407] : memref<80x128xi32, #tpu.memory_space<vmem>> -> memref<1x128xi32, #tpu.memory_space<vmem>>
      %dma_wait3A_409 = tpu.memref_squeeze %dma_wait3A_408 : memref<1x128xi32, #tpu.memory_space<vmem>> -> memref<128xi32, #tpu.memory_space<vmem>>
      %dma_wait3A_410 = arith.constant 0 : i32
      %dma_wait3A_411 = arith.constant 0 : i32
      %dma_wait3A_412 = tpu.memref_slice %arg6[%dma_wait3A_410, %dma_wait3A_411] : memref<10240x48xf32, #tpu.memory_space<vmem_shared>> -> memref<10240x48xf32, #tpu.memory_space<vmem_shared>>
      %dma_wait3A_413 = tpu.memref_slice %arg13[%dma_wait3A_402] : memref<4x!tpu.dma_semaphore, #tpu.memory_space<semaphore_mem>> -> memref<1x!tpu.dma_semaphore, #tpu.memory_space<semaphore_mem>>
      %dma_wait3A_414 = tpu.memref_squeeze %dma_wait3A_413 : memref<1x!tpu.dma_semaphore, #tpu.memory_space<semaphore_mem>> -> memref<!tpu.dma_semaphore, #tpu.memory_space<semaphore_mem>>
      tpu.wait_indirect_dma semaphore(%dma_wait3A_414 : memref<!tpu.dma_semaphore, #tpu.memory_space<semaphore_mem>>) src(%dma_wait3A_406 : memref<128x48xf32, #tpu.memory_space<vmem>>) dst(%dma_wait3A_412 : memref<10240x48xf32, #tpu.memory_space<vmem_shared>>)
      %add3A_415 = arith.constant 4 : i32
      %add3A_416 = arith.addi %mul3A_270, %add3A_415 : i32
      %add3A_417 = arith.constant 0 : i32
      %add3A_418 = arith.addi %add3A_416, %add3A_417 : i32
      %dma_start3A_419 = arith.constant 0 : i32
      %dma_start3A_420 = arith.constant 0 : i32
      %dma_start3A_421 = arith.constant 0 : i32
      %dma_start3A_422 = arith.constant 0 : i32
      %dma_start3A_423 = tpu.memref_slice %arg10[%dma_start3A_419, %dma_start3A_421, %dma_start3A_422] : memref<4x128x48xf32, #tpu.memory_space<vmem>> -> memref<1x128x48xf32, #tpu.memory_space<vmem>>
      %dma_start3A_424 = tpu.memref_squeeze %dma_start3A_423 : memref<1x128x48xf32, #tpu.memory_space<vmem>> -> memref<128x48xf32, #tpu.memory_space<vmem>>
      %dma_start3A_425 = arith.constant 0 : i32
      %dma_start3A_426 = tpu.memref_slice %arg8[%add3A_418, %dma_start3A_425] : memref<80x128xi32, #tpu.memory_space<vmem>> -> memref<1x128xi32, #tpu.memory_space<vmem>>
      %dma_start3A_427 = tpu.memref_squeeze %dma_start3A_426 : memref<1x128xi32, #tpu.memory_space<vmem>> -> memref<128xi32, #tpu.memory_space<vmem>>
      %dma_start3A_428 = arith.constant 0 : i32
      %dma_start3A_429 = arith.constant 0 : i32
      %dma_start3A_430 = tpu.memref_slice %arg7[%dma_start3A_428, %dma_start3A_429] : memref<10000x48xf32, #tpu.memory_space<vmem_shared>> -> memref<10000x48xf32, #tpu.memory_space<vmem_shared>>
      %dma_start3A_431 = tpu.memref_slice %arg12[%dma_start3A_420] : memref<4x!tpu.dma_semaphore, #tpu.memory_space<semaphore_mem>> -> memref<1x!tpu.dma_semaphore, #tpu.memory_space<semaphore_mem>>
      %dma_start3A_432 = tpu.memref_squeeze %dma_start3A_431 : memref<1x!tpu.dma_semaphore, #tpu.memory_space<semaphore_mem>> -> memref<!tpu.dma_semaphore, #tpu.memory_space<semaphore_mem>>
      tpu.enqueue_indirect_dma source(%dma_start3A_430 : memref<10000x48xf32, #tpu.memory_space<vmem_shared>>) target(%dma_start3A_424 : memref<128x48xf32, #tpu.memory_space<vmem>>) offsets(%dma_start3A_427 : memref<128xi32, #tpu.memory_space<vmem>>) semaphore(%dma_start3A_432 : memref<!tpu.dma_semaphore, #tpu.memory_space<semaphore_mem>>)
      %add3A_433 = arith.constant 1 : i32
      %add3A_434 = arith.addi %mul3A_270, %add3A_433 : i32
      %dma_wait3A_435 = arith.constant 1 : i32
      %dma_wait3A_436 = arith.constant 1 : i32
      %dma_wait3A_437 = arith.constant 0 : i32
      %dma_wait3A_438 = arith.constant 0 : i32
      %dma_wait3A_439 = tpu.memref_slice %arg10[%dma_wait3A_435, %dma_wait3A_437, %dma_wait3A_438] : memref<4x128x48xf32, #tpu.memory_space<vmem>> -> memref<1x128x48xf32, #tpu.memory_space<vmem>>
      %dma_wait3A_440 = tpu.memref_squeeze %dma_wait3A_439 : memref<1x128x48xf32, #tpu.memory_space<vmem>> -> memref<128x48xf32, #tpu.memory_space<vmem>>
      %dma_wait3A_441 = arith.constant 0 : i32
      %dma_wait3A_442 = tpu.memref_slice %arg9[%add3A_434, %dma_wait3A_441] : memref<80x128xi32, #tpu.memory_space<vmem>> -> memref<1x128xi32, #tpu.memory_space<vmem>>
      %dma_wait3A_443 = tpu.memref_squeeze %dma_wait3A_442 : memref<1x128xi32, #tpu.memory_space<vmem>> -> memref<128xi32, #tpu.memory_space<vmem>>
      %dma_wait3A_444 = arith.constant 0 : i32
      %dma_wait3A_445 = arith.constant 0 : i32
      %dma_wait3A_446 = tpu.memref_slice %arg6[%dma_wait3A_444, %dma_wait3A_445] : memref<10240x48xf32, #tpu.memory_space<vmem_shared>> -> memref<10240x48xf32, #tpu.memory_space<vmem_shared>>
      %dma_wait3A_447 = tpu.memref_slice %arg13[%dma_wait3A_436] : memref<4x!tpu.dma_semaphore, #tpu.memory_space<semaphore_mem>> -> memref<1x!tpu.dma_semaphore, #tpu.memory_space<semaphore_mem>>
      %dma_wait3A_448 = tpu.memref_squeeze %dma_wait3A_447 : memref<1x!tpu.dma_semaphore, #tpu.memory_space<semaphore_mem>> -> memref<!tpu.dma_semaphore, #tpu.memory_space<semaphore_mem>>
      tpu.wait_indirect_dma semaphore(%dma_wait3A_448 : memref<!tpu.dma_semaphore, #tpu.memory_space<semaphore_mem>>) src(%dma_wait3A_440 : memref<128x48xf32, #tpu.memory_space<vmem>>) dst(%dma_wait3A_446 : memref<10240x48xf32, #tpu.memory_space<vmem_shared>>)
      %add3A_449 = arith.constant 4 : i32
      %add3A_450 = arith.addi %mul3A_270, %add3A_449 : i32
      %add3A_451 = arith.constant 1 : i32
      %add3A_452 = arith.addi %add3A_450, %add3A_451 : i32
      %dma_start3A_453 = arith.constant 1 : i32
      %dma_start3A_454 = arith.constant 1 : i32
      %dma_start3A_455 = arith.constant 0 : i32
      %dma_start3A_456 = arith.constant 0 : i32
      %dma_start3A_457 = tpu.memref_slice %arg10[%dma_start3A_453, %dma_start3A_455, %dma_start3A_456] : memref<4x128x48xf32, #tpu.memory_space<vmem>> -> memref<1x128x48xf32, #tpu.memory_space<vmem>>
      %dma_start3A_458 = tpu.memref_squeeze %dma_start3A_457 : memref<1x128x48xf32, #tpu.memory_space<vmem>> -> memref<128x48xf32, #tpu.memory_space<vmem>>
      %dma_start3A_459 = arith.constant 0 : i32
      %dma_start3A_460 = tpu.memref_slice %arg8[%add3A_452, %dma_start3A_459] : memref<80x128xi32, #tpu.memory_space<vmem>> -> memref<1x128xi32, #tpu.memory_space<vmem>>
      %dma_start3A_461 = tpu.memref_squeeze %dma_start3A_460 : memref<1x128xi32, #tpu.memory_space<vmem>> -> memref<128xi32, #tpu.memory_space<vmem>>
      %dma_start3A_462 = arith.constant 0 : i32
      %dma_start3A_463 = arith.constant 0 : i32
      %dma_start3A_464 = tpu.memref_slice %arg7[%dma_start3A_462, %dma_start3A_463] : memref<10000x48xf32, #tpu.memory_space<vmem_shared>> -> memref<10000x48xf32, #tpu.memory_space<vmem_shared>>
      %dma_start3A_465 = tpu.memref_slice %arg12[%dma_start3A_454] : memref<4x!tpu.dma_semaphore, #tpu.memory_space<semaphore_mem>> -> memref<1x!tpu.dma_semaphore, #tpu.memory_space<semaphore_mem>>
      %dma_start3A_466 = tpu.memref_squeeze %dma_start3A_465 : memref<1x!tpu.dma_semaphore, #tpu.memory_space<semaphore_mem>> -> memref<!tpu.dma_semaphore, #tpu.memory_space<semaphore_mem>>
      tpu.enqueue_indirect_dma source(%dma_start3A_464 : memref<10000x48xf32, #tpu.memory_space<vmem_shared>>) target(%dma_start3A_458 : memref<128x48xf32, #tpu.memory_space<vmem>>) offsets(%dma_start3A_461 : memref<128xi32, #tpu.memory_space<vmem>>) semaphore(%dma_start3A_466 : memref<!tpu.dma_semaphore, #tpu.memory_space<semaphore_mem>>)
      %add3A_467 = arith.constant 2 : i32
      %add3A_468 = arith.addi %mul3A_270, %add3A_467 : i32
      %dma_wait3A_469 = arith.constant 2 : i32
      %dma_wait3A_470 = arith.constant 2 : i32
      %dma_wait3A_471 = arith.constant 0 : i32
      %dma_wait3A_472 = arith.constant 0 : i32
      %dma_wait3A_473 = tpu.memref_slice %arg10[%dma_wait3A_469, %dma_wait3A_471, %dma_wait3A_472] : memref<4x128x48xf32, #tpu.memory_space<vmem>> -> memref<1x128x48xf32, #tpu.memory_space<vmem>>
      %dma_wait3A_474 = tpu.memref_squeeze %dma_wait3A_473 : memref<1x128x48xf32, #tpu.memory_space<vmem>> -> memref<128x48xf32, #tpu.memory_space<vmem>>
      %dma_wait3A_475 = arith.constant 0 : i32
      %dma_wait3A_476 = tpu.memref_slice %arg9[%add3A_468, %dma_wait3A_475] : memref<80x128xi32, #tpu.memory_space<vmem>> -> memref<1x128xi32, #tpu.memory_space<vmem>>
      %dma_wait3A_477 = tpu.memref_squeeze %dma_wait3A_476 : memref<1x128xi32, #tpu.memory_space<vmem>> -> memref<128xi32, #tpu.memory_space<vmem>>
      %dma_wait3A_478 = arith.constant 0 : i32
      %dma_wait3A_479 = arith.constant 0 : i32
      %dma_wait3A_480 = tpu.memref_slice %arg6[%dma_wait3A_478, %dma_wait3A_479] : memref<10240x48xf32, #tpu.memory_space<vmem_shared>> -> memref<10240x48xf32, #tpu.memory_space<vmem_shared>>
      %dma_wait3A_481 = tpu.memref_slice %arg13[%dma_wait3A_470] : memref<4x!tpu.dma_semaphore, #tpu.memory_space<semaphore_mem>> -> memref<1x!tpu.dma_semaphore, #tpu.memory_space<semaphore_mem>>
      %dma_wait3A_482 = tpu.memref_squeeze %dma_wait3A_481 : memref<1x!tpu.dma_semaphore, #tpu.memory_space<semaphore_mem>> -> memref<!tpu.dma_semaphore, #tpu.memory_space<semaphore_mem>>
      tpu.wait_indirect_dma semaphore(%dma_wait3A_482 : memref<!tpu.dma_semaphore, #tpu.memory_space<semaphore_mem>>) src(%dma_wait3A_474 : memref<128x48xf32, #tpu.memory_space<vmem>>) dst(%dma_wait3A_480 : memref<10240x48xf32, #tpu.memory_space<vmem_shared>>)
      %add3A_483 = arith.constant 4 : i32
      %add3A_484 = arith.addi %mul3A_270, %add3A_483 : i32
      %add3A_485 = arith.constant 2 : i32
      %add3A_486 = arith.addi %add3A_484, %add3A_485 : i32
      %dma_start3A_487 = arith.constant 2 : i32
      %dma_start3A_488 = arith.constant 2 : i32
      %dma_start3A_489 = arith.constant 0 : i32
      %dma_start3A_490 = arith.constant 0 : i32
      %dma_start3A_491 = tpu.memref_slice %arg10[%dma_start3A_487, %dma_start3A_489, %dma_start3A_490] : memref<4x128x48xf32, #tpu.memory_space<vmem>> -> memref<1x128x48xf32, #tpu.memory_space<vmem>>
      %dma_start3A_492 = tpu.memref_squeeze %dma_start3A_491 : memref<1x128x48xf32, #tpu.memory_space<vmem>> -> memref<128x48xf32, #tpu.memory_space<vmem>>
      %dma_start3A_493 = arith.constant 0 : i32
      %dma_start3A_494 = tpu.memref_slice %arg8[%add3A_486, %dma_start3A_493] : memref<80x128xi32, #tpu.memory_space<vmem>> -> memref<1x128xi32, #tpu.memory_space<vmem>>
      %dma_start3A_495 = tpu.memref_squeeze %dma_start3A_494 : memref<1x128xi32, #tpu.memory_space<vmem>> -> memref<128xi32, #tpu.memory_space<vmem>>
      %dma_start3A_496 = arith.constant 0 : i32
      %dma_start3A_497 = arith.constant 0 : i32
      %dma_start3A_498 = tpu.memref_slice %arg7[%dma_start3A_496, %dma_start3A_497] : memref<10000x48xf32, #tpu.memory_space<vmem_shared>> -> memref<10000x48xf32, #tpu.memory_space<vmem_shared>>
      %dma_start3A_499 = tpu.memref_slice %arg12[%dma_start3A_488] : memref<4x!tpu.dma_semaphore, #tpu.memory_space<semaphore_mem>> -> memref<1x!tpu.dma_semaphore, #tpu.memory_space<semaphore_mem>>
      %dma_start3A_500 = tpu.memref_squeeze %dma_start3A_499 : memref<1x!tpu.dma_semaphore, #tpu.memory_space<semaphore_mem>> -> memref<!tpu.dma_semaphore, #tpu.memory_space<semaphore_mem>>
      tpu.enqueue_indirect_dma source(%dma_start3A_498 : memref<10000x48xf32, #tpu.memory_space<vmem_shared>>) target(%dma_start3A_492 : memref<128x48xf32, #tpu.memory_space<vmem>>) offsets(%dma_start3A_495 : memref<128xi32, #tpu.memory_space<vmem>>) semaphore(%dma_start3A_500 : memref<!tpu.dma_semaphore, #tpu.memory_space<semaphore_mem>>)
      %add3A_501 = arith.constant 3 : i32
      %add3A_502 = arith.addi %mul3A_270, %add3A_501 : i32
      %dma_wait3A_503 = arith.constant 3 : i32
      %dma_wait3A_504 = arith.constant 3 : i32
      %dma_wait3A_505 = arith.constant 0 : i32
      %dma_wait3A_506 = arith.constant 0 : i32
      %dma_wait3A_507 = tpu.memref_slice %arg10[%dma_wait3A_503, %dma_wait3A_505, %dma_wait3A_506] : memref<4x128x48xf32, #tpu.memory_space<vmem>> -> memref<1x128x48xf32, #tpu.memory_space<vmem>>
      %dma_wait3A_508 = tpu.memref_squeeze %dma_wait3A_507 : memref<1x128x48xf32, #tpu.memory_space<vmem>> -> memref<128x48xf32, #tpu.memory_space<vmem>>
      %dma_wait3A_509 = arith.constant 0 : i32
      %dma_wait3A_510 = tpu.memref_slice %arg9[%add3A_502, %dma_wait3A_509] : memref<80x128xi32, #tpu.memory_space<vmem>> -> memref<1x128xi32, #tpu.memory_space<vmem>>
      %dma_wait3A_511 = tpu.memref_squeeze %dma_wait3A_510 : memref<1x128xi32, #tpu.memory_space<vmem>> -> memref<128xi32, #tpu.memory_space<vmem>>
      %dma_wait3A_512 = arith.constant 0 : i32
      %dma_wait3A_513 = arith.constant 0 : i32
      %dma_wait3A_514 = tpu.memref_slice %arg6[%dma_wait3A_512, %dma_wait3A_513] : memref<10240x48xf32, #tpu.memory_space<vmem_shared>> -> memref<10240x48xf32, #tpu.memory_space<vmem_shared>>
      %dma_wait3A_515 = tpu.memref_slice %arg13[%dma_wait3A_504] : memref<4x!tpu.dma_semaphore, #tpu.memory_space<semaphore_mem>> -> memref<1x!tpu.dma_semaphore, #tpu.memory_space<semaphore_mem>>
      %dma_wait3A_516 = tpu.memref_squeeze %dma_wait3A_515 : memref<1x!tpu.dma_semaphore, #tpu.memory_space<semaphore_mem>> -> memref<!tpu.dma_semaphore, #tpu.memory_space<semaphore_mem>>
      tpu.wait_indirect_dma semaphore(%dma_wait3A_516 : memref<!tpu.dma_semaphore, #tpu.memory_space<semaphore_mem>>) src(%dma_wait3A_508 : memref<128x48xf32, #tpu.memory_space<vmem>>) dst(%dma_wait3A_514 : memref<10240x48xf32, #tpu.memory_space<vmem_shared>>)
      %add3A_517 = arith.constant 4 : i32
      %add3A_518 = arith.addi %mul3A_270, %add3A_517 : i32
      %add3A_519 = arith.constant 3 : i32
      %add3A_520 = arith.addi %add3A_518, %add3A_519 : i32
      %dma_start3A_521 = arith.constant 3 : i32
      %dma_start3A_522 = arith.constant 3 : i32
      %dma_start3A_523 = arith.constant 0 : i32
      %dma_start3A_524 = arith.constant 0 : i32
      %dma_start3A_525 = tpu.memref_slice %arg10[%dma_start3A_521, %dma_start3A_523, %dma_start3A_524] : memref<4x128x48xf32, #tpu.memory_space<vmem>> -> memref<1x128x48xf32, #tpu.memory_space<vmem>>
      %dma_start3A_526 = tpu.memref_squeeze %dma_start3A_525 : memref<1x128x48xf32, #tpu.memory_space<vmem>> -> memref<128x48xf32, #tpu.memory_space<vmem>>
      %dma_start3A_527 = arith.constant 0 : i32
      %dma_start3A_528 = tpu.memref_slice %arg8[%add3A_520, %dma_start3A_527] : memref<80x128xi32, #tpu.memory_space<vmem>> -> memref<1x128xi32, #tpu.memory_space<vmem>>
      %dma_start3A_529 = tpu.memref_squeeze %dma_start3A_528 : memref<1x128xi32, #tpu.memory_space<vmem>> -> memref<128xi32, #tpu.memory_space<vmem>>
      %dma_start3A_530 = arith.constant 0 : i32
      %dma_start3A_531 = arith.constant 0 : i32
      %dma_start3A_532 = tpu.memref_slice %arg7[%dma_start3A_530, %dma_start3A_531] : memref<10000x48xf32, #tpu.memory_space<vmem_shared>> -> memref<10000x48xf32, #tpu.memory_space<vmem_shared>>
      %dma_start3A_533 = tpu.memref_slice %arg12[%dma_start3A_522] : memref<4x!tpu.dma_semaphore, #tpu.memory_space<semaphore_mem>> -> memref<1x!tpu.dma_semaphore, #tpu.memory_space<semaphore_mem>>
      %dma_start3A_534 = tpu.memref_squeeze %dma_start3A_533 : memref<1x!tpu.dma_semaphore, #tpu.memory_space<semaphore_mem>> -> memref<!tpu.dma_semaphore, #tpu.memory_space<semaphore_mem>>
      tpu.enqueue_indirect_dma source(%dma_start3A_532 : memref<10000x48xf32, #tpu.memory_space<vmem_shared>>) target(%dma_start3A_526 : memref<128x48xf32, #tpu.memory_space<vmem>>) offsets(%dma_start3A_529 : memref<128xi32, #tpu.memory_space<vmem>>) semaphore(%dma_start3A_534 : memref<!tpu.dma_semaphore, #tpu.memory_space<semaphore_mem>>)
    }
    %scan3A_79 = arith.constant 19 : i32
    %dma_wait3A = arith.constant 76 : i32
    %dma_wait3A_80 = arith.constant 0 : i32
    %dma_wait3A_81 = arith.constant 0 : i32
    %dma_wait3A_82 = arith.constant 0 : i32
    %dma_wait3A_83 = arith.constant 0 : i32
    %dma_wait3A_84 = tpu.memref_slice %arg10[%dma_wait3A_80, %dma_wait3A_82, %dma_wait3A_83] : memref<4x128x48xf32, #tpu.memory_space<vmem>> -> memref<1x128x48xf32, #tpu.memory_space<vmem>>
    %dma_wait3A_85 = tpu.memref_squeeze %dma_wait3A_84 : memref<1x128x48xf32, #tpu.memory_space<vmem>> -> memref<128x48xf32, #tpu.memory_space<vmem>>
    %dma_wait3A_86 = arith.constant 0 : i32
    %dma_wait3A_87 = tpu.memref_slice %arg8[%dma_wait3A, %dma_wait3A_86] : memref<80x128xi32, #tpu.memory_space<vmem>> -> memref<1x128xi32, #tpu.memory_space<vmem>>
    %dma_wait3A_88 = tpu.memref_squeeze %dma_wait3A_87 : memref<1x128xi32, #tpu.memory_space<vmem>> -> memref<128xi32, #tpu.memory_space<vmem>>
    %dma_wait3A_89 = arith.constant 0 : i32
    %dma_wait3A_90 = arith.constant 0 : i32
    %dma_wait3A_91 = tpu.memref_slice %arg7[%dma_wait3A_89, %dma_wait3A_90] : memref<10000x48xf32, #tpu.memory_space<vmem_shared>> -> memref<10000x48xf32, #tpu.memory_space<vmem_shared>>
    %dma_wait3A_92 = tpu.memref_slice %arg12[%dma_wait3A_81] : memref<4x!tpu.dma_semaphore, #tpu.memory_space<semaphore_mem>> -> memref<1x!tpu.dma_semaphore, #tpu.memory_space<semaphore_mem>>
    %dma_wait3A_93 = tpu.memref_squeeze %dma_wait3A_92 : memref<1x!tpu.dma_semaphore, #tpu.memory_space<semaphore_mem>> -> memref<!tpu.dma_semaphore, #tpu.memory_space<semaphore_mem>>
    tpu.wait_indirect_dma semaphore(%dma_wait3A_93 : memref<!tpu.dma_semaphore, #tpu.memory_space<semaphore_mem>>) src(%dma_wait3A_91 : memref<10000x48xf32, #tpu.memory_space<vmem_shared>>) dst(%dma_wait3A_85 : memref<128x48xf32, #tpu.memory_space<vmem>>)
    %dma_start3A_94 = arith.constant 0 : i32
    %dma_start3A_95 = arith.constant 76 : i32
    %dma_start3A_96 = arith.constant 0 : i32
    %dma_start3A_97 = arith.constant 0 : i32
    %dma_start3A_98 = arith.constant 0 : i32
    %dma_start3A_99 = tpu.memref_slice %arg10[%dma_start3A_94, %dma_start3A_97, %dma_start3A_98] : memref<4x128x48xf32, #tpu.memory_space<vmem>> -> memref<1x128x48xf32, #tpu.memory_space<vmem>>
    %dma_start3A_100 = tpu.memref_squeeze %dma_start3A_99 : memref<1x128x48xf32, #tpu.memory_space<vmem>> -> memref<128x48xf32, #tpu.memory_space<vmem>>
    %dma_start3A_101 = arith.constant 0 : i32
    %dma_start3A_102 = tpu.memref_slice %arg9[%dma_start3A_95, %dma_start3A_101] : memref<80x128xi32, #tpu.memory_space<vmem>> -> memref<1x128xi32, #tpu.memory_space<vmem>>
    %dma_start3A_103 = tpu.memref_squeeze %dma_start3A_102 : memref<1x128xi32, #tpu.memory_space<vmem>> -> memref<128xi32, #tpu.memory_space<vmem>>
    %dma_start3A_104 = arith.constant 0 : i32
    %dma_start3A_105 = arith.constant 0 : i32
    %dma_start3A_106 = tpu.memref_slice %arg6[%dma_start3A_104, %dma_start3A_105] : memref<10240x48xf32, #tpu.memory_space<vmem_shared>> -> memref<10240x48xf32, #tpu.memory_space<vmem_shared>>
    %dma_start3A_107 = tpu.memref_slice %arg13[%dma_start3A_96] : memref<4x!tpu.dma_semaphore, #tpu.memory_space<semaphore_mem>> -> memref<1x!tpu.dma_semaphore, #tpu.memory_space<semaphore_mem>>
    %dma_start3A_108 = tpu.memref_squeeze %dma_start3A_107 : memref<1x!tpu.dma_semaphore, #tpu.memory_space<semaphore_mem>> -> memref<!tpu.dma_semaphore, #tpu.memory_space<semaphore_mem>>
    tpu.enqueue_indirect_dma source(%dma_start3A_100 : memref<128x48xf32, #tpu.memory_space<vmem>>) target(%dma_start3A_106 : memref<10240x48xf32, #tpu.memory_space<vmem_shared>>) offsets(%dma_start3A_103 : memref<128xi32, #tpu.memory_space<vmem>>) semaphore(%dma_start3A_108 : memref<!tpu.dma_semaphore, #tpu.memory_space<semaphore_mem>>) {add = true}
    %dma_wait3A_109 = arith.constant 77 : i32
    %dma_wait3A_110 = arith.constant 1 : i32
    %dma_wait3A_111 = arith.constant 1 : i32
    %dma_wait3A_112 = arith.constant 0 : i32
    %dma_wait3A_113 = arith.constant 0 : i32
    %dma_wait3A_114 = tpu.memref_slice %arg10[%dma_wait3A_110, %dma_wait3A_112, %dma_wait3A_113] : memref<4x128x48xf32, #tpu.memory_space<vmem>> -> memref<1x128x48xf32, #tpu.memory_space<vmem>>
    %dma_wait3A_115 = tpu.memref_squeeze %dma_wait3A_114 : memref<1x128x48xf32, #tpu.memory_space<vmem>> -> memref<128x48xf32, #tpu.memory_space<vmem>>
    %dma_wait3A_116 = arith.constant 0 : i32
    %dma_wait3A_117 = tpu.memref_slice %arg8[%dma_wait3A_109, %dma_wait3A_116] : memref<80x128xi32, #tpu.memory_space<vmem>> -> memref<1x128xi32, #tpu.memory_space<vmem>>
    %dma_wait3A_118 = tpu.memref_squeeze %dma_wait3A_117 : memref<1x128xi32, #tpu.memory_space<vmem>> -> memref<128xi32, #tpu.memory_space<vmem>>
    %dma_wait3A_119 = arith.constant 0 : i32
    %dma_wait3A_120 = arith.constant 0 : i32
    %dma_wait3A_121 = tpu.memref_slice %arg7[%dma_wait3A_119, %dma_wait3A_120] : memref<10000x48xf32, #tpu.memory_space<vmem_shared>> -> memref<10000x48xf32, #tpu.memory_space<vmem_shared>>
    %dma_wait3A_122 = tpu.memref_slice %arg12[%dma_wait3A_111] : memref<4x!tpu.dma_semaphore, #tpu.memory_space<semaphore_mem>> -> memref<1x!tpu.dma_semaphore, #tpu.memory_space<semaphore_mem>>
    %dma_wait3A_123 = tpu.memref_squeeze %dma_wait3A_122 : memref<1x!tpu.dma_semaphore, #tpu.memory_space<semaphore_mem>> -> memref<!tpu.dma_semaphore, #tpu.memory_space<semaphore_mem>>
    tpu.wait_indirect_dma semaphore(%dma_wait3A_123 : memref<!tpu.dma_semaphore, #tpu.memory_space<semaphore_mem>>) src(%dma_wait3A_121 : memref<10000x48xf32, #tpu.memory_space<vmem_shared>>) dst(%dma_wait3A_115 : memref<128x48xf32, #tpu.memory_space<vmem>>)
    %dma_start3A_124 = arith.constant 1 : i32
    %dma_start3A_125 = arith.constant 77 : i32
    %dma_start3A_126 = arith.constant 1 : i32
    %dma_start3A_127 = arith.constant 0 : i32
    %dma_start3A_128 = arith.constant 0 : i32
    %dma_start3A_129 = tpu.memref_slice %arg10[%dma_start3A_124, %dma_start3A_127, %dma_start3A_128] : memref<4x128x48xf32, #tpu.memory_space<vmem>> -> memref<1x128x48xf32, #tpu.memory_space<vmem>>
    %dma_start3A_130 = tpu.memref_squeeze %dma_start3A_129 : memref<1x128x48xf32, #tpu.memory_space<vmem>> -> memref<128x48xf32, #tpu.memory_space<vmem>>
    %dma_start3A_131 = arith.constant 0 : i32
    %dma_start3A_132 = tpu.memref_slice %arg9[%dma_start3A_125, %dma_start3A_131] : memref<80x128xi32, #tpu.memory_space<vmem>> -> memref<1x128xi32, #tpu.memory_space<vmem>>
    %dma_start3A_133 = tpu.memref_squeeze %dma_start3A_132 : memref<1x128xi32, #tpu.memory_space<vmem>> -> memref<128xi32, #tpu.memory_space<vmem>>
    %dma_start3A_134 = arith.constant 0 : i32
    %dma_start3A_135 = arith.constant 0 : i32
    %dma_start3A_136 = tpu.memref_slice %arg6[%dma_start3A_134, %dma_start3A_135] : memref<10240x48xf32, #tpu.memory_space<vmem_shared>> -> memref<10240x48xf32, #tpu.memory_space<vmem_shared>>
    %dma_start3A_137 = tpu.memref_slice %arg13[%dma_start3A_126] : memref<4x!tpu.dma_semaphore, #tpu.memory_space<semaphore_mem>> -> memref<1x!tpu.dma_semaphore, #tpu.memory_space<semaphore_mem>>
    %dma_start3A_138 = tpu.memref_squeeze %dma_start3A_137 : memref<1x!tpu.dma_semaphore, #tpu.memory_space<semaphore_mem>> -> memref<!tpu.dma_semaphore, #tpu.memory_space<semaphore_mem>>
    tpu.enqueue_indirect_dma source(%dma_start3A_130 : memref<128x48xf32, #tpu.memory_space<vmem>>) target(%dma_start3A_136 : memref<10240x48xf32, #tpu.memory_space<vmem_shared>>) offsets(%dma_start3A_133 : memref<128xi32, #tpu.memory_space<vmem>>) semaphore(%dma_start3A_138 : memref<!tpu.dma_semaphore, #tpu.memory_space<semaphore_mem>>) {add = true}
    %dma_wait3A_139 = arith.constant 78 : i32
    %dma_wait3A_140 = arith.constant 2 : i32
    %dma_wait3A_141 = arith.constant 2 : i32
    %dma_wait3A_142 = arith.constant 0 : i32
    %dma_wait3A_143 = arith.constant 0 : i32
    %dma_wait3A_144 = tpu.memref_slice %arg10[%dma_wait3A_140, %dma_wait3A_142, %dma_wait3A_143] : memref<4x128x48xf32, #tpu.memory_space<vmem>> -> memref<1x128x48xf32, #tpu.memory_space<vmem>>
    %dma_wait3A_145 = tpu.memref_squeeze %dma_wait3A_144 : memref<1x128x48xf32, #tpu.memory_space<vmem>> -> memref<128x48xf32, #tpu.memory_space<vmem>>
    %dma_wait3A_146 = arith.constant 0 : i32
    %dma_wait3A_147 = tpu.memref_slice %arg8[%dma_wait3A_139, %dma_wait3A_146] : memref<80x128xi32, #tpu.memory_space<vmem>> -> memref<1x128xi32, #tpu.memory_space<vmem>>
    %dma_wait3A_148 = tpu.memref_squeeze %dma_wait3A_147 : memref<1x128xi32, #tpu.memory_space<vmem>> -> memref<128xi32, #tpu.memory_space<vmem>>
    %dma_wait3A_149 = arith.constant 0 : i32
    %dma_wait3A_150 = arith.constant 0 : i32
    %dma_wait3A_151 = tpu.memref_slice %arg7[%dma_wait3A_149, %dma_wait3A_150] : memref<10000x48xf32, #tpu.memory_space<vmem_shared>> -> memref<10000x48xf32, #tpu.memory_space<vmem_shared>>
    %dma_wait3A_152 = tpu.memref_slice %arg12[%dma_wait3A_141] : memref<4x!tpu.dma_semaphore, #tpu.memory_space<semaphore_mem>> -> memref<1x!tpu.dma_semaphore, #tpu.memory_space<semaphore_mem>>
    %dma_wait3A_153 = tpu.memref_squeeze %dma_wait3A_152 : memref<1x!tpu.dma_semaphore, #tpu.memory_space<semaphore_mem>> -> memref<!tpu.dma_semaphore, #tpu.memory_space<semaphore_mem>>
    tpu.wait_indirect_dma semaphore(%dma_wait3A_153 : memref<!tpu.dma_semaphore, #tpu.memory_space<semaphore_mem>>) src(%dma_wait3A_151 : memref<10000x48xf32, #tpu.memory_space<vmem_shared>>) dst(%dma_wait3A_145 : memref<128x48xf32, #tpu.memory_space<vmem>>)
    %dma_start3A_154 = arith.constant 2 : i32
    %dma_start3A_155 = arith.constant 78 : i32
    %dma_start3A_156 = arith.constant 2 : i32
    %dma_start3A_157 = arith.constant 0 : i32
    %dma_start3A_158 = arith.constant 0 : i32
    %dma_start3A_159 = tpu.memref_slice %arg10[%dma_start3A_154, %dma_start3A_157, %dma_start3A_158] : memref<4x128x48xf32, #tpu.memory_space<vmem>> -> memref<1x128x48xf32, #tpu.memory_space<vmem>>
    %dma_start3A_160 = tpu.memref_squeeze %dma_start3A_159 : memref<1x128x48xf32, #tpu.memory_space<vmem>> -> memref<128x48xf32, #tpu.memory_space<vmem>>
    %dma_start3A_161 = arith.constant 0 : i32
    %dma_start3A_162 = tpu.memref_slice %arg9[%dma_start3A_155, %dma_start3A_161] : memref<80x128xi32, #tpu.memory_space<vmem>> -> memref<1x128xi32, #tpu.memory_space<vmem>>
    %dma_start3A_163 = tpu.memref_squeeze %dma_start3A_162 : memref<1x128xi32, #tpu.memory_space<vmem>> -> memref<128xi32, #tpu.memory_space<vmem>>
    %dma_start3A_164 = arith.constant 0 : i32
    %dma_start3A_165 = arith.constant 0 : i32
    %dma_start3A_166 = tpu.memref_slice %arg6[%dma_start3A_164, %dma_start3A_165] : memref<10240x48xf32, #tpu.memory_space<vmem_shared>> -> memref<10240x48xf32, #tpu.memory_space<vmem_shared>>
    %dma_start3A_167 = tpu.memref_slice %arg13[%dma_start3A_156] : memref<4x!tpu.dma_semaphore, #tpu.memory_space<semaphore_mem>> -> memref<1x!tpu.dma_semaphore, #tpu.memory_space<semaphore_mem>>
    %dma_start3A_168 = tpu.memref_squeeze %dma_start3A_167 : memref<1x!tpu.dma_semaphore, #tpu.memory_space<semaphore_mem>> -> memref<!tpu.dma_semaphore, #tpu.memory_space<semaphore_mem>>
    tpu.enqueue_indirect_dma source(%dma_start3A_160 : memref<128x48xf32, #tpu.memory_space<vmem>>) target(%dma_start3A_166 : memref<10240x48xf32, #tpu.memory_space<vmem_shared>>) offsets(%dma_start3A_163 : memref<128xi32, #tpu.memory_space<vmem>>) semaphore(%dma_start3A_168 : memref<!tpu.dma_semaphore, #tpu.memory_space<semaphore_mem>>) {add = true}
    %dma_wait3A_169 = arith.constant 79 : i32
    %dma_wait3A_170 = arith.constant 3 : i32
    %dma_wait3A_171 = arith.constant 3 : i32
    %dma_wait3A_172 = arith.constant 0 : i32
    %dma_wait3A_173 = arith.constant 0 : i32
    %dma_wait3A_174 = tpu.memref_slice %arg10[%dma_wait3A_170, %dma_wait3A_172, %dma_wait3A_173] : memref<4x128x48xf32, #tpu.memory_space<vmem>> -> memref<1x128x48xf32, #tpu.memory_space<vmem>>
    %dma_wait3A_175 = tpu.memref_squeeze %dma_wait3A_174 : memref<1x128x48xf32, #tpu.memory_space<vmem>> -> memref<128x48xf32, #tpu.memory_space<vmem>>
    %dma_wait3A_176 = arith.constant 0 : i32
    %dma_wait3A_177 = tpu.memref_slice %arg8[%dma_wait3A_169, %dma_wait3A_176] : memref<80x128xi32, #tpu.memory_space<vmem>> -> memref<1x128xi32, #tpu.memory_space<vmem>>
    %dma_wait3A_178 = tpu.memref_squeeze %dma_wait3A_177 : memref<1x128xi32, #tpu.memory_space<vmem>> -> memref<128xi32, #tpu.memory_space<vmem>>
    %dma_wait3A_179 = arith.constant 0 : i32
    %dma_wait3A_180 = arith.constant 0 : i32
    %dma_wait3A_181 = tpu.memref_slice %arg7[%dma_wait3A_179, %dma_wait3A_180] : memref<10000x48xf32, #tpu.memory_space<vmem_shared>> -> memref<10000x48xf32, #tpu.memory_space<vmem_shared>>
    %dma_wait3A_182 = tpu.memref_slice %arg12[%dma_wait3A_171] : memref<4x!tpu.dma_semaphore, #tpu.memory_space<semaphore_mem>> -> memref<1x!tpu.dma_semaphore, #tpu.memory_space<semaphore_mem>>
    %dma_wait3A_183 = tpu.memref_squeeze %dma_wait3A_182 : memref<1x!tpu.dma_semaphore, #tpu.memory_space<semaphore_mem>> -> memref<!tpu.dma_semaphore, #tpu.memory_space<semaphore_mem>>
    tpu.wait_indirect_dma semaphore(%dma_wait3A_183 : memref<!tpu.dma_semaphore, #tpu.memory_space<semaphore_mem>>) src(%dma_wait3A_181 : memref<10000x48xf32, #tpu.memory_space<vmem_shared>>) dst(%dma_wait3A_175 : memref<128x48xf32, #tpu.memory_space<vmem>>)
    %dma_start3A_184 = arith.constant 3 : i32
    %dma_start3A_185 = arith.constant 79 : i32
    %dma_start3A_186 = arith.constant 3 : i32
    %dma_start3A_187 = arith.constant 0 : i32
    %dma_start3A_188 = arith.constant 0 : i32
    %dma_start3A_189 = tpu.memref_slice %arg10[%dma_start3A_184, %dma_start3A_187, %dma_start3A_188] : memref<4x128x48xf32, #tpu.memory_space<vmem>> -> memref<1x128x48xf32, #tpu.memory_space<vmem>>
    %dma_start3A_190 = tpu.memref_squeeze %dma_start3A_189 : memref<1x128x48xf32, #tpu.memory_space<vmem>> -> memref<128x48xf32, #tpu.memory_space<vmem>>
    %dma_start3A_191 = arith.constant 0 : i32
    %dma_start3A_192 = tpu.memref_slice %arg9[%dma_start3A_185, %dma_start3A_191] : memref<80x128xi32, #tpu.memory_space<vmem>> -> memref<1x128xi32, #tpu.memory_space<vmem>>
    %dma_start3A_193 = tpu.memref_squeeze %dma_start3A_192 : memref<1x128xi32, #tpu.memory_space<vmem>> -> memref<128xi32, #tpu.memory_space<vmem>>
    %dma_start3A_194 = arith.constant 0 : i32
    %dma_start3A_195 = arith.constant 0 : i32
    %dma_start3A_196 = tpu.memref_slice %arg6[%dma_start3A_194, %dma_start3A_195] : memref<10240x48xf32, #tpu.memory_space<vmem_shared>> -> memref<10240x48xf32, #tpu.memory_space<vmem_shared>>
    %dma_start3A_197 = tpu.memref_slice %arg13[%dma_start3A_186] : memref<4x!tpu.dma_semaphore, #tpu.memory_space<semaphore_mem>> -> memref<1x!tpu.dma_semaphore, #tpu.memory_space<semaphore_mem>>
    %dma_start3A_198 = tpu.memref_squeeze %dma_start3A_197 : memref<1x!tpu.dma_semaphore, #tpu.memory_space<semaphore_mem>> -> memref<!tpu.dma_semaphore, #tpu.memory_space<semaphore_mem>>
    tpu.enqueue_indirect_dma source(%dma_start3A_190 : memref<128x48xf32, #tpu.memory_space<vmem>>) target(%dma_start3A_196 : memref<10240x48xf32, #tpu.memory_space<vmem_shared>>) offsets(%dma_start3A_193 : memref<128xi32, #tpu.memory_space<vmem>>) semaphore(%dma_start3A_198 : memref<!tpu.dma_semaphore, #tpu.memory_space<semaphore_mem>>) {add = true}
    %dma_wait3A_199 = arith.constant 0 : i32
    %dma_wait3A_200 = arith.constant 76 : i32
    %dma_wait3A_201 = arith.constant 0 : i32
    %dma_wait3A_202 = arith.constant 0 : i32
    %dma_wait3A_203 = arith.constant 0 : i32
    %dma_wait3A_204 = tpu.memref_slice %arg10[%dma_wait3A_199, %dma_wait3A_202, %dma_wait3A_203] : memref<4x128x48xf32, #tpu.memory_space<vmem>> -> memref<1x128x48xf32, #tpu.memory_space<vmem>>
    %dma_wait3A_205 = tpu.memref_squeeze %dma_wait3A_204 : memref<1x128x48xf32, #tpu.memory_space<vmem>> -> memref<128x48xf32, #tpu.memory_space<vmem>>
    %dma_wait3A_206 = arith.constant 0 : i32
    %dma_wait3A_207 = tpu.memref_slice %arg9[%dma_wait3A_200, %dma_wait3A_206] : memref<80x128xi32, #tpu.memory_space<vmem>> -> memref<1x128xi32, #tpu.memory_space<vmem>>
    %dma_wait3A_208 = tpu.memref_squeeze %dma_wait3A_207 : memref<1x128xi32, #tpu.memory_space<vmem>> -> memref<128xi32, #tpu.memory_space<vmem>>
    %dma_wait3A_209 = arith.constant 0 : i32
    %dma_wait3A_210 = arith.constant 0 : i32
    %dma_wait3A_211 = tpu.memref_slice %arg6[%dma_wait3A_209, %dma_wait3A_210] : memref<10240x48xf32, #tpu.memory_space<vmem_shared>> -> memref<10240x48xf32, #tpu.memory_space<vmem_shared>>
    %dma_wait3A_212 = tpu.memref_slice %arg13[%dma_wait3A_201] : memref<4x!tpu.dma_semaphore, #tpu.memory_space<semaphore_mem>> -> memref<1x!tpu.dma_semaphore, #tpu.memory_space<semaphore_mem>>
    %dma_wait3A_213 = tpu.memref_squeeze %dma_wait3A_212 : memref<1x!tpu.dma_semaphore, #tpu.memory_space<semaphore_mem>> -> memref<!tpu.dma_semaphore, #tpu.memory_space<semaphore_mem>>
    tpu.wait_indirect_dma semaphore(%dma_wait3A_213 : memref<!tpu.dma_semaphore, #tpu.memory_space<semaphore_mem>>) src(%dma_wait3A_205 : memref<128x48xf32, #tpu.memory_space<vmem>>) dst(%dma_wait3A_211 : memref<10240x48xf32, #tpu.memory_space<vmem_shared>>)
    %dma_wait3A_214 = arith.constant 1 : i32
    %dma_wait3A_215 = arith.constant 77 : i32
    %dma_wait3A_216 = arith.constant 1 : i32
    %dma_wait3A_217 = arith.constant 0 : i32
    %dma_wait3A_218 = arith.constant 0 : i32
    %dma_wait3A_219 = tpu.memref_slice %arg10[%dma_wait3A_214, %dma_wait3A_217, %dma_wait3A_218] : memref<4x128x48xf32, #tpu.memory_space<vmem>> -> memref<1x128x48xf32, #tpu.memory_space<vmem>>
    %dma_wait3A_220 = tpu.memref_squeeze %dma_wait3A_219 : memref<1x128x48xf32, #tpu.memory_space<vmem>> -> memref<128x48xf32, #tpu.memory_space<vmem>>
    %dma_wait3A_221 = arith.constant 0 : i32
    %dma_wait3A_222 = tpu.memref_slice %arg9[%dma_wait3A_215, %dma_wait3A_221] : memref<80x128xi32, #tpu.memory_space<vmem>> -> memref<1x128xi32, #tpu.memory_space<vmem>>
    %dma_wait3A_223 = tpu.memref_squeeze %dma_wait3A_222 : memref<1x128xi32, #tpu.memory_space<vmem>> -> memref<128xi32, #tpu.memory_space<vmem>>
    %dma_wait3A_224 = arith.constant 0 : i32
    %dma_wait3A_225 = arith.constant 0 : i32
    %dma_wait3A_226 = tpu.memref_slice %arg6[%dma_wait3A_224, %dma_wait3A_225] : memref<10240x48xf32, #tpu.memory_space<vmem_shared>> -> memref<10240x48xf32, #tpu.memory_space<vmem_shared>>
    %dma_wait3A_227 = tpu.memref_slice %arg13[%dma_wait3A_216] : memref<4x!tpu.dma_semaphore, #tpu.memory_space<semaphore_mem>> -> memref<1x!tpu.dma_semaphore, #tpu.memory_space<semaphore_mem>>
    %dma_wait3A_228 = tpu.memref_squeeze %dma_wait3A_227 : memref<1x!tpu.dma_semaphore, #tpu.memory_space<semaphore_mem>> -> memref<!tpu.dma_semaphore, #tpu.memory_space<semaphore_mem>>
    tpu.wait_indirect_dma semaphore(%dma_wait3A_228 : memref<!tpu.dma_semaphore, #tpu.memory_space<semaphore_mem>>) src(%dma_wait3A_220 : memref<128x48xf32, #tpu.memory_space<vmem>>) dst(%dma_wait3A_226 : memref<10240x48xf32, #tpu.memory_space<vmem_shared>>)
    %dma_wait3A_229 = arith.constant 2 : i32
    %dma_wait3A_230 = arith.constant 78 : i32
    %dma_wait3A_231 = arith.constant 2 : i32
    %dma_wait3A_232 = arith.constant 0 : i32
    %dma_wait3A_233 = arith.constant 0 : i32
    %dma_wait3A_234 = tpu.memref_slice %arg10[%dma_wait3A_229, %dma_wait3A_232, %dma_wait3A_233] : memref<4x128x48xf32, #tpu.memory_space<vmem>> -> memref<1x128x48xf32, #tpu.memory_space<vmem>>
    %dma_wait3A_235 = tpu.memref_squeeze %dma_wait3A_234 : memref<1x128x48xf32, #tpu.memory_space<vmem>> -> memref<128x48xf32, #tpu.memory_space<vmem>>
    %dma_wait3A_236 = arith.constant 0 : i32
    %dma_wait3A_237 = tpu.memref_slice %arg9[%dma_wait3A_230, %dma_wait3A_236] : memref<80x128xi32, #tpu.memory_space<vmem>> -> memref<1x128xi32, #tpu.memory_space<vmem>>
    %dma_wait3A_238 = tpu.memref_squeeze %dma_wait3A_237 : memref<1x128xi32, #tpu.memory_space<vmem>> -> memref<128xi32, #tpu.memory_space<vmem>>
    %dma_wait3A_239 = arith.constant 0 : i32
    %dma_wait3A_240 = arith.constant 0 : i32
    %dma_wait3A_241 = tpu.memref_slice %arg6[%dma_wait3A_239, %dma_wait3A_240] : memref<10240x48xf32, #tpu.memory_space<vmem_shared>> -> memref<10240x48xf32, #tpu.memory_space<vmem_shared>>
    %dma_wait3A_242 = tpu.memref_slice %arg13[%dma_wait3A_231] : memref<4x!tpu.dma_semaphore, #tpu.memory_space<semaphore_mem>> -> memref<1x!tpu.dma_semaphore, #tpu.memory_space<semaphore_mem>>
    %dma_wait3A_243 = tpu.memref_squeeze %dma_wait3A_242 : memref<1x!tpu.dma_semaphore, #tpu.memory_space<semaphore_mem>> -> memref<!tpu.dma_semaphore, #tpu.memory_space<semaphore_mem>>
    tpu.wait_indirect_dma semaphore(%dma_wait3A_243 : memref<!tpu.dma_semaphore, #tpu.memory_space<semaphore_mem>>) src(%dma_wait3A_235 : memref<128x48xf32, #tpu.memory_space<vmem>>) dst(%dma_wait3A_241 : memref<10240x48xf32, #tpu.memory_space<vmem_shared>>)
    %dma_wait3A_244 = arith.constant 3 : i32
    %dma_wait3A_245 = arith.constant 79 : i32
    %dma_wait3A_246 = arith.constant 3 : i32
    %dma_wait3A_247 = arith.constant 0 : i32
    %dma_wait3A_248 = arith.constant 0 : i32
    %dma_wait3A_249 = tpu.memref_slice %arg10[%dma_wait3A_244, %dma_wait3A_247, %dma_wait3A_248] : memref<4x128x48xf32, #tpu.memory_space<vmem>> -> memref<1x128x48xf32, #tpu.memory_space<vmem>>
    %dma_wait3A_250 = tpu.memref_squeeze %dma_wait3A_249 : memref<1x128x48xf32, #tpu.memory_space<vmem>> -> memref<128x48xf32, #tpu.memory_space<vmem>>
    %dma_wait3A_251 = arith.constant 0 : i32
    %dma_wait3A_252 = tpu.memref_slice %arg9[%dma_wait3A_245, %dma_wait3A_251] : memref<80x128xi32, #tpu.memory_space<vmem>> -> memref<1x128xi32, #tpu.memory_space<vmem>>
    %dma_wait3A_253 = tpu.memref_squeeze %dma_wait3A_252 : memref<1x128xi32, #tpu.memory_space<vmem>> -> memref<128xi32, #tpu.memory_space<vmem>>
    %dma_wait3A_254 = arith.constant 0 : i32
    %dma_wait3A_255 = arith.constant 0 : i32
    %dma_wait3A_256 = tpu.memref_slice %arg6[%dma_wait3A_254, %dma_wait3A_255] : memref<10240x48xf32, #tpu.memory_space<vmem_shared>> -> memref<10240x48xf32, #tpu.memory_space<vmem_shared>>
    %dma_wait3A_257 = tpu.memref_slice %arg13[%dma_wait3A_246] : memref<4x!tpu.dma_semaphore, #tpu.memory_space<semaphore_mem>> -> memref<1x!tpu.dma_semaphore, #tpu.memory_space<semaphore_mem>>
    %dma_wait3A_258 = tpu.memref_squeeze %dma_wait3A_257 : memref<1x!tpu.dma_semaphore, #tpu.memory_space<semaphore_mem>> -> memref<!tpu.dma_semaphore, #tpu.memory_space<semaphore_mem>>
    tpu.wait_indirect_dma semaphore(%dma_wait3A_258 : memref<!tpu.dma_semaphore, #tpu.memory_space<semaphore_mem>>) src(%dma_wait3A_250 : memref<128x48xf32, #tpu.memory_space<vmem>>) dst(%dma_wait3A_256 : memref<10240x48xf32, #tpu.memory_space<vmem_shared>>)
    %barrier3A_259 = arith.constant 0 : index
    tpu.barrier barrier_id(%barrier3A_259)
    %mul3A_260 = arith.constant 640 : i32
    %mul3A_261 = arith.muli %arg1, %mul3A_260 : i32
    %mul3A_262 = arith.constant 640 : i32
    %mul3A_263 = arith.muli %arg1, %mul3A_262 : i32
    "tpu.region"() ({
      %run_scoped3A = tpu.sem_alloc : memref<!tpu.dma_semaphore, #tpu.memory_space<semaphore_mem>>
      %dma_start3A_264 = arith.constant 0 : i32
      %dma_start3A_265 = arith.constant 0 : i32
      %dma_start3A_266 = tpu.memref_slice %arg5[%arg0, %dma_start3A_264, %dma_start3A_265] : memref<2x10240x48xf32, #tpu.memory_space<hbm>> -> memref<1x10240x48xf32, #tpu.memory_space<hbm>>
      %dma_start3A_267 = tpu.memref_squeeze %dma_start3A_266 : memref<1x10240x48xf32, #tpu.memory_space<hbm>> -> memref<10240x48xf32, #tpu.memory_space<hbm>>
      %dma_start3A_268 = arith.constant 0 : i32
      %dma_start3A_269 = tpu.memref_slice %dma_start3A_267[%mul3A_263, %dma_start3A_268] : memref<10240x48xf32, #tpu.memory_space<hbm>> -> memref<640x48xf32, #tpu.memory_space<hbm>>
      %dma_start3A_270 = arith.constant 0 : i32
      %dma_start3A_271 = tpu.memref_slice %arg6[%mul3A_261, %dma_start3A_270] : memref<10240x48xf32, #tpu.memory_space<vmem_shared>> -> memref<640x48xf32, #tpu.memory_space<vmem_shared>>
      tpu.enqueue_dma source(%dma_start3A_271 : memref<640x48xf32, #tpu.memory_space<vmem_shared>>) target(%dma_start3A_269 : memref<640x48xf32, #tpu.memory_space<hbm>>) target_semaphore(%run_scoped3A : memref<!tpu.dma_semaphore, #tpu.memory_space<semaphore_mem>>)
      %dma_wait3A_272 = arith.constant 0 : i32
      %dma_wait3A_273 = arith.constant 0 : i32
      %dma_wait3A_274 = tpu.memref_slice %arg5[%arg0, %dma_wait3A_272, %dma_wait3A_273] : memref<2x10240x48xf32, #tpu.memory_space<hbm>> -> memref<1x10240x48xf32, #tpu.memory_space<hbm>>
      %dma_wait3A_275 = tpu.memref_squeeze %dma_wait3A_274 : memref<1x10240x48xf32, #tpu.memory_space<hbm>> -> memref<10240x48xf32, #tpu.memory_space<hbm>>
      %dma_wait3A_276 = arith.constant 0 : i32
      %dma_wait3A_277 = tpu.memref_slice %dma_wait3A_275[%mul3A_263, %dma_wait3A_276] : memref<10240x48xf32, #tpu.memory_space<hbm>> -> memref<640x48xf32, #tpu.memory_space<hbm>>
      %dma_wait3A_278 = arith.constant 0 : i32
      %dma_wait3A_279 = tpu.memref_slice %arg6[%mul3A_261, %dma_wait3A_278] : memref<10240x48xf32, #tpu.memory_space<vmem_shared>> -> memref<640x48xf32, #tpu.memory_space<vmem_shared>>
      tpu.wait_dma2 semaphore(%run_scoped3A : memref<!tpu.dma_semaphore, #tpu.memory_space<semaphore_mem>>) src(%dma_wait3A_279 : memref<640x48xf32, #tpu.memory_space<vmem_shared>>) dst(%dma_wait3A_277 : memref<640x48xf32, #tpu.memory_space<hbm>>)
      tpu.yield
    }) : () -> ()
    return
  }
}

#map = affine_map<(d0, d1) -> (0, 0, 0)>
module attributes {stable_mosaic.version = 14 : i64} {
  func.func @body(%arg0: i32, %arg1: i32, %arg2: memref<32x80x128xi32, #tpu.memory_space<hbm>>, %arg3: memref<2x10240x16xf32, #tpu.memory_space<hbm>>, %arg4: memref<10240x16xf32, #tpu.memory_space<vmem_shared>>, %arg5: memref<80x128xi32, #tpu.memory_space<vmem>>, %arg6: memref<128x16xf32, #tpu.memory_space<vmem>>, %arg7: memref<128x16xf32, #tpu.memory_space<vmem>>, %arg8: memref<4x!tpu.dma_semaphore, #tpu.memory_space<semaphore_mem>>) attributes {dimension_semantics = [#tpu.dimension_semantics<core_parallel>, #tpu.dimension_semantics<subcore_parallel>], iteration_bounds = array<i64: 2, 16>, scalar_prefetch = 0 : i64, scratch_operands = 5 : i64, tpu.core_type = #tpu.core_type<sc_vector_subcore>, window_params = [{transform_indices = #map}, {transform_indices = #map}]} {
    %mul3A = arith.constant 2 : i32
    %mul3A_0 = arith.muli %arg1, %mul3A : i32
    %add3A = arith.addi %mul3A_0, %arg0 : i32
    %scan3A = arith.constant 0 : i32
    %scan3A_1 = arith.constant 128 : i32
    %scan3A_2 = arith.addi %scan3A, %scan3A_1 : i32
    %scan3A_3 = arith.constant 1 : i32
    scf.for %scan3A_98 = %scan3A to %scan3A_2 step %scan3A_3  : i32 {
      %mul3A_99 = arith.constant 1 : i32
      %mul3A_100 = arith.muli %scan3A_98, %mul3A_99 : i32
      %add3A_101 = arith.constant 0 : i32
      %add3A_102 = arith.addi %add3A_101, %mul3A_100 : i32
      %broadcast_in_dim3A = arith.constant 1.000000e+00 : f32
      %broadcast_in_dim3A_103 = vector.broadcast %broadcast_in_dim3A : f32 to vector<16xf32>
      %swap3A = arith.index_cast %add3A_102 : i32 to index
      %swap3A_104 = arith.constant 0 : index
      %swap3A_105 = tpu.vector_load %arg6[%swap3A, %swap3A_104] {strides = array<i32>} : memref<128x16xf32, #tpu.memory_space<vmem>>, vector<1x16xf32>,
      %swap3A_106 = vector.shape_cast %swap3A_105 : vector<1x16xf32> to vector<16xf32>
      %swap3A_107 = vector.shape_cast %broadcast_in_dim3A_103 : vector<16xf32> to vector<1x16xf32>
      tpu.vector_store %arg6[%swap3A, %swap3A_104], %swap3A_107 {strides = array<i32>} : memref<128x16xf32, #tpu.memory_space<vmem>>, vector<1x16xf32>,
      %broadcast_in_dim3A_108 = arith.constant 0.000000e+00 : f32
      %broadcast_in_dim3A_109 = vector.broadcast %broadcast_in_dim3A_108 : f32 to vector<16xf32>
      %swap3A_110 = arith.index_cast %add3A_102 : i32 to index
      %swap3A_111 = arith.constant 0 : index
      %swap3A_112 = tpu.vector_load %arg7[%swap3A_110, %swap3A_111] {strides = array<i32>} : memref<128x16xf32, #tpu.memory_space<vmem>>, vector<1x16xf32>,
      %swap3A_113 = vector.shape_cast %swap3A_112 : vector<1x16xf32> to vector<16xf32>
      %swap3A_114 = vector.shape_cast %broadcast_in_dim3A_109 : vector<16xf32> to vector<1x16xf32>
      tpu.vector_store %arg7[%swap3A_110, %swap3A_111], %swap3A_114 {strides = array<i32>} : memref<128x16xf32, #tpu.memory_space<vmem>>, vector<1x16xf32>,
    }
    %scan3A_4 = arith.constant 128 : i32
    %scan3A_5 = arith.constant 0 : i32
    %scan3A_6 = arith.constant 5 : i32
    %scan3A_7 = arith.addi %scan3A_5, %scan3A_6 : i32
    %scan3A_8 = arith.constant 1 : i32
    scf.for %scan3A_98 = %scan3A_5 to %scan3A_7 step %scan3A_8  : i32 {
      %mul3A_99 = arith.constant 1 : i32
      %mul3A_100 = arith.muli %scan3A_98, %mul3A_99 : i32
      %add3A_101 = arith.constant 0 : i32
      %add3A_102 = arith.addi %add3A_101, %mul3A_100 : i32
      %mul3A_103 = arith.constant 640 : i32
      %mul3A_104 = arith.muli %arg1, %mul3A_103 : i32
      %mul3A_105 = arith.constant 128 : i32
      %mul3A_106 = arith.muli %add3A_102, %mul3A_105 : i32
      %add3A_107 = arith.addi %mul3A_104, %mul3A_106 : i32
      "tpu.region"() ({
        %run_scoped3A = tpu.sem_alloc : memref<!tpu.dma_semaphore, #tpu.memory_space<semaphore_mem>>
        %dma_start3A_108 = arith.constant 0 : i32
        %dma_start3A_109 = tpu.memref_slice %arg4[%add3A_107, %dma_start3A_108] : memref<10240x16xf32, #tpu.memory_space<vmem_shared>> -> memref<128x16xf32, #tpu.memory_space<vmem_shared>>
        %dma_start3A_110 = arith.constant 0 : i32
        %dma_start3A_111 = tpu.memref_slice %arg4[%add3A_107, %dma_start3A_110] : memref<10240x16xf32, #tpu.memory_space<vmem_shared>> -> memref<128x16xf32, #tpu.memory_space<vmem_shared>>
        tpu.enqueue_dma source(%arg7 : memref<128x16xf32, #tpu.memory_space<vmem>>) target(%dma_start3A_111 : memref<128x16xf32, #tpu.memory_space<vmem_shared>>) target_semaphore(%run_scoped3A : memref<!tpu.dma_semaphore, #tpu.memory_space<semaphore_mem>>)
        %dma_wait3A_112 = arith.constant 0 : i32
        %dma_wait3A_113 = tpu.memref_slice %arg4[%add3A_107, %dma_wait3A_112] : memref<10240x16xf32, #tpu.memory_space<vmem_shared>> -> memref<128x16xf32, #tpu.memory_space<vmem_shared>>
        %dma_wait3A_114 = arith.constant 0 : i32
        %dma_wait3A_115 = tpu.memref_slice %arg4[%add3A_107, %dma_wait3A_114] : memref<10240x16xf32, #tpu.memory_space<vmem_shared>> -> memref<128x16xf32, #tpu.memory_space<vmem_shared>>
        tpu.wait_dma2 semaphore(%run_scoped3A : memref<!tpu.dma_semaphore, #tpu.memory_space<semaphore_mem>>) src(%arg7 : memref<128x16xf32, #tpu.memory_space<vmem>>) dst(%dma_wait3A_115 : memref<128x16xf32, #tpu.memory_space<vmem_shared>>)
        tpu.yield
      }) : () -> ()
    }
    %scan3A_9 = arith.constant 5 : i32
    %barrier3A = arith.constant 0 : index
    tpu.barrier barrier_id(%barrier3A)
    "tpu.region"() ({
      %run_scoped3A = tpu.sem_alloc : memref<!tpu.dma_semaphore, #tpu.memory_space<semaphore_mem>>
      %dma_start3A_98 = arith.constant 0 : i32
      %dma_start3A_99 = arith.constant 0 : i32
      %dma_start3A_100 = tpu.memref_slice %arg2[%add3A, %dma_start3A_98, %dma_start3A_99] : memref<32x80x128xi32, #tpu.memory_space<hbm>> -> memref<1x80x128xi32, #tpu.memory_space<hbm>>
      %dma_start3A_101 = tpu.memref_squeeze %dma_start3A_100 : memref<1x80x128xi32, #tpu.memory_space<hbm>> -> memref<80x128xi32, #tpu.memory_space<hbm>>
      %dma_start3A_102 = arith.constant 0 : i32
      %dma_start3A_103 = arith.constant 0 : i32
      %dma_start3A_104 = tpu.memref_slice %arg2[%add3A, %dma_start3A_102, %dma_start3A_103] : memref<32x80x128xi32, #tpu.memory_space<hbm>> -> memref<1x80x128xi32, #tpu.memory_space<hbm>>
      %dma_start3A_105 = tpu.memref_squeeze %dma_start3A_104 : memref<1x80x128xi32, #tpu.memory_space<hbm>> -> memref<80x128xi32, #tpu.memory_space<hbm>>
      tpu.enqueue_dma source(%dma_start3A_105 : memref<80x128xi32, #tpu.memory_space<hbm>>) target(%arg5 : memref<80x128xi32, #tpu.memory_space<vmem>>) target_semaphore(%run_scoped3A : memref<!tpu.dma_semaphore, #tpu.memory_space<semaphore_mem>>)
      %dma_wait3A_106 = arith.constant 0 : i32
      %dma_wait3A_107 = arith.constant 0 : i32
      %dma_wait3A_108 = tpu.memref_slice %arg2[%add3A, %dma_wait3A_106, %dma_wait3A_107] : memref<32x80x128xi32, #tpu.memory_space<hbm>> -> memref<1x80x128xi32, #tpu.memory_space<hbm>>
      %dma_wait3A_109 = tpu.memref_squeeze %dma_wait3A_108 : memref<1x80x128xi32, #tpu.memory_space<hbm>> -> memref<80x128xi32, #tpu.memory_space<hbm>>
      %dma_wait3A_110 = arith.constant 0 : i32
      %dma_wait3A_111 = arith.constant 0 : i32
      %dma_wait3A_112 = tpu.memref_slice %arg2[%add3A, %dma_wait3A_110, %dma_wait3A_111] : memref<32x80x128xi32, #tpu.memory_space<hbm>> -> memref<1x80x128xi32, #tpu.memory_space<hbm>>
      %dma_wait3A_113 = tpu.memref_squeeze %dma_wait3A_112 : memref<1x80x128xi32, #tpu.memory_space<hbm>> -> memref<80x128xi32, #tpu.memory_space<hbm>>
      tpu.wait_dma2 semaphore(%run_scoped3A : memref<!tpu.dma_semaphore, #tpu.memory_space<semaphore_mem>>) src(%dma_wait3A_113 : memref<80x128xi32, #tpu.memory_space<hbm>>) dst(%arg5 : memref<80x128xi32, #tpu.memory_space<vmem>>)
      tpu.yield
    }) : () -> ()
    %dma_start3A = arith.constant 0 : i32
    %dma_start3A_10 = arith.constant 0 : i32
    %dma_start3A_11 = arith.constant 0 : i32
    %dma_start3A_12 = tpu.memref_slice %arg5[%dma_start3A, %dma_start3A_11] : memref<80x128xi32, #tpu.memory_space<vmem>> -> memref<1x128xi32, #tpu.memory_space<vmem>>
    %dma_start3A_13 = tpu.memref_squeeze %dma_start3A_12 : memref<1x128xi32, #tpu.memory_space<vmem>> -> memref<128xi32, #tpu.memory_space<vmem>>
    %dma_start3A_14 = arith.constant 0 : i32
    %dma_start3A_15 = arith.constant 0 : i32
    %dma_start3A_16 = tpu.memref_slice %arg4[%dma_start3A_14, %dma_start3A_15] : memref<10240x16xf32, #tpu.memory_space<vmem_shared>> -> memref<10240x16xf32, #tpu.memory_space<vmem_shared>>
    %dma_start3A_17 = tpu.memref_slice %arg8[%dma_start3A_10] : memref<4x!tpu.dma_semaphore, #tpu.memory_space<semaphore_mem>> -> memref<1x!tpu.dma_semaphore, #tpu.memory_space<semaphore_mem>>
    %dma_start3A_18 = tpu.memref_squeeze %dma_start3A_17 : memref<1x!tpu.dma_semaphore, #tpu.memory_space<semaphore_mem>> -> memref<!tpu.dma_semaphore, #tpu.memory_space<semaphore_mem>>
    tpu.enqueue_indirect_dma source(%arg6 : memref<128x16xf32, #tpu.memory_space<vmem>>) target(%dma_start3A_16 : memref<10240x16xf32, #tpu.memory_space<vmem_shared>>) offsets(%dma_start3A_13 : memref<128xi32, #tpu.memory_space<vmem>>) semaphore(%dma_start3A_18 : memref<!tpu.dma_semaphore, #tpu.memory_space<semaphore_mem>>) {add = true}
    %dma_start3A_19 = arith.constant 1 : i32
    %dma_start3A_20 = arith.constant 1 : i32
    %dma_start3A_21 = arith.constant 0 : i32
    %dma_start3A_22 = tpu.memref_slice %arg5[%dma_start3A_19, %dma_start3A_21] : memref<80x128xi32, #tpu.memory_space<vmem>> -> memref<1x128xi32, #tpu.memory_space<vmem>>
    %dma_start3A_23 = tpu.memref_squeeze %dma_start3A_22 : memref<1x128xi32, #tpu.memory_space<vmem>> -> memref<128xi32, #tpu.memory_space<vmem>>
    %dma_start3A_24 = arith.constant 0 : i32
    %dma_start3A_25 = arith.constant 0 : i32
    %dma_start3A_26 = tpu.memref_slice %arg4[%dma_start3A_24, %dma_start3A_25] : memref<10240x16xf32, #tpu.memory_space<vmem_shared>> -> memref<10240x16xf32, #tpu.memory_space<vmem_shared>>
    %dma_start3A_27 = tpu.memref_slice %arg8[%dma_start3A_20] : memref<4x!tpu.dma_semaphore, #tpu.memory_space<semaphore_mem>> -> memref<1x!tpu.dma_semaphore, #tpu.memory_space<semaphore_mem>>
    %dma_start3A_28 = tpu.memref_squeeze %dma_start3A_27 : memref<1x!tpu.dma_semaphore, #tpu.memory_space<semaphore_mem>> -> memref<!tpu.dma_semaphore, #tpu.memory_space<semaphore_mem>>
    tpu.enqueue_indirect_dma source(%arg6 : memref<128x16xf32, #tpu.memory_space<vmem>>) target(%dma_start3A_26 : memref<10240x16xf32, #tpu.memory_space<vmem_shared>>) offsets(%dma_start3A_23 : memref<128xi32, #tpu.memory_space<vmem>>) semaphore(%dma_start3A_28 : memref<!tpu.dma_semaphore, #tpu.memory_space<semaphore_mem>>) {add = true}
    %dma_start3A_29 = arith.constant 2 : i32
    %dma_start3A_30 = arith.constant 2 : i32
    %dma_start3A_31 = arith.constant 0 : i32
    %dma_start3A_32 = tpu.memref_slice %arg5[%dma_start3A_29, %dma_start3A_31] : memref<80x128xi32, #tpu.memory_space<vmem>> -> memref<1x128xi32, #tpu.memory_space<vmem>>
    %dma_start3A_33 = tpu.memref_squeeze %dma_start3A_32 : memref<1x128xi32, #tpu.memory_space<vmem>> -> memref<128xi32, #tpu.memory_space<vmem>>
    %dma_start3A_34 = arith.constant 0 : i32
    %dma_start3A_35 = arith.constant 0 : i32
    %dma_start3A_36 = tpu.memref_slice %arg4[%dma_start3A_34, %dma_start3A_35] : memref<10240x16xf32, #tpu.memory_space<vmem_shared>> -> memref<10240x16xf32, #tpu.memory_space<vmem_shared>>
    %dma_start3A_37 = tpu.memref_slice %arg8[%dma_start3A_30] : memref<4x!tpu.dma_semaphore, #tpu.memory_space<semaphore_mem>> -> memref<1x!tpu.dma_semaphore, #tpu.memory_space<semaphore_mem>>
    %dma_start3A_38 = tpu.memref_squeeze %dma_start3A_37 : memref<1x!tpu.dma_semaphore, #tpu.memory_space<semaphore_mem>> -> memref<!tpu.dma_semaphore, #tpu.memory_space<semaphore_mem>>
    tpu.enqueue_indirect_dma source(%arg6 : memref<128x16xf32, #tpu.memory_space<vmem>>) target(%dma_start3A_36 : memref<10240x16xf32, #tpu.memory_space<vmem_shared>>) offsets(%dma_start3A_33 : memref<128xi32, #tpu.memory_space<vmem>>) semaphore(%dma_start3A_38 : memref<!tpu.dma_semaphore, #tpu.memory_space<semaphore_mem>>) {add = true}
    %dma_start3A_39 = arith.constant 3 : i32
    %dma_start3A_40 = arith.constant 3 : i32
    %dma_start3A_41 = arith.constant 0 : i32
    %dma_start3A_42 = tpu.memref_slice %arg5[%dma_start3A_39, %dma_start3A_41] : memref<80x128xi32, #tpu.memory_space<vmem>> -> memref<1x128xi32, #tpu.memory_space<vmem>>
    %dma_start3A_43 = tpu.memref_squeeze %dma_start3A_42 : memref<1x128xi32, #tpu.memory_space<vmem>> -> memref<128xi32, #tpu.memory_space<vmem>>
    %dma_start3A_44 = arith.constant 0 : i32
    %dma_start3A_45 = arith.constant 0 : i32
    %dma_start3A_46 = tpu.memref_slice %arg4[%dma_start3A_44, %dma_start3A_45] : memref<10240x16xf32, #tpu.memory_space<vmem_shared>> -> memref<10240x16xf32, #tpu.memory_space<vmem_shared>>
    %dma_start3A_47 = tpu.memref_slice %arg8[%dma_start3A_40] : memref<4x!tpu.dma_semaphore, #tpu.memory_space<semaphore_mem>> -> memref<1x!tpu.dma_semaphore, #tpu.memory_space<semaphore_mem>>
    %dma_start3A_48 = tpu.memref_squeeze %dma_start3A_47 : memref<1x!tpu.dma_semaphore, #tpu.memory_space<semaphore_mem>> -> memref<!tpu.dma_semaphore, #tpu.memory_space<semaphore_mem>>
    tpu.enqueue_indirect_dma source(%arg6 : memref<128x16xf32, #tpu.memory_space<vmem>>) target(%dma_start3A_46 : memref<10240x16xf32, #tpu.memory_space<vmem_shared>>) offsets(%dma_start3A_43 : memref<128xi32, #tpu.memory_space<vmem>>) semaphore(%dma_start3A_48 : memref<!tpu.dma_semaphore, #tpu.memory_space<semaphore_mem>>) {add = true}
    %scan3A_49 = arith.constant 0 : i32
    %scan3A_50 = arith.constant 19 : i32
    %scan3A_51 = arith.addi %scan3A_49, %scan3A_50 : i32
    %scan3A_52 = arith.constant 1 : i32
    scf.for %scan3A_98 = %scan3A_49 to %scan3A_51 step %scan3A_52  : i32 {
      %mul3A_99 = arith.constant 1 : i32
      %mul3A_100 = arith.muli %scan3A_98, %mul3A_99 : i32
      %add3A_101 = arith.constant 0 : i32
      %add3A_102 = arith.addi %add3A_101, %mul3A_100 : i32
      %mul3A_103 = arith.constant 4 : i32
      %mul3A_104 = arith.muli %add3A_102, %mul3A_103 : i32
      %add3A_105 = arith.constant 0 : i32
      %add3A_106 = arith.addi %mul3A_104, %add3A_105 : i32
      %dma_wait3A_107 = arith.constant 0 : i32
      %dma_wait3A_108 = arith.constant 0 : i32
      %dma_wait3A_109 = tpu.memref_slice %arg5[%add3A_106, %dma_wait3A_108] : memref<80x128xi32, #tpu.memory_space<vmem>> -> memref<1x128xi32, #tpu.memory_space<vmem>>
      %dma_wait3A_110 = tpu.memref_squeeze %dma_wait3A_109 : memref<1x128xi32, #tpu.memory_space<vmem>> -> memref<128xi32, #tpu.memory_space<vmem>>
      %dma_wait3A_111 = arith.constant 0 : i32
      %dma_wait3A_112 = arith.constant 0 : i32
      %dma_wait3A_113 = tpu.memref_slice %arg4[%dma_wait3A_111, %dma_wait3A_112] : memref<10240x16xf32, #tpu.memory_space<vmem_shared>> -> memref<10240x16xf32, #tpu.memory_space<vmem_shared>>
      %dma_wait3A_114 = tpu.memref_slice %arg8[%dma_wait3A_107] : memref<4x!tpu.dma_semaphore, #tpu.memory_space<semaphore_mem>> -> memref<1x!tpu.dma_semaphore, #tpu.memory_space<semaphore_mem>>
      %dma_wait3A_115 = tpu.memref_squeeze %dma_wait3A_114 : memref<1x!tpu.dma_semaphore, #tpu.memory_space<semaphore_mem>> -> memref<!tpu.dma_semaphore, #tpu.memory_space<semaphore_mem>>
      tpu.wait_indirect_dma semaphore(%dma_wait3A_115 : memref<!tpu.dma_semaphore, #tpu.memory_space<semaphore_mem>>) src(%arg6 : memref<128x16xf32, #tpu.memory_space<vmem>>) dst(%dma_wait3A_113 : memref<10240x16xf32, #tpu.memory_space<vmem_shared>>)
      %add3A_116 = arith.constant 4 : i32
      %add3A_117 = arith.addi %mul3A_104, %add3A_116 : i32
      %add3A_118 = arith.constant 0 : i32
      %add3A_119 = arith.addi %add3A_117, %add3A_118 : i32
      %dma_start3A_120 = arith.constant 0 : i32
      %dma_start3A_121 = arith.constant 0 : i32
      %dma_start3A_122 = tpu.memref_slice %arg5[%add3A_119, %dma_start3A_121] : memref<80x128xi32, #tpu.memory_space<vmem>> -> memref<1x128xi32, #tpu.memory_space<vmem>>
      %dma_start3A_123 = tpu.memref_squeeze %dma_start3A_122 : memref<1x128xi32, #tpu.memory_space<vmem>> -> memref<128xi32, #tpu.memory_space<vmem>>
      %dma_start3A_124 = arith.constant 0 : i32
      %dma_start3A_125 = arith.constant 0 : i32
      %dma_start3A_126 = tpu.memref_slice %arg4[%dma_start3A_124, %dma_start3A_125] : memref<10240x16xf32, #tpu.memory_space<vmem_shared>> -> memref<10240x16xf32, #tpu.memory_space<vmem_shared>>
      %dma_start3A_127 = tpu.memref_slice %arg8[%dma_start3A_120] : memref<4x!tpu.dma_semaphore, #tpu.memory_space<semaphore_mem>> -> memref<1x!tpu.dma_semaphore, #tpu.memory_space<semaphore_mem>>
      %dma_start3A_128 = tpu.memref_squeeze %dma_start3A_127 : memref<1x!tpu.dma_semaphore, #tpu.memory_space<semaphore_mem>> -> memref<!tpu.dma_semaphore, #tpu.memory_space<semaphore_mem>>
      tpu.enqueue_indirect_dma source(%arg6 : memref<128x16xf32, #tpu.memory_space<vmem>>) target(%dma_start3A_126 : memref<10240x16xf32, #tpu.memory_space<vmem_shared>>) offsets(%dma_start3A_123 : memref<128xi32, #tpu.memory_space<vmem>>) semaphore(%dma_start3A_128 : memref<!tpu.dma_semaphore, #tpu.memory_space<semaphore_mem>>) {add = true}
      %add3A_129 = arith.constant 1 : i32
      %add3A_130 = arith.addi %mul3A_104, %add3A_129 : i32
      %dma_wait3A_131 = arith.constant 1 : i32
      %dma_wait3A_132 = arith.constant 0 : i32
      %dma_wait3A_133 = tpu.memref_slice %arg5[%add3A_130, %dma_wait3A_132] : memref<80x128xi32, #tpu.memory_space<vmem>> -> memref<1x128xi32, #tpu.memory_space<vmem>>
      %dma_wait3A_134 = tpu.memref_squeeze %dma_wait3A_133 : memref<1x128xi32, #tpu.memory_space<vmem>> -> memref<128xi32, #tpu.memory_space<vmem>>
      %dma_wait3A_135 = arith.constant 0 : i32
      %dma_wait3A_136 = arith.constant 0 : i32
      %dma_wait3A_137 = tpu.memref_slice %arg4[%dma_wait3A_135, %dma_wait3A_136] : memref<10240x16xf32, #tpu.memory_space<vmem_shared>> -> memref<10240x16xf32, #tpu.memory_space<vmem_shared>>
      %dma_wait3A_138 = tpu.memref_slice %arg8[%dma_wait3A_131] : memref<4x!tpu.dma_semaphore, #tpu.memory_space<semaphore_mem>> -> memref<1x!tpu.dma_semaphore, #tpu.memory_space<semaphore_mem>>
      %dma_wait3A_139 = tpu.memref_squeeze %dma_wait3A_138 : memref<1x!tpu.dma_semaphore, #tpu.memory_space<semaphore_mem>> -> memref<!tpu.dma_semaphore, #tpu.memory_space<semaphore_mem>>
      tpu.wait_indirect_dma semaphore(%dma_wait3A_139 : memref<!tpu.dma_semaphore, #tpu.memory_space<semaphore_mem>>) src(%arg6 : memref<128x16xf32, #tpu.memory_space<vmem>>) dst(%dma_wait3A_137 : memref<10240x16xf32, #tpu.memory_space<vmem_shared>>)
      %add3A_140 = arith.constant 4 : i32
      %add3A_141 = arith.addi %mul3A_104, %add3A_140 : i32
      %add3A_142 = arith.constant 1 : i32
      %add3A_143 = arith.addi %add3A_141, %add3A_142 : i32
      %dma_start3A_144 = arith.constant 1 : i32
      %dma_start3A_145 = arith.constant 0 : i32
      %dma_start3A_146 = tpu.memref_slice %arg5[%add3A_143, %dma_start3A_145] : memref<80x128xi32, #tpu.memory_space<vmem>> -> memref<1x128xi32, #tpu.memory_space<vmem>>
      %dma_start3A_147 = tpu.memref_squeeze %dma_start3A_146 : memref<1x128xi32, #tpu.memory_space<vmem>> -> memref<128xi32, #tpu.memory_space<vmem>>
      %dma_start3A_148 = arith.constant 0 : i32
      %dma_start3A_149 = arith.constant 0 : i32
      %dma_start3A_150 = tpu.memref_slice %arg4[%dma_start3A_148, %dma_start3A_149] : memref<10240x16xf32, #tpu.memory_space<vmem_shared>> -> memref<10240x16xf32, #tpu.memory_space<vmem_shared>>
      %dma_start3A_151 = tpu.memref_slice %arg8[%dma_start3A_144] : memref<4x!tpu.dma_semaphore, #tpu.memory_space<semaphore_mem>> -> memref<1x!tpu.dma_semaphore, #tpu.memory_space<semaphore_mem>>
      %dma_start3A_152 = tpu.memref_squeeze %dma_start3A_151 : memref<1x!tpu.dma_semaphore, #tpu.memory_space<semaphore_mem>> -> memref<!tpu.dma_semaphore, #tpu.memory_space<semaphore_mem>>
      tpu.enqueue_indirect_dma source(%arg6 : memref<128x16xf32, #tpu.memory_space<vmem>>) target(%dma_start3A_150 : memref<10240x16xf32, #tpu.memory_space<vmem_shared>>) offsets(%dma_start3A_147 : memref<128xi32, #tpu.memory_space<vmem>>) semaphore(%dma_start3A_152 : memref<!tpu.dma_semaphore, #tpu.memory_space<semaphore_mem>>) {add = true}
      %add3A_153 = arith.constant 2 : i32
      %add3A_154 = arith.addi %mul3A_104, %add3A_153 : i32
      %dma_wait3A_155 = arith.constant 2 : i32
      %dma_wait3A_156 = arith.constant 0 : i32
      %dma_wait3A_157 = tpu.memref_slice %arg5[%add3A_154, %dma_wait3A_156] : memref<80x128xi32, #tpu.memory_space<vmem>> -> memref<1x128xi32, #tpu.memory_space<vmem>>
      %dma_wait3A_158 = tpu.memref_squeeze %dma_wait3A_157 : memref<1x128xi32, #tpu.memory_space<vmem>> -> memref<128xi32, #tpu.memory_space<vmem>>
      %dma_wait3A_159 = arith.constant 0 : i32
      %dma_wait3A_160 = arith.constant 0 : i32
      %dma_wait3A_161 = tpu.memref_slice %arg4[%dma_wait3A_159, %dma_wait3A_160] : memref<10240x16xf32, #tpu.memory_space<vmem_shared>> -> memref<10240x16xf32, #tpu.memory_space<vmem_shared>>
      %dma_wait3A_162 = tpu.memref_slice %arg8[%dma_wait3A_155] : memref<4x!tpu.dma_semaphore, #tpu.memory_space<semaphore_mem>> -> memref<1x!tpu.dma_semaphore, #tpu.memory_space<semaphore_mem>>
      %dma_wait3A_163 = tpu.memref_squeeze %dma_wait3A_162 : memref<1x!tpu.dma_semaphore, #tpu.memory_space<semaphore_mem>> -> memref<!tpu.dma_semaphore, #tpu.memory_space<semaphore_mem>>
      tpu.wait_indirect_dma semaphore(%dma_wait3A_163 : memref<!tpu.dma_semaphore, #tpu.memory_space<semaphore_mem>>) src(%arg6 : memref<128x16xf32, #tpu.memory_space<vmem>>) dst(%dma_wait3A_161 : memref<10240x16xf32, #tpu.memory_space<vmem_shared>>)
      %add3A_164 = arith.constant 4 : i32
      %add3A_165 = arith.addi %mul3A_104, %add3A_164 : i32
      %add3A_166 = arith.constant 2 : i32
      %add3A_167 = arith.addi %add3A_165, %add3A_166 : i32
      %dma_start3A_168 = arith.constant 2 : i32
      %dma_start3A_169 = arith.constant 0 : i32
      %dma_start3A_170 = tpu.memref_slice %arg5[%add3A_167, %dma_start3A_169] : memref<80x128xi32, #tpu.memory_space<vmem>> -> memref<1x128xi32, #tpu.memory_space<vmem>>
      %dma_start3A_171 = tpu.memref_squeeze %dma_start3A_170 : memref<1x128xi32, #tpu.memory_space<vmem>> -> memref<128xi32, #tpu.memory_space<vmem>>
      %dma_start3A_172 = arith.constant 0 : i32
      %dma_start3A_173 = arith.constant 0 : i32
      %dma_start3A_174 = tpu.memref_slice %arg4[%dma_start3A_172, %dma_start3A_173] : memref<10240x16xf32, #tpu.memory_space<vmem_shared>> -> memref<10240x16xf32, #tpu.memory_space<vmem_shared>>
      %dma_start3A_175 = tpu.memref_slice %arg8[%dma_start3A_168] : memref<4x!tpu.dma_semaphore, #tpu.memory_space<semaphore_mem>> -> memref<1x!tpu.dma_semaphore, #tpu.memory_space<semaphore_mem>>
      %dma_start3A_176 = tpu.memref_squeeze %dma_start3A_175 : memref<1x!tpu.dma_semaphore, #tpu.memory_space<semaphore_mem>> -> memref<!tpu.dma_semaphore, #tpu.memory_space<semaphore_mem>>
      tpu.enqueue_indirect_dma source(%arg6 : memref<128x16xf32, #tpu.memory_space<vmem>>) target(%dma_start3A_174 : memref<10240x16xf32, #tpu.memory_space<vmem_shared>>) offsets(%dma_start3A_171 : memref<128xi32, #tpu.memory_space<vmem>>) semaphore(%dma_start3A_176 : memref<!tpu.dma_semaphore, #tpu.memory_space<semaphore_mem>>) {add = true}
      %add3A_177 = arith.constant 3 : i32
      %add3A_178 = arith.addi %mul3A_104, %add3A_177 : i32
      %dma_wait3A_179 = arith.constant 3 : i32
      %dma_wait3A_180 = arith.constant 0 : i32
      %dma_wait3A_181 = tpu.memref_slice %arg5[%add3A_178, %dma_wait3A_180] : memref<80x128xi32, #tpu.memory_space<vmem>> -> memref<1x128xi32, #tpu.memory_space<vmem>>
      %dma_wait3A_182 = tpu.memref_squeeze %dma_wait3A_181 : memref<1x128xi32, #tpu.memory_space<vmem>> -> memref<128xi32, #tpu.memory_space<vmem>>
      %dma_wait3A_183 = arith.constant 0 : i32
      %dma_wait3A_184 = arith.constant 0 : i32
      %dma_wait3A_185 = tpu.memref_slice %arg4[%dma_wait3A_183, %dma_wait3A_184] : memref<10240x16xf32, #tpu.memory_space<vmem_shared>> -> memref<10240x16xf32, #tpu.memory_space<vmem_shared>>
      %dma_wait3A_186 = tpu.memref_slice %arg8[%dma_wait3A_179] : memref<4x!tpu.dma_semaphore, #tpu.memory_space<semaphore_mem>> -> memref<1x!tpu.dma_semaphore, #tpu.memory_space<semaphore_mem>>
      %dma_wait3A_187 = tpu.memref_squeeze %dma_wait3A_186 : memref<1x!tpu.dma_semaphore, #tpu.memory_space<semaphore_mem>> -> memref<!tpu.dma_semaphore, #tpu.memory_space<semaphore_mem>>
      tpu.wait_indirect_dma semaphore(%dma_wait3A_187 : memref<!tpu.dma_semaphore, #tpu.memory_space<semaphore_mem>>) src(%arg6 : memref<128x16xf32, #tpu.memory_space<vmem>>) dst(%dma_wait3A_185 : memref<10240x16xf32, #tpu.memory_space<vmem_shared>>)
      %add3A_188 = arith.constant 4 : i32
      %add3A_189 = arith.addi %mul3A_104, %add3A_188 : i32
      %add3A_190 = arith.constant 3 : i32
      %add3A_191 = arith.addi %add3A_189, %add3A_190 : i32
      %dma_start3A_192 = arith.constant 3 : i32
      %dma_start3A_193 = arith.constant 0 : i32
      %dma_start3A_194 = tpu.memref_slice %arg5[%add3A_191, %dma_start3A_193] : memref<80x128xi32, #tpu.memory_space<vmem>> -> memref<1x128xi32, #tpu.memory_space<vmem>>
      %dma_start3A_195 = tpu.memref_squeeze %dma_start3A_194 : memref<1x128xi32, #tpu.memory_space<vmem>> -> memref<128xi32, #tpu.memory_space<vmem>>
      %dma_start3A_196 = arith.constant 0 : i32
      %dma_start3A_197 = arith.constant 0 : i32
      %dma_start3A_198 = tpu.memref_slice %arg4[%dma_start3A_196, %dma_start3A_197] : memref<10240x16xf32, #tpu.memory_space<vmem_shared>> -> memref<10240x16xf32, #tpu.memory_space<vmem_shared>>
      %dma_start3A_199 = tpu.memref_slice %arg8[%dma_start3A_192] : memref<4x!tpu.dma_semaphore, #tpu.memory_space<semaphore_mem>> -> memref<1x!tpu.dma_semaphore, #tpu.memory_space<semaphore_mem>>
      %dma_start3A_200 = tpu.memref_squeeze %dma_start3A_199 : memref<1x!tpu.dma_semaphore, #tpu.memory_space<semaphore_mem>> -> memref<!tpu.dma_semaphore, #tpu.memory_space<semaphore_mem>>
      tpu.enqueue_indirect_dma source(%arg6 : memref<128x16xf32, #tpu.memory_space<vmem>>) target(%dma_start3A_198 : memref<10240x16xf32, #tpu.memory_space<vmem_shared>>) offsets(%dma_start3A_195 : memref<128xi32, #tpu.memory_space<vmem>>) semaphore(%dma_start3A_200 : memref<!tpu.dma_semaphore, #tpu.memory_space<semaphore_mem>>) {add = true}
    }
    %scan3A_53 = arith.constant 19 : i32
    %dma_wait3A = arith.constant 76 : i32
    %dma_wait3A_54 = arith.constant 0 : i32
    %dma_wait3A_55 = arith.constant 0 : i32
    %dma_wait3A_56 = tpu.memref_slice %arg5[%dma_wait3A, %dma_wait3A_55] : memref<80x128xi32, #tpu.memory_space<vmem>> -> memref<1x128xi32, #tpu.memory_space<vmem>>
    %dma_wait3A_57 = tpu.memref_squeeze %dma_wait3A_56 : memref<1x128xi32, #tpu.memory_space<vmem>> -> memref<128xi32, #tpu.memory_space<vmem>>
    %dma_wait3A_58 = arith.constant 0 : i32
    %dma_wait3A_59 = arith.constant 0 : i32
    %dma_wait3A_60 = tpu.memref_slice %arg4[%dma_wait3A_58, %dma_wait3A_59] : memref<10240x16xf32, #tpu.memory_space<vmem_shared>> -> memref<10240x16xf32, #tpu.memory_space<vmem_shared>>
    %dma_wait3A_61 = tpu.memref_slice %arg8[%dma_wait3A_54] : memref<4x!tpu.dma_semaphore, #tpu.memory_space<semaphore_mem>> -> memref<1x!tpu.dma_semaphore, #tpu.memory_space<semaphore_mem>>
    %dma_wait3A_62 = tpu.memref_squeeze %dma_wait3A_61 : memref<1x!tpu.dma_semaphore, #tpu.memory_space<semaphore_mem>> -> memref<!tpu.dma_semaphore, #tpu.memory_space<semaphore_mem>>
    tpu.wait_indirect_dma semaphore(%dma_wait3A_62 : memref<!tpu.dma_semaphore, #tpu.memory_space<semaphore_mem>>) src(%arg6 : memref<128x16xf32, #tpu.memory_space<vmem>>) dst(%dma_wait3A_60 : memref<10240x16xf32, #tpu.memory_space<vmem_shared>>)
    %dma_wait3A_63 = arith.constant 77 : i32
    %dma_wait3A_64 = arith.constant 1 : i32
    %dma_wait3A_65 = arith.constant 0 : i32
    %dma_wait3A_66 = tpu.memref_slice %arg5[%dma_wait3A_63, %dma_wait3A_65] : memref<80x128xi32, #tpu.memory_space<vmem>> -> memref<1x128xi32, #tpu.memory_space<vmem>>
    %dma_wait3A_67 = tpu.memref_squeeze %dma_wait3A_66 : memref<1x128xi32, #tpu.memory_space<vmem>> -> memref<128xi32, #tpu.memory_space<vmem>>
    %dma_wait3A_68 = arith.constant 0 : i32
    %dma_wait3A_69 = arith.constant 0 : i32
    %dma_wait3A_70 = tpu.memref_slice %arg4[%dma_wait3A_68, %dma_wait3A_69] : memref<10240x16xf32, #tpu.memory_space<vmem_shared>> -> memref<10240x16xf32, #tpu.memory_space<vmem_shared>>
    %dma_wait3A_71 = tpu.memref_slice %arg8[%dma_wait3A_64] : memref<4x!tpu.dma_semaphore, #tpu.memory_space<semaphore_mem>> -> memref<1x!tpu.dma_semaphore, #tpu.memory_space<semaphore_mem>>
    %dma_wait3A_72 = tpu.memref_squeeze %dma_wait3A_71 : memref<1x!tpu.dma_semaphore, #tpu.memory_space<semaphore_mem>> -> memref<!tpu.dma_semaphore, #tpu.memory_space<semaphore_mem>>
    tpu.wait_indirect_dma semaphore(%dma_wait3A_72 : memref<!tpu.dma_semaphore, #tpu.memory_space<semaphore_mem>>) src(%arg6 : memref<128x16xf32, #tpu.memory_space<vmem>>) dst(%dma_wait3A_70 : memref<10240x16xf32, #tpu.memory_space<vmem_shared>>)
    %dma_wait3A_73 = arith.constant 78 : i32
    %dma_wait3A_74 = arith.constant 2 : i32
    %dma_wait3A_75 = arith.constant 0 : i32
    %dma_wait3A_76 = tpu.memref_slice %arg5[%dma_wait3A_73, %dma_wait3A_75] : memref<80x128xi32, #tpu.memory_space<vmem>> -> memref<1x128xi32, #tpu.memory_space<vmem>>
    %dma_wait3A_77 = tpu.memref_squeeze %dma_wait3A_76 : memref<1x128xi32, #tpu.memory_space<vmem>> -> memref<128xi32, #tpu.memory_space<vmem>>
    %dma_wait3A_78 = arith.constant 0 : i32
    %dma_wait3A_79 = arith.constant 0 : i32
    %dma_wait3A_80 = tpu.memref_slice %arg4[%dma_wait3A_78, %dma_wait3A_79] : memref<10240x16xf32, #tpu.memory_space<vmem_shared>> -> memref<10240x16xf32, #tpu.memory_space<vmem_shared>>
    %dma_wait3A_81 = tpu.memref_slice %arg8[%dma_wait3A_74] : memref<4x!tpu.dma_semaphore, #tpu.memory_space<semaphore_mem>> -> memref<1x!tpu.dma_semaphore, #tpu.memory_space<semaphore_mem>>
    %dma_wait3A_82 = tpu.memref_squeeze %dma_wait3A_81 : memref<1x!tpu.dma_semaphore, #tpu.memory_space<semaphore_mem>> -> memref<!tpu.dma_semaphore, #tpu.memory_space<semaphore_mem>>
    tpu.wait_indirect_dma semaphore(%dma_wait3A_82 : memref<!tpu.dma_semaphore, #tpu.memory_space<semaphore_mem>>) src(%arg6 : memref<128x16xf32, #tpu.memory_space<vmem>>) dst(%dma_wait3A_80 : memref<10240x16xf32, #tpu.memory_space<vmem_shared>>)
    %dma_wait3A_83 = arith.constant 79 : i32
    %dma_wait3A_84 = arith.constant 3 : i32
    %dma_wait3A_85 = arith.constant 0 : i32
    %dma_wait3A_86 = tpu.memref_slice %arg5[%dma_wait3A_83, %dma_wait3A_85] : memref<80x128xi32, #tpu.memory_space<vmem>> -> memref<1x128xi32, #tpu.memory_space<vmem>>
    %dma_wait3A_87 = tpu.memref_squeeze %dma_wait3A_86 : memref<1x128xi32, #tpu.memory_space<vmem>> -> memref<128xi32, #tpu.memory_space<vmem>>
    %dma_wait3A_88 = arith.constant 0 : i32
    %dma_wait3A_89 = arith.constant 0 : i32
    %dma_wait3A_90 = tpu.memref_slice %arg4[%dma_wait3A_88, %dma_wait3A_89] : memref<10240x16xf32, #tpu.memory_space<vmem_shared>> -> memref<10240x16xf32, #tpu.memory_space<vmem_shared>>
    %dma_wait3A_91 = tpu.memref_slice %arg8[%dma_wait3A_84] : memref<4x!tpu.dma_semaphore, #tpu.memory_space<semaphore_mem>> -> memref<1x!tpu.dma_semaphore, #tpu.memory_space<semaphore_mem>>
    %dma_wait3A_92 = tpu.memref_squeeze %dma_wait3A_91 : memref<1x!tpu.dma_semaphore, #tpu.memory_space<semaphore_mem>> -> memref<!tpu.dma_semaphore, #tpu.memory_space<semaphore_mem>>
    tpu.wait_indirect_dma semaphore(%dma_wait3A_92 : memref<!tpu.dma_semaphore, #tpu.memory_space<semaphore_mem>>) src(%arg6 : memref<128x16xf32, #tpu.memory_space<vmem>>) dst(%dma_wait3A_90 : memref<10240x16xf32, #tpu.memory_space<vmem_shared>>)
    %barrier3A_93 = arith.constant 0 : index
    tpu.barrier barrier_id(%barrier3A_93)
    %mul3A_94 = arith.constant 640 : i32
    %mul3A_95 = arith.muli %arg1, %mul3A_94 : i32
    %mul3A_96 = arith.constant 640 : i32
    %mul3A_97 = arith.muli %arg1, %mul3A_96 : i32
    "tpu.region"() ({
      %run_scoped3A = tpu.sem_alloc : memref<!tpu.dma_semaphore, #tpu.memory_space<semaphore_mem>>
      %dma_start3A_98 = arith.constant 0 : i32
      %dma_start3A_99 = arith.constant 0 : i32
      %dma_start3A_100 = tpu.memref_slice %arg3[%arg0, %dma_start3A_98, %dma_start3A_99] : memref<2x10240x16xf32, #tpu.memory_space<hbm>> -> memref<1x10240x16xf32, #tpu.memory_space<hbm>>
      %dma_start3A_101 = tpu.memref_squeeze %dma_start3A_100 : memref<1x10240x16xf32, #tpu.memory_space<hbm>> -> memref<10240x16xf32, #tpu.memory_space<hbm>>
      %dma_start3A_102 = arith.constant 0 : i32
      %dma_start3A_103 = tpu.memref_slice %dma_start3A_101[%mul3A_97, %dma_start3A_102] : memref<10240x16xf32, #tpu.memory_space<hbm>> -> memref<640x16xf32, #tpu.memory_space<hbm>>
      %dma_start3A_104 = arith.constant 0 : i32
      %dma_start3A_105 = tpu.memref_slice %arg4[%mul3A_95, %dma_start3A_104] : memref<10240x16xf32, #tpu.memory_space<vmem_shared>> -> memref<640x16xf32, #tpu.memory_space<vmem_shared>>
      tpu.enqueue_dma source(%dma_start3A_105 : memref<640x16xf32, #tpu.memory_space<vmem_shared>>) target(%dma_start3A_103 : memref<640x16xf32, #tpu.memory_space<hbm>>) target_semaphore(%run_scoped3A : memref<!tpu.dma_semaphore, #tpu.memory_space<semaphore_mem>>)
      %dma_wait3A_106 = arith.constant 0 : i32
      %dma_wait3A_107 = arith.constant 0 : i32
      %dma_wait3A_108 = tpu.memref_slice %arg3[%arg0, %dma_wait3A_106, %dma_wait3A_107] : memref<2x10240x16xf32, #tpu.memory_space<hbm>> -> memref<1x10240x16xf32, #tpu.memory_space<hbm>>
      %dma_wait3A_109 = tpu.memref_squeeze %dma_wait3A_108 : memref<1x10240x16xf32, #tpu.memory_space<hbm>> -> memref<10240x16xf32, #tpu.memory_space<hbm>>
      %dma_wait3A_110 = arith.constant 0 : i32
      %dma_wait3A_111 = tpu.memref_slice %dma_wait3A_109[%mul3A_97, %dma_wait3A_110] : memref<10240x16xf32, #tpu.memory_space<hbm>> -> memref<640x16xf32, #tpu.memory_space<hbm>>
      %dma_wait3A_112 = arith.constant 0 : i32
      %dma_wait3A_113 = tpu.memref_slice %arg4[%mul3A_95, %dma_wait3A_112] : memref<10240x16xf32, #tpu.memory_space<vmem_shared>> -> memref<640x16xf32, #tpu.memory_space<vmem_shared>>
      tpu.wait_dma2 semaphore(%run_scoped3A : memref<!tpu.dma_semaphore, #tpu.memory_space<semaphore_mem>>) src(%dma_wait3A_113 : memref<640x16xf32, #tpu.memory_space<vmem_shared>>) dst(%dma_wait3A_111 : memref<640x16xf32, #tpu.memory_space<hbm>>)
      tpu.yield
    }) : () -> ()
    return
  }
}

#map = affine_map<(d0, d1) -> (0, 0)>
#map1 = affine_map<(d0, d1) -> (0, 0, 0)>
module attributes {stable_mosaic.version = 14 : i64} {
  func.func @body(%arg0: i32, %arg1: i32, %arg2: memref<10000x48xf32, #tpu.memory_space<hbm>>, %arg3: memref<32x80x128xi32, #tpu.memory_space<hbm>>, %arg4: memref<32x80x128xi32, #tpu.memory_space<hbm>>, %arg5: memref<2x10240x48xf32, #tpu.memory_space<hbm>>, %arg6: memref<10240x48xf32, #tpu.memory_space<vmem_shared>>, %arg7: memref<10000x48xf32, #tpu.memory_space<vmem_shared>>, %arg8: memref<80x128xi32, #tpu.memory_space<vmem>>, %arg9: memref<80x128xi32, #tpu.memory_space<vmem>>, %arg10: memref<4x128x48xf32, #tpu.memory_space<vmem>>, %arg11: memref<128x48xf32, #tpu.memory_space<vmem>>, %arg12: memref<4x!tpu.dma_semaphore, #tpu.memory_space<semaphore_mem>>, %arg13: memref<4x!tpu.dma_semaphore, #tpu.memory_space<semaphore_mem>>) attributes {dimension_semantics = [#tpu.dimension_semantics<core_parallel>, #tpu.dimension_semantics<subcore_parallel>], iteration_bounds = array<i64: 2, 16>, scalar_prefetch = 0 : i64, scratch_operands = 8 : i64, tpu.core_type = #tpu.core_type<sc_vector_subcore>, window_params = [{transform_indices = #map}, {transform_indices = #map1}, {transform_indices = #map1}, {transform_indices = #map1}]} {
    %mul3A = arith.constant 2 : i32
    %mul3A_0 = arith.muli %arg1, %mul3A : i32
    %add3A = arith.addi %mul3A_0, %arg0 : i32
    %scan3A = arith.constant 0 : i32
    %scan3A_1 = arith.constant 128 : i32
    %scan3A_2 = arith.addi %scan3A, %scan3A_1 : i32
    %scan3A_3 = arith.constant 1 : i32
    scf.for %scan3A_264 = %scan3A to %scan3A_2 step %scan3A_3  : i32 {
      %mul3A_265 = arith.constant 1 : i32
      %mul3A_266 = arith.muli %scan3A_264, %mul3A_265 : i32
      %add3A_267 = arith.constant 0 : i32
      %add3A_268 = arith.addi %add3A_267, %mul3A_266 : i32
      %scan3A_269 = arith.constant 0 : i32
      %scan3A_270 = arith.constant 3 : i32
      %scan3A_271 = arith.addi %scan3A_269, %scan3A_270 : i32
      %scan3A_272 = arith.constant 1 : i32
      scf.for %scan3A_274 = %scan3A_269 to %scan3A_271 step %scan3A_272  : i32 {
        %mul3A_275 = arith.constant 16 : i32
        %mul3A_276 = arith.muli %scan3A_274, %mul3A_275 : i32
        %add3A_277 = arith.constant 0 : i32
        %add3A_278 = arith.addi %add3A_277, %mul3A_276 : i32
        %broadcast_in_dim3A = arith.constant 0.000000e+00 : f32
        %broadcast_in_dim3A_279 = vector.broadcast %broadcast_in_dim3A : f32 to vector<16xf32>
        %swap3A = arith.index_cast %add3A_268 : i32 to index
        %swap3A_280 = arith.index_cast %add3A_278 : i32 to index
        %swap3A_281 = tpu.vector_load %arg11[%swap3A, %swap3A_280] {strides = array<i32>} : memref<128x48xf32, #tpu.memory_space<vmem>>, vector<1x16xf32>,
        %swap3A_282 = vector.shape_cast %swap3A_281 : vector<1x16xf32> to vector<16xf32>
        %swap3A_283 = vector.shape_cast %broadcast_in_dim3A_279 : vector<16xf32> to vector<1x16xf32>
        tpu.vector_store %arg11[%swap3A, %swap3A_280], %swap3A_283 {strides = array<i32>} : memref<128x48xf32, #tpu.memory_space<vmem>>, vector<1x16xf32>,
      }
      %scan3A_273 = arith.constant 3 : i32
    }
    %scan3A_4 = arith.constant 128 : i32
    %mul3A_5 = arith.constant 624 : i32
    %mul3A_6 = arith.muli %arg1, %mul3A_5 : i32
    %mul3A_7 = arith.constant 624 : i32
    %mul3A_8 = arith.muli %arg1, %mul3A_7 : i32
    "tpu.region"() ({
      %run_scoped3A = tpu.sem_alloc : memref<!tpu.dma_semaphore, #tpu.memory_space<semaphore_mem>>
      %dma_start3A_264 = arith.constant 0 : i32
      %dma_start3A_265 = tpu.memref_slice %arg7[%mul3A_8, %dma_start3A_264] : memref<10000x48xf32, #tpu.memory_space<vmem_shared>> -> memref<624x48xf32, #tpu.memory_space<vmem_shared>>
      %dma_start3A_266 = arith.constant 0 : i32
      %dma_start3A_267 = tpu.memref_slice %arg2[%mul3A_6, %dma_start3A_266] : memref<10000x48xf32, #tpu.memory_space<hbm>> -> memref<624x48xf32, #tpu.memory_space<hbm>>
      tpu.enqueue_dma source(%dma_start3A_267 : memref<624x48xf32, #tpu.memory_space<hbm>>) target(%dma_start3A_265 : memref<624x48xf32, #tpu.memory_space<vmem_shared>>) target_semaphore(%run_scoped3A : memref<!tpu.dma_semaphore, #tpu.memory_space<semaphore_mem>>)
      %dma_wait3A_268 = arith.constant 0 : i32
      %dma_wait3A_269 = tpu.memref_slice %arg7[%mul3A_8, %dma_wait3A_268] : memref<10000x48xf32, #tpu.memory_space<vmem_shared>> -> memref<624x48xf32, #tpu.memory_space<vmem_shared>>
      %dma_wait3A_270 = arith.constant 0 : i32
      %dma_wait3A_271 = tpu.memref_slice %arg2[%mul3A_6, %dma_wait3A_270] : memref<10000x48xf32, #tpu.memory_space<hbm>> -> memref<624x48xf32, #tpu.memory_space<hbm>>
      tpu.wait_dma2 semaphore(%run_scoped3A : memref<!tpu.dma_semaphore, #tpu.memory_space<semaphore_mem>>) src(%dma_wait3A_271 : memref<624x48xf32, #tpu.memory_space<hbm>>) dst(%dma_wait3A_269 : memref<624x48xf32, #tpu.memory_space<vmem_shared>>)
      tpu.yield
    }) : () -> ()
    %eq3A = arith.constant 15 : i32
    %eq3A_9 = arith.cmpi eq, %arg1, %eq3A : i32
    %convert_element_type3A = arith.extui %eq3A_9 : i1 to i32
    %cond3A = arith.constant 0 : i32
    %cond3A_10 = arith.cmpi ne, %convert_element_type3A, %cond3A : i32
    scf.if %cond3A_10 {
      "tpu.region"() ({
        %run_scoped3A = tpu.sem_alloc : memref<!tpu.dma_semaphore, #tpu.memory_space<semaphore_mem>>
        %dma_start3A_264 = arith.constant 9984 : i32
        %dma_start3A_265 = arith.constant 0 : i32
        %dma_start3A_266 = tpu.memref_slice %arg7[%dma_start3A_264, %dma_start3A_265] : memref<10000x48xf32, #tpu.memory_space<vmem_shared>> -> memref<16x48xf32, #tpu.memory_space<vmem_shared>>
        %dma_start3A_267 = arith.constant 9984 : i32
        %dma_start3A_268 = arith.constant 0 : i32
        %dma_start3A_269 = tpu.memref_slice %arg2[%dma_start3A_267, %dma_start3A_268] : memref<10000x48xf32, #tpu.memory_space<hbm>> -> memref<16x48xf32, #tpu.memory_space<hbm>>
        tpu.enqueue_dma source(%dma_start3A_269 : memref<16x48xf32, #tpu.memory_space<hbm>>) target(%dma_start3A_266 : memref<16x48xf32, #tpu.memory_space<vmem_shared>>) target_semaphore(%run_scoped3A : memref<!tpu.dma_semaphore, #tpu.memory_space<semaphore_mem>>)
        %dma_wait3A_270 = arith.constant 9984 : i32
        %dma_wait3A_271 = arith.constant 0 : i32
        %dma_wait3A_272 = tpu.memref_slice %arg7[%dma_wait3A_270, %dma_wait3A_271] : memref<10000x48xf32, #tpu.memory_space<vmem_shared>> -> memref<16x48xf32, #tpu.memory_space<vmem_shared>>
        %dma_wait3A_273 = arith.constant 9984 : i32
        %dma_wait3A_274 = arith.constant 0 : i32
        %dma_wait3A_275 = tpu.memref_slice %arg2[%dma_wait3A_273, %dma_wait3A_274] : memref<10000x48xf32, #tpu.memory_space<hbm>> -> memref<16x48xf32, #tpu.memory_space<hbm>>
        tpu.wait_dma2 semaphore(%run_scoped3A : memref<!tpu.dma_semaphore, #tpu.memory_space<semaphore_mem>>) src(%dma_wait3A_275 : memref<16x48xf32, #tpu.memory_space<hbm>>) dst(%dma_wait3A_272 : memref<16x48xf32, #tpu.memory_space<vmem_shared>>)
        tpu.yield
      }) : () -> ()
    } else {
    }
    %scan3A_11 = arith.constant 0 : i32
    %scan3A_12 = arith.constant 5 : i32
    %scan3A_13 = arith.addi %scan3A_11, %scan3A_12 : i32
    %scan3A_14 = arith.constant 1 : i32
    scf.for %scan3A_264 = %scan3A_11 to %scan3A_13 step %scan3A_14  : i32 {
      %mul3A_265 = arith.constant 1 : i32
      %mul3A_266 = arith.muli %scan3A_264, %mul3A_265 : i32
      %add3A_267 = arith.constant 0 : i32
      %add3A_268 = arith.addi %add3A_267, %mul3A_266 : i32
      %mul3A_269 = arith.constant 640 : i32
      %mul3A_270 = arith.muli %arg1, %mul3A_269 : i32
      %mul3A_271 = arith.constant 128 : i32
      %mul3A_272 = arith.muli %add3A_268, %mul3A_271 : i32
      %add3A_273 = arith.addi %mul3A_270, %mul3A_272 : i32
      "tpu.region"() ({
        %run_scoped3A = tpu.sem_alloc : memref<!tpu.dma_semaphore, #tpu.memory_space<semaphore_mem>>
        %dma_start3A_274 = arith.constant 0 : i32
        %dma_start3A_275 = tpu.memref_slice %arg6[%add3A_273, %dma_start3A_274] : memref<10240x48xf32, #tpu.memory_space<vmem_shared>> -> memref<128x48xf32, #tpu.memory_space<vmem_shared>>
        %dma_start3A_276 = arith.constant 0 : i32
        %dma_start3A_277 = tpu.memref_slice %arg6[%add3A_273, %dma_start3A_276] : memref<10240x48xf32, #tpu.memory_space<vmem_shared>> -> memref<128x48xf32, #tpu.memory_space<vmem_shared>>
        tpu.enqueue_dma source(%arg11 : memref<128x48xf32, #tpu.memory_space<vmem>>) target(%dma_start3A_277 : memref<128x48xf32, #tpu.memory_space<vmem_shared>>) target_semaphore(%run_scoped3A : memref<!tpu.dma_semaphore, #tpu.memory_space<semaphore_mem>>)
        %dma_wait3A_278 = arith.constant 0 : i32
        %dma_wait3A_279 = tpu.memref_slice %arg6[%add3A_273, %dma_wait3A_278] : memref<10240x48xf32, #tpu.memory_space<vmem_shared>> -> memref<128x48xf32, #tpu.memory_space<vmem_shared>>
        %dma_wait3A_280 = arith.constant 0 : i32
        %dma_wait3A_281 = tpu.memref_slice %arg6[%add3A_273, %dma_wait3A_280] : memref<10240x48xf32, #tpu.memory_space<vmem_shared>> -> memref<128x48xf32, #tpu.memory_space<vmem_shared>>
        tpu.wait_dma2 semaphore(%run_scoped3A : memref<!tpu.dma_semaphore, #tpu.memory_space<semaphore_mem>>) src(%arg11 : memref<128x48xf32, #tpu.memory_space<vmem>>) dst(%dma_wait3A_281 : memref<128x48xf32, #tpu.memory_space<vmem_shared>>)
        tpu.yield
      }) : () -> ()
    }
    %scan3A_15 = arith.constant 5 : i32
    "tpu.region"() ({
      %run_scoped3A = tpu.sem_alloc : memref<!tpu.dma_semaphore, #tpu.memory_space<semaphore_mem>>
      %dma_start3A_264 = arith.constant 0 : i32
      %dma_start3A_265 = arith.constant 0 : i32
      %dma_start3A_266 = tpu.memref_slice %arg3[%add3A, %dma_start3A_264, %dma_start3A_265] : memref<32x80x128xi32, #tpu.memory_space<hbm>> -> memref<1x80x128xi32, #tpu.memory_space<hbm>>
      %dma_start3A_267 = tpu.memref_squeeze %dma_start3A_266 : memref<1x80x128xi32, #tpu.memory_space<hbm>> -> memref<80x128xi32, #tpu.memory_space<hbm>>
      %dma_start3A_268 = arith.constant 0 : i32
      %dma_start3A_269 = arith.constant 0 : i32
      %dma_start3A_270 = tpu.memref_slice %arg3[%add3A, %dma_start3A_268, %dma_start3A_269] : memref<32x80x128xi32, #tpu.memory_space<hbm>> -> memref<1x80x128xi32, #tpu.memory_space<hbm>>
      %dma_start3A_271 = tpu.memref_squeeze %dma_start3A_270 : memref<1x80x128xi32, #tpu.memory_space<hbm>> -> memref<80x128xi32, #tpu.memory_space<hbm>>
      tpu.enqueue_dma source(%dma_start3A_271 : memref<80x128xi32, #tpu.memory_space<hbm>>) target(%arg8 : memref<80x128xi32, #tpu.memory_space<vmem>>) target_semaphore(%run_scoped3A : memref<!tpu.dma_semaphore, #tpu.memory_space<semaphore_mem>>)
      %dma_wait3A_272 = arith.constant 0 : i32
      %dma_wait3A_273 = arith.constant 0 : i32
      %dma_wait3A_274 = tpu.memref_slice %arg3[%add3A, %dma_wait3A_272, %dma_wait3A_273] : memref<32x80x128xi32, #tpu.memory_space<hbm>> -> memref<1x80x128xi32, #tpu.memory_space<hbm>>
      %dma_wait3A_275 = tpu.memref_squeeze %dma_wait3A_274 : memref<1x80x128xi32, #tpu.memory_space<hbm>> -> memref<80x128xi32, #tpu.memory_space<hbm>>
      %dma_wait3A_276 = arith.constant 0 : i32
      %dma_wait3A_277 = arith.constant 0 : i32
      %dma_wait3A_278 = tpu.memref_slice %arg3[%add3A, %dma_wait3A_276, %dma_wait3A_277] : memref<32x80x128xi32, #tpu.memory_space<hbm>> -> memref<1x80x128xi32, #tpu.memory_space<hbm>>
      %dma_wait3A_279 = tpu.memref_squeeze %dma_wait3A_278 : memref<1x80x128xi32, #tpu.memory_space<hbm>> -> memref<80x128xi32, #tpu.memory_space<hbm>>
      tpu.wait_dma2 semaphore(%run_scoped3A : memref<!tpu.dma_semaphore, #tpu.memory_space<semaphore_mem>>) src(%dma_wait3A_279 : memref<80x128xi32, #tpu.memory_space<hbm>>) dst(%arg8 : memref<80x128xi32, #tpu.memory_space<vmem>>)
      tpu.yield
    }) : () -> ()
    "tpu.region"() ({
      %run_scoped3A = tpu.sem_alloc : memref<!tpu.dma_semaphore, #tpu.memory_space<semaphore_mem>>
      %dma_start3A_264 = arith.constant 0 : i32
      %dma_start3A_265 = arith.constant 0 : i32
      %dma_start3A_266 = tpu.memref_slice %arg4[%add3A, %dma_start3A_264, %dma_start3A_265] : memref<32x80x128xi32, #tpu.memory_space<hbm>> -> memref<1x80x128xi32, #tpu.memory_space<hbm>>
      %dma_start3A_267 = tpu.memref_squeeze %dma_start3A_266 : memref<1x80x128xi32, #tpu.memory_space<hbm>> -> memref<80x128xi32, #tpu.memory_space<hbm>>
      %dma_start3A_268 = arith.constant 0 : i32
      %dma_start3A_269 = arith.constant 0 : i32
      %dma_start3A_270 = tpu.memref_slice %arg4[%add3A, %dma_start3A_268, %dma_start3A_269] : memref<32x80x128xi32, #tpu.memory_space<hbm>> -> memref<1x80x128xi32, #tpu.memory_space<hbm>>
      %dma_start3A_271 = tpu.memref_squeeze %dma_start3A_270 : memref<1x80x128xi32, #tpu.memory_space<hbm>> -> memref<80x128xi32, #tpu.memory_space<hbm>>
      tpu.enqueue_dma source(%dma_start3A_271 : memref<80x128xi32, #tpu.memory_space<hbm>>) target(%arg9 : memref<80x128xi32, #tpu.memory_space<vmem>>) target_semaphore(%run_scoped3A : memref<!tpu.dma_semaphore, #tpu.memory_space<semaphore_mem>>)
      %dma_wait3A_272 = arith.constant 0 : i32
      %dma_wait3A_273 = arith.constant 0 : i32
      %dma_wait3A_274 = tpu.memref_slice %arg4[%add3A, %dma_wait3A_272, %dma_wait3A_273] : memref<32x80x128xi32, #tpu.memory_space<hbm>> -> memref<1x80x128xi32, #tpu.memory_space<hbm>>
      %dma_wait3A_275 = tpu.memref_squeeze %dma_wait3A_274 : memref<1x80x128xi32, #tpu.memory_space<hbm>> -> memref<80x128xi32, #tpu.memory_space<hbm>>
      %dma_wait3A_276 = arith.constant 0 : i32
      %dma_wait3A_277 = arith.constant 0 : i32
      %dma_wait3A_278 = tpu.memref_slice %arg4[%add3A, %dma_wait3A_276, %dma_wait3A_277] : memref<32x80x128xi32, #tpu.memory_space<hbm>> -> memref<1x80x128xi32, #tpu.memory_space<hbm>>
      %dma_wait3A_279 = tpu.memref_squeeze %dma_wait3A_278 : memref<1x80x128xi32, #tpu.memory_space<hbm>> -> memref<80x128xi32, #tpu.memory_space<hbm>>
      tpu.wait_dma2 semaphore(%run_scoped3A : memref<!tpu.dma_semaphore, #tpu.memory_space<semaphore_mem>>) src(%dma_wait3A_279 : memref<80x128xi32, #tpu.memory_space<hbm>>) dst(%arg9 : memref<80x128xi32, #tpu.memory_space<vmem>>)
      tpu.yield
    }) : () -> ()
    %barrier3A = arith.constant 0 : index
    tpu.barrier barrier_id(%barrier3A)
    %dma_start3A = arith.constant 0 : i32
    %dma_start3A_16 = arith.constant 0 : i32
    %dma_start3A_17 = arith.constant 0 : i32
    %dma_start3A_18 = arith.constant 0 : i32
    %dma_start3A_19 = arith.constant 0 : i32
    %dma_start3A_20 = tpu.memref_slice %arg10[%dma_start3A_16, %dma_start3A_18, %dma_start3A_19] : memref<4x128x48xf32, #tpu.memory_space<vmem>> -> memref<1x128x48xf32, #tpu.memory_space<vmem>>
    %dma_start3A_21 = tpu.memref_squeeze %dma_start3A_20 : memref<1x128x48xf32, #tpu.memory_space<vmem>> -> memref<128x48xf32, #tpu.memory_space<vmem>>
    %dma_start3A_22 = arith.constant 0 : i32
    %dma_start3A_23 = tpu.memref_slice %arg8[%dma_start3A, %dma_start3A_22] : memref<80x128xi32, #tpu.memory_space<vmem>> -> memref<1x128xi32, #tpu.memory_space<vmem>>
    %dma_start3A_24 = tpu.memref_squeeze %dma_start3A_23 : memref<1x128xi32, #tpu.memory_space<vmem>> -> memref<128xi32, #tpu.memory_space<vmem>>
    %dma_start3A_25 = arith.constant 0 : i32
    %dma_start3A_26 = arith.constant 0 : i32
    %dma_start3A_27 = tpu.memref_slice %arg7[%dma_start3A_25, %dma_start3A_26] : memref<10000x48xf32, #tpu.memory_space<vmem_shared>> -> memref<10000x48xf32, #tpu.memory_space<vmem_shared>>
    %dma_start3A_28 = tpu.memref_slice %arg12[%dma_start3A_17] : memref<4x!tpu.dma_semaphore, #tpu.memory_space<semaphore_mem>> -> memref<1x!tpu.dma_semaphore, #tpu.memory_space<semaphore_mem>>
    %dma_start3A_29 = tpu.memref_squeeze %dma_start3A_28 : memref<1x!tpu.dma_semaphore, #tpu.memory_space<semaphore_mem>> -> memref<!tpu.dma_semaphore, #tpu.memory_space<semaphore_mem>>
    tpu.enqueue_indirect_dma source(%dma_start3A_27 : memref<10000x48xf32, #tpu.memory_space<vmem_shared>>) target(%dma_start3A_21 : memref<128x48xf32, #tpu.memory_space<vmem>>) offsets(%dma_start3A_24 : memref<128xi32, #tpu.memory_space<vmem>>) semaphore(%dma_start3A_29 : memref<!tpu.dma_semaphore, #tpu.memory_space<semaphore_mem>>)
    %dma_start3A_30 = arith.constant 1 : i32
    %dma_start3A_31 = arith.constant 1 : i32
    %dma_start3A_32 = arith.constant 1 : i32
    %dma_start3A_33 = arith.constant 0 : i32
    %dma_start3A_34 = arith.constant 0 : i32
    %dma_start3A_35 = tpu.memref_slice %arg10[%dma_start3A_31, %dma_start3A_33, %dma_start3A_34] : memref<4x128x48xf32, #tpu.memory_space<vmem>> -> memref<1x128x48xf32, #tpu.memory_space<vmem>>
    %dma_start3A_36 = tpu.memref_squeeze %dma_start3A_35 : memref<1x128x48xf32, #tpu.memory_space<vmem>> -> memref<128x48xf32, #tpu.memory_space<vmem>>
    %dma_start3A_37 = arith.constant 0 : i32
    %dma_start3A_38 = tpu.memref_slice %arg8[%dma_start3A_30, %dma_start3A_37] : memref<80x128xi32, #tpu.memory_space<vmem>> -> memref<1x128xi32, #tpu.memory_space<vmem>>
    %dma_start3A_39 = tpu.memref_squeeze %dma_start3A_38 : memref<1x128xi32, #tpu.memory_space<vmem>> -> memref<128xi32, #tpu.memory_space<vmem>>
    %dma_start3A_40 = arith.constant 0 : i32
    %dma_start3A_41 = arith.constant 0 : i32
    %dma_start3A_42 = tpu.memref_slice %arg7[%dma_start3A_40, %dma_start3A_41] : memref<10000x48xf32, #tpu.memory_space<vmem_shared>> -> memref<10000x48xf32, #tpu.memory_space<vmem_shared>>
    %dma_start3A_43 = tpu.memref_slice %arg12[%dma_start3A_32] : memref<4x!tpu.dma_semaphore, #tpu.memory_space<semaphore_mem>> -> memref<1x!tpu.dma_semaphore, #tpu.memory_space<semaphore_mem>>
    %dma_start3A_44 = tpu.memref_squeeze %dma_start3A_43 : memref<1x!tpu.dma_semaphore, #tpu.memory_space<semaphore_mem>> -> memref<!tpu.dma_semaphore, #tpu.memory_space<semaphore_mem>>
    tpu.enqueue_indirect_dma source(%dma_start3A_42 : memref<10000x48xf32, #tpu.memory_space<vmem_shared>>) target(%dma_start3A_36 : memref<128x48xf32, #tpu.memory_space<vmem>>) offsets(%dma_start3A_39 : memref<128xi32, #tpu.memory_space<vmem>>) semaphore(%dma_start3A_44 : memref<!tpu.dma_semaphore, #tpu.memory_space<semaphore_mem>>)
    %dma_start3A_45 = arith.constant 2 : i32
    %dma_start3A_46 = arith.constant 2 : i32
    %dma_start3A_47 = arith.constant 2 : i32
    %dma_start3A_48 = arith.constant 0 : i32
    %dma_start3A_49 = arith.constant 0 : i32
    %dma_start3A_50 = tpu.memref_slice %arg10[%dma_start3A_46, %dma_start3A_48, %dma_start3A_49] : memref<4x128x48xf32, #tpu.memory_space<vmem>> -> memref<1x128x48xf32, #tpu.memory_space<vmem>>
    %dma_start3A_51 = tpu.memref_squeeze %dma_start3A_50 : memref<1x128x48xf32, #tpu.memory_space<vmem>> -> memref<128x48xf32, #tpu.memory_space<vmem>>
    %dma_start3A_52 = arith.constant 0 : i32
    %dma_start3A_53 = tpu.memref_slice %arg8[%dma_start3A_45, %dma_start3A_52] : memref<80x128xi32, #tpu.memory_space<vmem>> -> memref<1x128xi32, #tpu.memory_space<vmem>>
    %dma_start3A_54 = tpu.memref_squeeze %dma_start3A_53 : memref<1x128xi32, #tpu.memory_space<vmem>> -> memref<128xi32, #tpu.memory_space<vmem>>
    %dma_start3A_55 = arith.constant 0 : i32
    %dma_start3A_56 = arith.constant 0 : i32
    %dma_start3A_57 = tpu.memref_slice %arg7[%dma_start3A_55, %dma_start3A_56] : memref<10000x48xf32, #tpu.memory_space<vmem_shared>> -> memref<10000x48xf32, #tpu.memory_space<vmem_shared>>
    %dma_start3A_58 = tpu.memref_slice %arg12[%dma_start3A_47] : memref<4x!tpu.dma_semaphore, #tpu.memory_space<semaphore_mem>> -> memref<1x!tpu.dma_semaphore, #tpu.memory_space<semaphore_mem>>
    %dma_start3A_59 = tpu.memref_squeeze %dma_start3A_58 : memref<1x!tpu.dma_semaphore, #tpu.memory_space<semaphore_mem>> -> memref<!tpu.dma_semaphore, #tpu.memory_space<semaphore_mem>>
    tpu.enqueue_indirect_dma source(%dma_start3A_57 : memref<10000x48xf32, #tpu.memory_space<vmem_shared>>) target(%dma_start3A_51 : memref<128x48xf32, #tpu.memory_space<vmem>>) offsets(%dma_start3A_54 : memref<128xi32, #tpu.memory_space<vmem>>) semaphore(%dma_start3A_59 : memref<!tpu.dma_semaphore, #tpu.memory_space<semaphore_mem>>)
    %dma_start3A_60 = arith.constant 3 : i32
    %dma_start3A_61 = arith.constant 3 : i32
    %dma_start3A_62 = arith.constant 3 : i32
    %dma_start3A_63 = arith.constant 0 : i32
    %dma_start3A_64 = arith.constant 0 : i32
    %dma_start3A_65 = tpu.memref_slice %arg10[%dma_start3A_61, %dma_start3A_63, %dma_start3A_64] : memref<4x128x48xf32, #tpu.memory_space<vmem>> -> memref<1x128x48xf32, #tpu.memory_space<vmem>>
    %dma_start3A_66 = tpu.memref_squeeze %dma_start3A_65 : memref<1x128x48xf32, #tpu.memory_space<vmem>> -> memref<128x48xf32, #tpu.memory_space<vmem>>
    %dma_start3A_67 = arith.constant 0 : i32
    %dma_start3A_68 = tpu.memref_slice %arg8[%dma_start3A_60, %dma_start3A_67] : memref<80x128xi32, #tpu.memory_space<vmem>> -> memref<1x128xi32, #tpu.memory_space<vmem>>
    %dma_start3A_69 = tpu.memref_squeeze %dma_start3A_68 : memref<1x128xi32, #tpu.memory_space<vmem>> -> memref<128xi32, #tpu.memory_space<vmem>>
    %dma_start3A_70 = arith.constant 0 : i32
    %dma_start3A_71 = arith.constant 0 : i32
    %dma_start3A_72 = tpu.memref_slice %arg7[%dma_start3A_70, %dma_start3A_71] : memref<10000x48xf32, #tpu.memory_space<vmem_shared>> -> memref<10000x48xf32, #tpu.memory_space<vmem_shared>>
    %dma_start3A_73 = tpu.memref_slice %arg12[%dma_start3A_62] : memref<4x!tpu.dma_semaphore, #tpu.memory_space<semaphore_mem>> -> memref<1x!tpu.dma_semaphore, #tpu.memory_space<semaphore_mem>>
    %dma_start3A_74 = tpu.memref_squeeze %dma_start3A_73 : memref<1x!tpu.dma_semaphore, #tpu.memory_space<semaphore_mem>> -> memref<!tpu.dma_semaphore, #tpu.memory_space<semaphore_mem>>
    tpu.enqueue_indirect_dma source(%dma_start3A_72 : memref<10000x48xf32, #tpu.memory_space<vmem_shared>>) target(%dma_start3A_66 : memref<128x48xf32, #tpu.memory_space<vmem>>) offsets(%dma_start3A_69 : memref<128xi32, #tpu.memory_space<vmem>>) semaphore(%dma_start3A_74 : memref<!tpu.dma_semaphore, #tpu.memory_space<semaphore_mem>>)
    %scan3A_75 = arith.constant 0 : i32
    %scan3A_76 = arith.constant 19 : i32
    %scan3A_77 = arith.addi %scan3A_75, %scan3A_76 : i32
    %scan3A_78 = arith.constant 1 : i32
    scf.for %scan3A_264 = %scan3A_75 to %scan3A_77 step %scan3A_78  : i32 {
      %mul3A_265 = arith.constant 1 : i32
      %mul3A_266 = arith.muli %scan3A_264, %mul3A_265 : i32
      %add3A_267 = arith.constant 0 : i32
      %add3A_268 = arith.addi %add3A_267, %mul3A_266 : i32
      %mul3A_269 = arith.constant 4 : i32
      %mul3A_270 = arith.muli %add3A_268, %mul3A_269 : i32
      %add3A_271 = arith.constant 0 : i32
      %add3A_272 = arith.addi %mul3A_270, %add3A_271 : i32
      %dma_wait3A_273 = arith.constant 0 : i32
      %dma_wait3A_274 = arith.constant 0 : i32
      %dma_wait3A_275 = arith.constant 0 : i32
      %dma_wait3A_276 = arith.constant 0 : i32
      %dma_wait3A_277 = tpu.memref_slice %arg10[%dma_wait3A_273, %dma_wait3A_275, %dma_wait3A_276] : memref<4x128x48xf32, #tpu.memory_space<vmem>> -> memref<1x128x48xf32, #tpu.memory_space<vmem>>
      %dma_wait3A_278 = tpu.memref_squeeze %dma_wait3A_277 : memref<1x128x48xf32, #tpu.memory_space<vmem>> -> memref<128x48xf32, #tpu.memory_space<vmem>>
      %dma_wait3A_279 = arith.constant 0 : i32
      %dma_wait3A_280 = tpu.memref_slice %arg8[%add3A_272, %dma_wait3A_279] : memref<80x128xi32, #tpu.memory_space<vmem>> -> memref<1x128xi32, #tpu.memory_space<vmem>>
      %dma_wait3A_281 = tpu.memref_squeeze %dma_wait3A_280 : memref<1x128xi32, #tpu.memory_space<vmem>> -> memref<128xi32, #tpu.memory_space<vmem>>
      %dma_wait3A_282 = arith.constant 0 : i32
      %dma_wait3A_283 = arith.constant 0 : i32
      %dma_wait3A_284 = tpu.memref_slice %arg7[%dma_wait3A_282, %dma_wait3A_283] : memref<10000x48xf32, #tpu.memory_space<vmem_shared>> -> memref<10000x48xf32, #tpu.memory_space<vmem_shared>>
      %dma_wait3A_285 = tpu.memref_slice %arg12[%dma_wait3A_274] : memref<4x!tpu.dma_semaphore, #tpu.memory_space<semaphore_mem>> -> memref<1x!tpu.dma_semaphore, #tpu.memory_space<semaphore_mem>>
      %dma_wait3A_286 = tpu.memref_squeeze %dma_wait3A_285 : memref<1x!tpu.dma_semaphore, #tpu.memory_space<semaphore_mem>> -> memref<!tpu.dma_semaphore, #tpu.memory_space<semaphore_mem>>
      tpu.wait_indirect_dma semaphore(%dma_wait3A_286 : memref<!tpu.dma_semaphore, #tpu.memory_space<semaphore_mem>>) src(%dma_wait3A_284 : memref<10000x48xf32, #tpu.memory_space<vmem_shared>>) dst(%dma_wait3A_278 : memref<128x48xf32, #tpu.memory_space<vmem>>)
      %add3A_287 = arith.constant 0 : i32
      %add3A_288 = arith.addi %mul3A_270, %add3A_287 : i32
      %dma_start3A_289 = arith.constant 0 : i32
      %dma_start3A_290 = arith.constant 0 : i32
      %dma_start3A_291 = arith.constant 0 : i32
      %dma_start3A_292 = arith.constant 0 : i32
      %dma_start3A_293 = tpu.memref_slice %arg10[%dma_start3A_289, %dma_start3A_291, %dma_start3A_292] : memref<4x128x48xf32, #tpu.memory_space<vmem>> -> memref<1x128x48xf32, #tpu.memory_space<vmem>>
      %dma_start3A_294 = tpu.memref_squeeze %dma_start3A_293 : memref<1x128x48xf32, #tpu.memory_space<vmem>> -> memref<128x48xf32, #tpu.memory_space<vmem>>
      %dma_start3A_295 = arith.constant 0 : i32
      %dma_start3A_296 = tpu.memref_slice %arg9[%add3A_288, %dma_start3A_295] : memref<80x128xi32, #tpu.memory_space<vmem>> -> memref<1x128xi32, #tpu.memory_space<vmem>>
      %dma_start3A_297 = tpu.memref_squeeze %dma_start3A_296 : memref<1x128xi32, #tpu.memory_space<vmem>> -> memref<128xi32, #tpu.memory_space<vmem>>
      %dma_start3A_298 = arith.constant 0 : i32
      %dma_start3A_299 = arith.constant 0 : i32
      %dma_start3A_300 = tpu.memref_slice %arg6[%dma_start3A_298, %dma_start3A_299] : memref<10240x48xf32, #tpu.memory_space<vmem_shared>> -> memref<10240x48xf32, #tpu.memory_space<vmem_shared>>
      %dma_start3A_301 = tpu.memref_slice %arg13[%dma_start3A_290] : memref<4x!tpu.dma_semaphore, #tpu.memory_space<semaphore_mem>> -> memref<1x!tpu.dma_semaphore, #tpu.memory_space<semaphore_mem>>
      %dma_start3A_302 = tpu.memref_squeeze %dma_start3A_301 : memref<1x!tpu.dma_semaphore, #tpu.memory_space<semaphore_mem>> -> memref<!tpu.dma_semaphore, #tpu.memory_space<semaphore_mem>>
      tpu.enqueue_indirect_dma source(%dma_start3A_294 : memref<128x48xf32, #tpu.memory_space<vmem>>) target(%dma_start3A_300 : memref<10240x48xf32, #tpu.memory_space<vmem_shared>>) offsets(%dma_start3A_297 : memref<128xi32, #tpu.memory_space<vmem>>) semaphore(%dma_start3A_302 : memref<!tpu.dma_semaphore, #tpu.memory_space<semaphore_mem>>) {add = true}
      %add3A_303 = arith.constant 1 : i32
      %add3A_304 = arith.addi %mul3A_270, %add3A_303 : i32
      %dma_wait3A_305 = arith.constant 1 : i32
      %dma_wait3A_306 = arith.constant 1 : i32
      %dma_wait3A_307 = arith.constant 0 : i32
      %dma_wait3A_308 = arith.constant 0 : i32
      %dma_wait3A_309 = tpu.memref_slice %arg10[%dma_wait3A_305, %dma_wait3A_307, %dma_wait3A_308] : memref<4x128x48xf32, #tpu.memory_space<vmem>> -> memref<1x128x48xf32, #tpu.memory_space<vmem>>
      %dma_wait3A_310 = tpu.memref_squeeze %dma_wait3A_309 : memref<1x128x48xf32, #tpu.memory_space<vmem>> -> memref<128x48xf32, #tpu.memory_space<vmem>>
      %dma_wait3A_311 = arith.constant 0 : i32
      %dma_wait3A_312 = tpu.memref_slice %arg8[%add3A_304, %dma_wait3A_311] : memref<80x128xi32, #tpu.memory_space<vmem>> -> memref<1x128xi32, #tpu.memory_space<vmem>>
      %dma_wait3A_313 = tpu.memref_squeeze %dma_wait3A_312 : memref<1x128xi32, #tpu.memory_space<vmem>> -> memref<128xi32, #tpu.memory_space<vmem>>
      %dma_wait3A_314 = arith.constant 0 : i32
      %dma_wait3A_315 = arith.constant 0 : i32
      %dma_wait3A_316 = tpu.memref_slice %arg7[%dma_wait3A_314, %dma_wait3A_315] : memref<10000x48xf32, #tpu.memory_space<vmem_shared>> -> memref<10000x48xf32, #tpu.memory_space<vmem_shared>>
      %dma_wait3A_317 = tpu.memref_slice %arg12[%dma_wait3A_306] : memref<4x!tpu.dma_semaphore, #tpu.memory_space<semaphore_mem>> -> memref<1x!tpu.dma_semaphore, #tpu.memory_space<semaphore_mem>>
      %dma_wait3A_318 = tpu.memref_squeeze %dma_wait3A_317 : memref<1x!tpu.dma_semaphore, #tpu.memory_space<semaphore_mem>> -> memref<!tpu.dma_semaphore, #tpu.memory_space<semaphore_mem>>
      tpu.wait_indirect_dma semaphore(%dma_wait3A_318 : memref<!tpu.dma_semaphore, #tpu.memory_space<semaphore_mem>>) src(%dma_wait3A_316 : memref<10000x48xf32, #tpu.memory_space<vmem_shared>>) dst(%dma_wait3A_310 : memref<128x48xf32, #tpu.memory_space<vmem>>)
      %add3A_319 = arith.constant 1 : i32
      %add3A_320 = arith.addi %mul3A_270, %add3A_319 : i32
      %dma_start3A_321 = arith.constant 1 : i32
      %dma_start3A_322 = arith.constant 1 : i32
      %dma_start3A_323 = arith.constant 0 : i32
      %dma_start3A_324 = arith.constant 0 : i32
      %dma_start3A_325 = tpu.memref_slice %arg10[%dma_start3A_321, %dma_start3A_323, %dma_start3A_324] : memref<4x128x48xf32, #tpu.memory_space<vmem>> -> memref<1x128x48xf32, #tpu.memory_space<vmem>>
      %dma_start3A_326 = tpu.memref_squeeze %dma_start3A_325 : memref<1x128x48xf32, #tpu.memory_space<vmem>> -> memref<128x48xf32, #tpu.memory_space<vmem>>
      %dma_start3A_327 = arith.constant 0 : i32
      %dma_start3A_328 = tpu.memref_slice %arg9[%add3A_320, %dma_start3A_327] : memref<80x128xi32, #tpu.memory_space<vmem>> -> memref<1x128xi32, #tpu.memory_space<vmem>>
      %dma_start3A_329 = tpu.memref_squeeze %dma_start3A_328 : memref<1x128xi32, #tpu.memory_space<vmem>> -> memref<128xi32, #tpu.memory_space<vmem>>
      %dma_start3A_330 = arith.constant 0 : i32
      %dma_start3A_331 = arith.constant 0 : i32
      %dma_start3A_332 = tpu.memref_slice %arg6[%dma_start3A_330, %dma_start3A_331] : memref<10240x48xf32, #tpu.memory_space<vmem_shared>> -> memref<10240x48xf32, #tpu.memory_space<vmem_shared>>
      %dma_start3A_333 = tpu.memref_slice %arg13[%dma_start3A_322] : memref<4x!tpu.dma_semaphore, #tpu.memory_space<semaphore_mem>> -> memref<1x!tpu.dma_semaphore, #tpu.memory_space<semaphore_mem>>
      %dma_start3A_334 = tpu.memref_squeeze %dma_start3A_333 : memref<1x!tpu.dma_semaphore, #tpu.memory_space<semaphore_mem>> -> memref<!tpu.dma_semaphore, #tpu.memory_space<semaphore_mem>>
      tpu.enqueue_indirect_dma source(%dma_start3A_326 : memref<128x48xf32, #tpu.memory_space<vmem>>) target(%dma_start3A_332 : memref<10240x48xf32, #tpu.memory_space<vmem_shared>>) offsets(%dma_start3A_329 : memref<128xi32, #tpu.memory_space<vmem>>) semaphore(%dma_start3A_334 : memref<!tpu.dma_semaphore, #tpu.memory_space<semaphore_mem>>) {add = true}
      %add3A_335 = arith.constant 2 : i32
      %add3A_336 = arith.addi %mul3A_270, %add3A_335 : i32
      %dma_wait3A_337 = arith.constant 2 : i32
      %dma_wait3A_338 = arith.constant 2 : i32
      %dma_wait3A_339 = arith.constant 0 : i32
      %dma_wait3A_340 = arith.constant 0 : i32
      %dma_wait3A_341 = tpu.memref_slice %arg10[%dma_wait3A_337, %dma_wait3A_339, %dma_wait3A_340] : memref<4x128x48xf32, #tpu.memory_space<vmem>> -> memref<1x128x48xf32, #tpu.memory_space<vmem>>
      %dma_wait3A_342 = tpu.memref_squeeze %dma_wait3A_341 : memref<1x128x48xf32, #tpu.memory_space<vmem>> -> memref<128x48xf32, #tpu.memory_space<vmem>>
      %dma_wait3A_343 = arith.constant 0 : i32
      %dma_wait3A_344 = tpu.memref_slice %arg8[%add3A_336, %dma_wait3A_343] : memref<80x128xi32, #tpu.memory_space<vmem>> -> memref<1x128xi32, #tpu.memory_space<vmem>>
      %dma_wait3A_345 = tpu.memref_squeeze %dma_wait3A_344 : memref<1x128xi32, #tpu.memory_space<vmem>> -> memref<128xi32, #tpu.memory_space<vmem>>
      %dma_wait3A_346 = arith.constant 0 : i32
      %dma_wait3A_347 = arith.constant 0 : i32
      %dma_wait3A_348 = tpu.memref_slice %arg7[%dma_wait3A_346, %dma_wait3A_347] : memref<10000x48xf32, #tpu.memory_space<vmem_shared>> -> memref<10000x48xf32, #tpu.memory_space<vmem_shared>>
      %dma_wait3A_349 = tpu.memref_slice %arg12[%dma_wait3A_338] : memref<4x!tpu.dma_semaphore, #tpu.memory_space<semaphore_mem>> -> memref<1x!tpu.dma_semaphore, #tpu.memory_space<semaphore_mem>>
      %dma_wait3A_350 = tpu.memref_squeeze %dma_wait3A_349 : memref<1x!tpu.dma_semaphore, #tpu.memory_space<semaphore_mem>> -> memref<!tpu.dma_semaphore, #tpu.memory_space<semaphore_mem>>
      tpu.wait_indirect_dma semaphore(%dma_wait3A_350 : memref<!tpu.dma_semaphore, #tpu.memory_space<semaphore_mem>>) src(%dma_wait3A_348 : memref<10000x48xf32, #tpu.memory_space<vmem_shared>>) dst(%dma_wait3A_342 : memref<128x48xf32, #tpu.memory_space<vmem>>)
      %add3A_351 = arith.constant 2 : i32
      %add3A_352 = arith.addi %mul3A_270, %add3A_351 : i32
      %dma_start3A_353 = arith.constant 2 : i32
      %dma_start3A_354 = arith.constant 2 : i32
      %dma_start3A_355 = arith.constant 0 : i32
      %dma_start3A_356 = arith.constant 0 : i32
      %dma_start3A_357 = tpu.memref_slice %arg10[%dma_start3A_353, %dma_start3A_355, %dma_start3A_356] : memref<4x128x48xf32, #tpu.memory_space<vmem>> -> memref<1x128x48xf32, #tpu.memory_space<vmem>>
      %dma_start3A_358 = tpu.memref_squeeze %dma_start3A_357 : memref<1x128x48xf32, #tpu.memory_space<vmem>> -> memref<128x48xf32, #tpu.memory_space<vmem>>
      %dma_start3A_359 = arith.constant 0 : i32
      %dma_start3A_360 = tpu.memref_slice %arg9[%add3A_352, %dma_start3A_359] : memref<80x128xi32, #tpu.memory_space<vmem>> -> memref<1x128xi32, #tpu.memory_space<vmem>>
      %dma_start3A_361 = tpu.memref_squeeze %dma_start3A_360 : memref<1x128xi32, #tpu.memory_space<vmem>> -> memref<128xi32, #tpu.memory_space<vmem>>
      %dma_start3A_362 = arith.constant 0 : i32
      %dma_start3A_363 = arith.constant 0 : i32
      %dma_start3A_364 = tpu.memref_slice %arg6[%dma_start3A_362, %dma_start3A_363] : memref<10240x48xf32, #tpu.memory_space<vmem_shared>> -> memref<10240x48xf32, #tpu.memory_space<vmem_shared>>
      %dma_start3A_365 = tpu.memref_slice %arg13[%dma_start3A_354] : memref<4x!tpu.dma_semaphore, #tpu.memory_space<semaphore_mem>> -> memref<1x!tpu.dma_semaphore, #tpu.memory_space<semaphore_mem>>
      %dma_start3A_366 = tpu.memref_squeeze %dma_start3A_365 : memref<1x!tpu.dma_semaphore, #tpu.memory_space<semaphore_mem>> -> memref<!tpu.dma_semaphore, #tpu.memory_space<semaphore_mem>>
      tpu.enqueue_indirect_dma source(%dma_start3A_358 : memref<128x48xf32, #tpu.memory_space<vmem>>) target(%dma_start3A_364 : memref<10240x48xf32, #tpu.memory_space<vmem_shared>>) offsets(%dma_start3A_361 : memref<128xi32, #tpu.memory_space<vmem>>) semaphore(%dma_start3A_366 : memref<!tpu.dma_semaphore, #tpu.memory_space<semaphore_mem>>) {add = true}
      %add3A_367 = arith.constant 3 : i32
      %add3A_368 = arith.addi %mul3A_270, %add3A_367 : i32
      %dma_wait3A_369 = arith.constant 3 : i32
      %dma_wait3A_370 = arith.constant 3 : i32
      %dma_wait3A_371 = arith.constant 0 : i32
      %dma_wait3A_372 = arith.constant 0 : i32
      %dma_wait3A_373 = tpu.memref_slice %arg10[%dma_wait3A_369, %dma_wait3A_371, %dma_wait3A_372] : memref<4x128x48xf32, #tpu.memory_space<vmem>> -> memref<1x128x48xf32, #tpu.memory_space<vmem>>
      %dma_wait3A_374 = tpu.memref_squeeze %dma_wait3A_373 : memref<1x128x48xf32, #tpu.memory_space<vmem>> -> memref<128x48xf32, #tpu.memory_space<vmem>>
      %dma_wait3A_375 = arith.constant 0 : i32
      %dma_wait3A_376 = tpu.memref_slice %arg8[%add3A_368, %dma_wait3A_375] : memref<80x128xi32, #tpu.memory_space<vmem>> -> memref<1x128xi32, #tpu.memory_space<vmem>>
      %dma_wait3A_377 = tpu.memref_squeeze %dma_wait3A_376 : memref<1x128xi32, #tpu.memory_space<vmem>> -> memref<128xi32, #tpu.memory_space<vmem>>
      %dma_wait3A_378 = arith.constant 0 : i32
      %dma_wait3A_379 = arith.constant 0 : i32
      %dma_wait3A_380 = tpu.memref_slice %arg7[%dma_wait3A_378, %dma_wait3A_379] : memref<10000x48xf32, #tpu.memory_space<vmem_shared>> -> memref<10000x48xf32, #tpu.memory_space<vmem_shared>>
      %dma_wait3A_381 = tpu.memref_slice %arg12[%dma_wait3A_370] : memref<4x!tpu.dma_semaphore, #tpu.memory_space<semaphore_mem>> -> memref<1x!tpu.dma_semaphore, #tpu.memory_space<semaphore_mem>>
      %dma_wait3A_382 = tpu.memref_squeeze %dma_wait3A_381 : memref<1x!tpu.dma_semaphore, #tpu.memory_space<semaphore_mem>> -> memref<!tpu.dma_semaphore, #tpu.memory_space<semaphore_mem>>
      tpu.wait_indirect_dma semaphore(%dma_wait3A_382 : memref<!tpu.dma_semaphore, #tpu.memory_space<semaphore_mem>>) src(%dma_wait3A_380 : memref<10000x48xf32, #tpu.memory_space<vmem_shared>>) dst(%dma_wait3A_374 : memref<128x48xf32, #tpu.memory_space<vmem>>)
      %add3A_383 = arith.constant 3 : i32
      %add3A_384 = arith.addi %mul3A_270, %add3A_383 : i32
      %dma_start3A_385 = arith.constant 3 : i32
      %dma_start3A_386 = arith.constant 3 : i32
      %dma_start3A_387 = arith.constant 0 : i32
      %dma_start3A_388 = arith.constant 0 : i32
      %dma_start3A_389 = tpu.memref_slice %arg10[%dma_start3A_385, %dma_start3A_387, %dma_start3A_388] : memref<4x128x48xf32, #tpu.memory_space<vmem>> -> memref<1x128x48xf32, #tpu.memory_space<vmem>>
      %dma_start3A_390 = tpu.memref_squeeze %dma_start3A_389 : memref<1x128x48xf32, #tpu.memory_space<vmem>> -> memref<128x48xf32, #tpu.memory_space<vmem>>
      %dma_start3A_391 = arith.constant 0 : i32
      %dma_start3A_392 = tpu.memref_slice %arg9[%add3A_384, %dma_start3A_391] : memref<80x128xi32, #tpu.memory_space<vmem>> -> memref<1x128xi32, #tpu.memory_space<vmem>>
      %dma_start3A_393 = tpu.memref_squeeze %dma_start3A_392 : memref<1x128xi32, #tpu.memory_space<vmem>> -> memref<128xi32, #tpu.memory_space<vmem>>
      %dma_start3A_394 = arith.constant 0 : i32
      %dma_start3A_395 = arith.constant 0 : i32
      %dma_start3A_396 = tpu.memref_slice %arg6[%dma_start3A_394, %dma_start3A_395] : memref<10240x48xf32, #tpu.memory_space<vmem_shared>> -> memref<10240x48xf32, #tpu.memory_space<vmem_shared>>
      %dma_start3A_397 = tpu.memref_slice %arg13[%dma_start3A_386] : memref<4x!tpu.dma_semaphore, #tpu.memory_space<semaphore_mem>> -> memref<1x!tpu.dma_semaphore, #tpu.memory_space<semaphore_mem>>
      %dma_start3A_398 = tpu.memref_squeeze %dma_start3A_397 : memref<1x!tpu.dma_semaphore, #tpu.memory_space<semaphore_mem>> -> memref<!tpu.dma_semaphore, #tpu.memory_space<semaphore_mem>>
      tpu.enqueue_indirect_dma source(%dma_start3A_390 : memref<128x48xf32, #tpu.memory_space<vmem>>) target(%dma_start3A_396 : memref<10240x48xf32, #tpu.memory_space<vmem_shared>>) offsets(%dma_start3A_393 : memref<128xi32, #tpu.memory_space<vmem>>) semaphore(%dma_start3A_398 : memref<!tpu.dma_semaphore, #tpu.memory_space<semaphore_mem>>) {add = true}
      %add3A_399 = arith.constant 0 : i32
      %add3A_400 = arith.addi %mul3A_270, %add3A_399 : i32
      %dma_wait3A_401 = arith.constant 0 : i32
      %dma_wait3A_402 = arith.constant 0 : i32
      %dma_wait3A_403 = arith.constant 0 : i32
      %dma_wait3A_404 = arith.constant 0 : i32
      %dma_wait3A_405 = tpu.memref_slice %arg10[%dma_wait3A_401, %dma_wait3A_403, %dma_wait3A_404] : memref<4x128x48xf32, #tpu.memory_space<vmem>> -> memref<1x128x48xf32, #tpu.memory_space<vmem>>
      %dma_wait3A_406 = tpu.memref_squeeze %dma_wait3A_405 : memref<1x128x48xf32, #tpu.memory_space<vmem>> -> memref<128x48xf32, #tpu.memory_space<vmem>>
      %dma_wait3A_407 = arith.constant 0 : i32
      %dma_wait3A_408 = tpu.memref_slice %arg9[%add3A_400, %dma_wait3A_407] : memref<80x128xi32, #tpu.memory_space<vmem>> -> memref<1x128xi32, #tpu.memory_space<vmem>>
      %dma_wait3A_409 = tpu.memref_squeeze %dma_wait3A_408 : memref<1x128xi32, #tpu.memory_space<vmem>> -> memref<128xi32, #tpu.memory_space<vmem>>
      %dma_wait3A_410 = arith.constant 0 : i32
      %dma_wait3A_411 = arith.constant 0 : i32
      %dma_wait3A_412 = tpu.memref_slice %arg6[%dma_wait3A_410, %dma_wait3A_411] : memref<10240x48xf32, #tpu.memory_space<vmem_shared>> -> memref<10240x48xf32, #tpu.memory_space<vmem_shared>>
      %dma_wait3A_413 = tpu.memref_slice %arg13[%dma_wait3A_402] : memref<4x!tpu.dma_semaphore, #tpu.memory_space<semaphore_mem>> -> memref<1x!tpu.dma_semaphore, #tpu.memory_space<semaphore_mem>>
      %dma_wait3A_414 = tpu.memref_squeeze %dma_wait3A_413 : memref<1x!tpu.dma_semaphore, #tpu.memory_space<semaphore_mem>> -> memref<!tpu.dma_semaphore, #tpu.memory_space<semaphore_mem>>
      tpu.wait_indirect_dma semaphore(%dma_wait3A_414 : memref<!tpu.dma_semaphore, #tpu.memory_space<semaphore_mem>>) src(%dma_wait3A_406 : memref<128x48xf32, #tpu.memory_space<vmem>>) dst(%dma_wait3A_412 : memref<10240x48xf32, #tpu.memory_space<vmem_shared>>)
      %add3A_415 = arith.constant 4 : i32
      %add3A_416 = arith.addi %mul3A_270, %add3A_415 : i32
      %add3A_417 = arith.constant 0 : i32
      %add3A_418 = arith.addi %add3A_416, %add3A_417 : i32
      %dma_start3A_419 = arith.constant 0 : i32
      %dma_start3A_420 = arith.constant 0 : i32
      %dma_start3A_421 = arith.constant 0 : i32
      %dma_start3A_422 = arith.constant 0 : i32
      %dma_start3A_423 = tpu.memref_slice %arg10[%dma_start3A_419, %dma_start3A_421, %dma_start3A_422] : memref<4x128x48xf32, #tpu.memory_space<vmem>> -> memref<1x128x48xf32, #tpu.memory_space<vmem>>
      %dma_start3A_424 = tpu.memref_squeeze %dma_start3A_423 : memref<1x128x48xf32, #tpu.memory_space<vmem>> -> memref<128x48xf32, #tpu.memory_space<vmem>>
      %dma_start3A_425 = arith.constant 0 : i32
      %dma_start3A_426 = tpu.memref_slice %arg8[%add3A_418, %dma_start3A_425] : memref<80x128xi32, #tpu.memory_space<vmem>> -> memref<1x128xi32, #tpu.memory_space<vmem>>
      %dma_start3A_427 = tpu.memref_squeeze %dma_start3A_426 : memref<1x128xi32, #tpu.memory_space<vmem>> -> memref<128xi32, #tpu.memory_space<vmem>>
      %dma_start3A_428 = arith.constant 0 : i32
      %dma_start3A_429 = arith.constant 0 : i32
      %dma_start3A_430 = tpu.memref_slice %arg7[%dma_start3A_428, %dma_start3A_429] : memref<10000x48xf32, #tpu.memory_space<vmem_shared>> -> memref<10000x48xf32, #tpu.memory_space<vmem_shared>>
      %dma_start3A_431 = tpu.memref_slice %arg12[%dma_start3A_420] : memref<4x!tpu.dma_semaphore, #tpu.memory_space<semaphore_mem>> -> memref<1x!tpu.dma_semaphore, #tpu.memory_space<semaphore_mem>>
      %dma_start3A_432 = tpu.memref_squeeze %dma_start3A_431 : memref<1x!tpu.dma_semaphore, #tpu.memory_space<semaphore_mem>> -> memref<!tpu.dma_semaphore, #tpu.memory_space<semaphore_mem>>
      tpu.enqueue_indirect_dma source(%dma_start3A_430 : memref<10000x48xf32, #tpu.memory_space<vmem_shared>>) target(%dma_start3A_424 : memref<128x48xf32, #tpu.memory_space<vmem>>) offsets(%dma_start3A_427 : memref<128xi32, #tpu.memory_space<vmem>>) semaphore(%dma_start3A_432 : memref<!tpu.dma_semaphore, #tpu.memory_space<semaphore_mem>>)
      %add3A_433 = arith.constant 1 : i32
      %add3A_434 = arith.addi %mul3A_270, %add3A_433 : i32
      %dma_wait3A_435 = arith.constant 1 : i32
      %dma_wait3A_436 = arith.constant 1 : i32
      %dma_wait3A_437 = arith.constant 0 : i32
      %dma_wait3A_438 = arith.constant 0 : i32
      %dma_wait3A_439 = tpu.memref_slice %arg10[%dma_wait3A_435, %dma_wait3A_437, %dma_wait3A_438] : memref<4x128x48xf32, #tpu.memory_space<vmem>> -> memref<1x128x48xf32, #tpu.memory_space<vmem>>
      %dma_wait3A_440 = tpu.memref_squeeze %dma_wait3A_439 : memref<1x128x48xf32, #tpu.memory_space<vmem>> -> memref<128x48xf32, #tpu.memory_space<vmem>>
      %dma_wait3A_441 = arith.constant 0 : i32
      %dma_wait3A_442 = tpu.memref_slice %arg9[%add3A_434, %dma_wait3A_441] : memref<80x128xi32, #tpu.memory_space<vmem>> -> memref<1x128xi32, #tpu.memory_space<vmem>>
      %dma_wait3A_443 = tpu.memref_squeeze %dma_wait3A_442 : memref<1x128xi32, #tpu.memory_space<vmem>> -> memref<128xi32, #tpu.memory_space<vmem>>
      %dma_wait3A_444 = arith.constant 0 : i32
      %dma_wait3A_445 = arith.constant 0 : i32
      %dma_wait3A_446 = tpu.memref_slice %arg6[%dma_wait3A_444, %dma_wait3A_445] : memref<10240x48xf32, #tpu.memory_space<vmem_shared>> -> memref<10240x48xf32, #tpu.memory_space<vmem_shared>>
      %dma_wait3A_447 = tpu.memref_slice %arg13[%dma_wait3A_436] : memref<4x!tpu.dma_semaphore, #tpu.memory_space<semaphore_mem>> -> memref<1x!tpu.dma_semaphore, #tpu.memory_space<semaphore_mem>>
      %dma_wait3A_448 = tpu.memref_squeeze %dma_wait3A_447 : memref<1x!tpu.dma_semaphore, #tpu.memory_space<semaphore_mem>> -> memref<!tpu.dma_semaphore, #tpu.memory_space<semaphore_mem>>
      tpu.wait_indirect_dma semaphore(%dma_wait3A_448 : memref<!tpu.dma_semaphore, #tpu.memory_space<semaphore_mem>>) src(%dma_wait3A_440 : memref<128x48xf32, #tpu.memory_space<vmem>>) dst(%dma_wait3A_446 : memref<10240x48xf32, #tpu.memory_space<vmem_shared>>)
      %add3A_449 = arith.constant 4 : i32
      %add3A_450 = arith.addi %mul3A_270, %add3A_449 : i32
      %add3A_451 = arith.constant 1 : i32
      %add3A_452 = arith.addi %add3A_450, %add3A_451 : i32
      %dma_start3A_453 = arith.constant 1 : i32
      %dma_start3A_454 = arith.constant 1 : i32
      %dma_start3A_455 = arith.constant 0 : i32
      %dma_start3A_456 = arith.constant 0 : i32
      %dma_start3A_457 = tpu.memref_slice %arg10[%dma_start3A_453, %dma_start3A_455, %dma_start3A_456] : memref<4x128x48xf32, #tpu.memory_space<vmem>> -> memref<1x128x48xf32, #tpu.memory_space<vmem>>
      %dma_start3A_458 = tpu.memref_squeeze %dma_start3A_457 : memref<1x128x48xf32, #tpu.memory_space<vmem>> -> memref<128x48xf32, #tpu.memory_space<vmem>>
      %dma_start3A_459 = arith.constant 0 : i32
      %dma_start3A_460 = tpu.memref_slice %arg8[%add3A_452, %dma_start3A_459] : memref<80x128xi32, #tpu.memory_space<vmem>> -> memref<1x128xi32, #tpu.memory_space<vmem>>
      %dma_start3A_461 = tpu.memref_squeeze %dma_start3A_460 : memref<1x128xi32, #tpu.memory_space<vmem>> -> memref<128xi32, #tpu.memory_space<vmem>>
      %dma_start3A_462 = arith.constant 0 : i32
      %dma_start3A_463 = arith.constant 0 : i32
      %dma_start3A_464 = tpu.memref_slice %arg7[%dma_start3A_462, %dma_start3A_463] : memref<10000x48xf32, #tpu.memory_space<vmem_shared>> -> memref<10000x48xf32, #tpu.memory_space<vmem_shared>>
      %dma_start3A_465 = tpu.memref_slice %arg12[%dma_start3A_454] : memref<4x!tpu.dma_semaphore, #tpu.memory_space<semaphore_mem>> -> memref<1x!tpu.dma_semaphore, #tpu.memory_space<semaphore_mem>>
      %dma_start3A_466 = tpu.memref_squeeze %dma_start3A_465 : memref<1x!tpu.dma_semaphore, #tpu.memory_space<semaphore_mem>> -> memref<!tpu.dma_semaphore, #tpu.memory_space<semaphore_mem>>
      tpu.enqueue_indirect_dma source(%dma_start3A_464 : memref<10000x48xf32, #tpu.memory_space<vmem_shared>>) target(%dma_start3A_458 : memref<128x48xf32, #tpu.memory_space<vmem>>) offsets(%dma_start3A_461 : memref<128xi32, #tpu.memory_space<vmem>>) semaphore(%dma_start3A_466 : memref<!tpu.dma_semaphore, #tpu.memory_space<semaphore_mem>>)
      %add3A_467 = arith.constant 2 : i32
      %add3A_468 = arith.addi %mul3A_270, %add3A_467 : i32
      %dma_wait3A_469 = arith.constant 2 : i32
      %dma_wait3A_470 = arith.constant 2 : i32
      %dma_wait3A_471 = arith.constant 0 : i32
      %dma_wait3A_472 = arith.constant 0 : i32
      %dma_wait3A_473 = tpu.memref_slice %arg10[%dma_wait3A_469, %dma_wait3A_471, %dma_wait3A_472] : memref<4x128x48xf32, #tpu.memory_space<vmem>> -> memref<1x128x48xf32, #tpu.memory_space<vmem>>
      %dma_wait3A_474 = tpu.memref_squeeze %dma_wait3A_473 : memref<1x128x48xf32, #tpu.memory_space<vmem>> -> memref<128x48xf32, #tpu.memory_space<vmem>>
      %dma_wait3A_475 = arith.constant 0 : i32
      %dma_wait3A_476 = tpu.memref_slice %arg9[%add3A_468, %dma_wait3A_475] : memref<80x128xi32, #tpu.memory_space<vmem>> -> memref<1x128xi32, #tpu.memory_space<vmem>>
      %dma_wait3A_477 = tpu.memref_squeeze %dma_wait3A_476 : memref<1x128xi32, #tpu.memory_space<vmem>> -> memref<128xi32, #tpu.memory_space<vmem>>
      %dma_wait3A_478 = arith.constant 0 : i32
      %dma_wait3A_479 = arith.constant 0 : i32
      %dma_wait3A_480 = tpu.memref_slice %arg6[%dma_wait3A_478, %dma_wait3A_479] : memref<10240x48xf32, #tpu.memory_space<vmem_shared>> -> memref<10240x48xf32, #tpu.memory_space<vmem_shared>>
      %dma_wait3A_481 = tpu.memref_slice %arg13[%dma_wait3A_470] : memref<4x!tpu.dma_semaphore, #tpu.memory_space<semaphore_mem>> -> memref<1x!tpu.dma_semaphore, #tpu.memory_space<semaphore_mem>>
      %dma_wait3A_482 = tpu.memref_squeeze %dma_wait3A_481 : memref<1x!tpu.dma_semaphore, #tpu.memory_space<semaphore_mem>> -> memref<!tpu.dma_semaphore, #tpu.memory_space<semaphore_mem>>
      tpu.wait_indirect_dma semaphore(%dma_wait3A_482 : memref<!tpu.dma_semaphore, #tpu.memory_space<semaphore_mem>>) src(%dma_wait3A_474 : memref<128x48xf32, #tpu.memory_space<vmem>>) dst(%dma_wait3A_480 : memref<10240x48xf32, #tpu.memory_space<vmem_shared>>)
      %add3A_483 = arith.constant 4 : i32
      %add3A_484 = arith.addi %mul3A_270, %add3A_483 : i32
      %add3A_485 = arith.constant 2 : i32
      %add3A_486 = arith.addi %add3A_484, %add3A_485 : i32
      %dma_start3A_487 = arith.constant 2 : i32
      %dma_start3A_488 = arith.constant 2 : i32
      %dma_start3A_489 = arith.constant 0 : i32
      %dma_start3A_490 = arith.constant 0 : i32
      %dma_start3A_491 = tpu.memref_slice %arg10[%dma_start3A_487, %dma_start3A_489, %dma_start3A_490] : memref<4x128x48xf32, #tpu.memory_space<vmem>> -> memref<1x128x48xf32, #tpu.memory_space<vmem>>
      %dma_start3A_492 = tpu.memref_squeeze %dma_start3A_491 : memref<1x128x48xf32, #tpu.memory_space<vmem>> -> memref<128x48xf32, #tpu.memory_space<vmem>>
      %dma_start3A_493 = arith.constant 0 : i32
      %dma_start3A_494 = tpu.memref_slice %arg8[%add3A_486, %dma_start3A_493] : memref<80x128xi32, #tpu.memory_space<vmem>> -> memref<1x128xi32, #tpu.memory_space<vmem>>
      %dma_start3A_495 = tpu.memref_squeeze %dma_start3A_494 : memref<1x128xi32, #tpu.memory_space<vmem>> -> memref<128xi32, #tpu.memory_space<vmem>>
      %dma_start3A_496 = arith.constant 0 : i32
      %dma_start3A_497 = arith.constant 0 : i32
      %dma_start3A_498 = tpu.memref_slice %arg7[%dma_start3A_496, %dma_start3A_497] : memref<10000x48xf32, #tpu.memory_space<vmem_shared>> -> memref<10000x48xf32, #tpu.memory_space<vmem_shared>>
      %dma_start3A_499 = tpu.memref_slice %arg12[%dma_start3A_488] : memref<4x!tpu.dma_semaphore, #tpu.memory_space<semaphore_mem>> -> memref<1x!tpu.dma_semaphore, #tpu.memory_space<semaphore_mem>>
      %dma_start3A_500 = tpu.memref_squeeze %dma_start3A_499 : memref<1x!tpu.dma_semaphore, #tpu.memory_space<semaphore_mem>> -> memref<!tpu.dma_semaphore, #tpu.memory_space<semaphore_mem>>
      tpu.enqueue_indirect_dma source(%dma_start3A_498 : memref<10000x48xf32, #tpu.memory_space<vmem_shared>>) target(%dma_start3A_492 : memref<128x48xf32, #tpu.memory_space<vmem>>) offsets(%dma_start3A_495 : memref<128xi32, #tpu.memory_space<vmem>>) semaphore(%dma_start3A_500 : memref<!tpu.dma_semaphore, #tpu.memory_space<semaphore_mem>>)
      %add3A_501 = arith.constant 3 : i32
      %add3A_502 = arith.addi %mul3A_270, %add3A_501 : i32
      %dma_wait3A_503 = arith.constant 3 : i32
      %dma_wait3A_504 = arith.constant 3 : i32
      %dma_wait3A_505 = arith.constant 0 : i32
      %dma_wait3A_506 = arith.constant 0 : i32
      %dma_wait3A_507 = tpu.memref_slice %arg10[%dma_wait3A_503, %dma_wait3A_505, %dma_wait3A_506] : memref<4x128x48xf32, #tpu.memory_space<vmem>> -> memref<1x128x48xf32, #tpu.memory_space<vmem>>
      %dma_wait3A_508 = tpu.memref_squeeze %dma_wait3A_507 : memref<1x128x48xf32, #tpu.memory_space<vmem>> -> memref<128x48xf32, #tpu.memory_space<vmem>>
      %dma_wait3A_509 = arith.constant 0 : i32
      %dma_wait3A_510 = tpu.memref_slice %arg9[%add3A_502, %dma_wait3A_509] : memref<80x128xi32, #tpu.memory_space<vmem>> -> memref<1x128xi32, #tpu.memory_space<vmem>>
      %dma_wait3A_511 = tpu.memref_squeeze %dma_wait3A_510 : memref<1x128xi32, #tpu.memory_space<vmem>> -> memref<128xi32, #tpu.memory_space<vmem>>
      %dma_wait3A_512 = arith.constant 0 : i32
      %dma_wait3A_513 = arith.constant 0 : i32
      %dma_wait3A_514 = tpu.memref_slice %arg6[%dma_wait3A_512, %dma_wait3A_513] : memref<10240x48xf32, #tpu.memory_space<vmem_shared>> -> memref<10240x48xf32, #tpu.memory_space<vmem_shared>>
      %dma_wait3A_515 = tpu.memref_slice %arg13[%dma_wait3A_504] : memref<4x!tpu.dma_semaphore, #tpu.memory_space<semaphore_mem>> -> memref<1x!tpu.dma_semaphore, #tpu.memory_space<semaphore_mem>>
      %dma_wait3A_516 = tpu.memref_squeeze %dma_wait3A_515 : memref<1x!tpu.dma_semaphore, #tpu.memory_space<semaphore_mem>> -> memref<!tpu.dma_semaphore, #tpu.memory_space<semaphore_mem>>
      tpu.wait_indirect_dma semaphore(%dma_wait3A_516 : memref<!tpu.dma_semaphore, #tpu.memory_space<semaphore_mem>>) src(%dma_wait3A_508 : memref<128x48xf32, #tpu.memory_space<vmem>>) dst(%dma_wait3A_514 : memref<10240x48xf32, #tpu.memory_space<vmem_shared>>)
      %add3A_517 = arith.constant 4 : i32
      %add3A_518 = arith.addi %mul3A_270, %add3A_517 : i32
      %add3A_519 = arith.constant 3 : i32
      %add3A_520 = arith.addi %add3A_518, %add3A_519 : i32
      %dma_start3A_521 = arith.constant 3 : i32
      %dma_start3A_522 = arith.constant 3 : i32
      %dma_start3A_523 = arith.constant 0 : i32
      %dma_start3A_524 = arith.constant 0 : i32
      %dma_start3A_525 = tpu.memref_slice %arg10[%dma_start3A_521, %dma_start3A_523, %dma_start3A_524] : memref<4x128x48xf32, #tpu.memory_space<vmem>> -> memref<1x128x48xf32, #tpu.memory_space<vmem>>
      %dma_start3A_526 = tpu.memref_squeeze %dma_start3A_525 : memref<1x128x48xf32, #tpu.memory_space<vmem>> -> memref<128x48xf32, #tpu.memory_space<vmem>>
      %dma_start3A_527 = arith.constant 0 : i32
      %dma_start3A_528 = tpu.memref_slice %arg8[%add3A_520, %dma_start3A_527] : memref<80x128xi32, #tpu.memory_space<vmem>> -> memref<1x128xi32, #tpu.memory_space<vmem>>
      %dma_start3A_529 = tpu.memref_squeeze %dma_start3A_528 : memref<1x128xi32, #tpu.memory_space<vmem>> -> memref<128xi32, #tpu.memory_space<vmem>>
      %dma_start3A_530 = arith.constant 0 : i32
      %dma_start3A_531 = arith.constant 0 : i32
      %dma_start3A_532 = tpu.memref_slice %arg7[%dma_start3A_530, %dma_start3A_531] : memref<10000x48xf32, #tpu.memory_space<vmem_shared>> -> memref<10000x48xf32, #tpu.memory_space<vmem_shared>>
      %dma_start3A_533 = tpu.memref_slice %arg12[%dma_start3A_522] : memref<4x!tpu.dma_semaphore, #tpu.memory_space<semaphore_mem>> -> memref<1x!tpu.dma_semaphore, #tpu.memory_space<semaphore_mem>>
      %dma_start3A_534 = tpu.memref_squeeze %dma_start3A_533 : memref<1x!tpu.dma_semaphore, #tpu.memory_space<semaphore_mem>> -> memref<!tpu.dma_semaphore, #tpu.memory_space<semaphore_mem>>
      tpu.enqueue_indirect_dma source(%dma_start3A_532 : memref<10000x48xf32, #tpu.memory_space<vmem_shared>>) target(%dma_start3A_526 : memref<128x48xf32, #tpu.memory_space<vmem>>) offsets(%dma_start3A_529 : memref<128xi32, #tpu.memory_space<vmem>>) semaphore(%dma_start3A_534 : memref<!tpu.dma_semaphore, #tpu.memory_space<semaphore_mem>>)
    }
    %scan3A_79 = arith.constant 19 : i32
    %dma_wait3A = arith.constant 76 : i32
    %dma_wait3A_80 = arith.constant 0 : i32
    %dma_wait3A_81 = arith.constant 0 : i32
    %dma_wait3A_82 = arith.constant 0 : i32
    %dma_wait3A_83 = arith.constant 0 : i32
    %dma_wait3A_84 = tpu.memref_slice %arg10[%dma_wait3A_80, %dma_wait3A_82, %dma_wait3A_83] : memref<4x128x48xf32, #tpu.memory_space<vmem>> -> memref<1x128x48xf32, #tpu.memory_space<vmem>>
    %dma_wait3A_85 = tpu.memref_squeeze %dma_wait3A_84 : memref<1x128x48xf32, #tpu.memory_space<vmem>> -> memref<128x48xf32, #tpu.memory_space<vmem>>
    %dma_wait3A_86 = arith.constant 0 : i32
    %dma_wait3A_87 = tpu.memref_slice %arg8[%dma_wait3A, %dma_wait3A_86] : memref<80x128xi32, #tpu.memory_space<vmem>> -> memref<1x128xi32, #tpu.memory_space<vmem>>
    %dma_wait3A_88 = tpu.memref_squeeze %dma_wait3A_87 : memref<1x128xi32, #tpu.memory_space<vmem>> -> memref<128xi32, #tpu.memory_space<vmem>>
    %dma_wait3A_89 = arith.constant 0 : i32
    %dma_wait3A_90 = arith.constant 0 : i32
    %dma_wait3A_91 = tpu.memref_slice %arg7[%dma_wait3A_89, %dma_wait3A_90] : memref<10000x48xf32, #tpu.memory_space<vmem_shared>> -> memref<10000x48xf32, #tpu.memory_space<vmem_shared>>
    %dma_wait3A_92 = tpu.memref_slice %arg12[%dma_wait3A_81] : memref<4x!tpu.dma_semaphore, #tpu.memory_space<semaphore_mem>> -> memref<1x!tpu.dma_semaphore, #tpu.memory_space<semaphore_mem>>
    %dma_wait3A_93 = tpu.memref_squeeze %dma_wait3A_92 : memref<1x!tpu.dma_semaphore, #tpu.memory_space<semaphore_mem>> -> memref<!tpu.dma_semaphore, #tpu.memory_space<semaphore_mem>>
    tpu.wait_indirect_dma semaphore(%dma_wait3A_93 : memref<!tpu.dma_semaphore, #tpu.memory_space<semaphore_mem>>) src(%dma_wait3A_91 : memref<10000x48xf32, #tpu.memory_space<vmem_shared>>) dst(%dma_wait3A_85 : memref<128x48xf32, #tpu.memory_space<vmem>>)
    %dma_start3A_94 = arith.constant 0 : i32
    %dma_start3A_95 = arith.constant 76 : i32
    %dma_start3A_96 = arith.constant 0 : i32
    %dma_start3A_97 = arith.constant 0 : i32
    %dma_start3A_98 = arith.constant 0 : i32
    %dma_start3A_99 = tpu.memref_slice %arg10[%dma_start3A_94, %dma_start3A_97, %dma_start3A_98] : memref<4x128x48xf32, #tpu.memory_space<vmem>> -> memref<1x128x48xf32, #tpu.memory_space<vmem>>
    %dma_start3A_100 = tpu.memref_squeeze %dma_start3A_99 : memref<1x128x48xf32, #tpu.memory_space<vmem>> -> memref<128x48xf32, #tpu.memory_space<vmem>>
    %dma_start3A_101 = arith.constant 0 : i32
    %dma_start3A_102 = tpu.memref_slice %arg9[%dma_start3A_95, %dma_start3A_101] : memref<80x128xi32, #tpu.memory_space<vmem>> -> memref<1x128xi32, #tpu.memory_space<vmem>>
    %dma_start3A_103 = tpu.memref_squeeze %dma_start3A_102 : memref<1x128xi32, #tpu.memory_space<vmem>> -> memref<128xi32, #tpu.memory_space<vmem>>
    %dma_start3A_104 = arith.constant 0 : i32
    %dma_start3A_105 = arith.constant 0 : i32
    %dma_start3A_106 = tpu.memref_slice %arg6[%dma_start3A_104, %dma_start3A_105] : memref<10240x48xf32, #tpu.memory_space<vmem_shared>> -> memref<10240x48xf32, #tpu.memory_space<vmem_shared>>
    %dma_start3A_107 = tpu.memref_slice %arg13[%dma_start3A_96] : memref<4x!tpu.dma_semaphore, #tpu.memory_space<semaphore_mem>> -> memref<1x!tpu.dma_semaphore, #tpu.memory_space<semaphore_mem>>
    %dma_start3A_108 = tpu.memref_squeeze %dma_start3A_107 : memref<1x!tpu.dma_semaphore, #tpu.memory_space<semaphore_mem>> -> memref<!tpu.dma_semaphore, #tpu.memory_space<semaphore_mem>>
    tpu.enqueue_indirect_dma source(%dma_start3A_100 : memref<128x48xf32, #tpu.memory_space<vmem>>) target(%dma_start3A_106 : memref<10240x48xf32, #tpu.memory_space<vmem_shared>>) offsets(%dma_start3A_103 : memref<128xi32, #tpu.memory_space<vmem>>) semaphore(%dma_start3A_108 : memref<!tpu.dma_semaphore, #tpu.memory_space<semaphore_mem>>) {add = true}
    %dma_wait3A_109 = arith.constant 77 : i32
    %dma_wait3A_110 = arith.constant 1 : i32
    %dma_wait3A_111 = arith.constant 1 : i32
    %dma_wait3A_112 = arith.constant 0 : i32
    %dma_wait3A_113 = arith.constant 0 : i32
    %dma_wait3A_114 = tpu.memref_slice %arg10[%dma_wait3A_110, %dma_wait3A_112, %dma_wait3A_113] : memref<4x128x48xf32, #tpu.memory_space<vmem>> -> memref<1x128x48xf32, #tpu.memory_space<vmem>>
    %dma_wait3A_115 = tpu.memref_squeeze %dma_wait3A_114 : memref<1x128x48xf32, #tpu.memory_space<vmem>> -> memref<128x48xf32, #tpu.memory_space<vmem>>
    %dma_wait3A_116 = arith.constant 0 : i32
    %dma_wait3A_117 = tpu.memref_slice %arg8[%dma_wait3A_109, %dma_wait3A_116] : memref<80x128xi32, #tpu.memory_space<vmem>> -> memref<1x128xi32, #tpu.memory_space<vmem>>
    %dma_wait3A_118 = tpu.memref_squeeze %dma_wait3A_117 : memref<1x128xi32, #tpu.memory_space<vmem>> -> memref<128xi32, #tpu.memory_space<vmem>>
    %dma_wait3A_119 = arith.constant 0 : i32
    %dma_wait3A_120 = arith.constant 0 : i32
    %dma_wait3A_121 = tpu.memref_slice %arg7[%dma_wait3A_119, %dma_wait3A_120] : memref<10000x48xf32, #tpu.memory_space<vmem_shared>> -> memref<10000x48xf32, #tpu.memory_space<vmem_shared>>
    %dma_wait3A_122 = tpu.memref_slice %arg12[%dma_wait3A_111] : memref<4x!tpu.dma_semaphore, #tpu.memory_space<semaphore_mem>> -> memref<1x!tpu.dma_semaphore, #tpu.memory_space<semaphore_mem>>
    %dma_wait3A_123 = tpu.memref_squeeze %dma_wait3A_122 : memref<1x!tpu.dma_semaphore, #tpu.memory_space<semaphore_mem>> -> memref<!tpu.dma_semaphore, #tpu.memory_space<semaphore_mem>>
    tpu.wait_indirect_dma semaphore(%dma_wait3A_123 : memref<!tpu.dma_semaphore, #tpu.memory_space<semaphore_mem>>) src(%dma_wait3A_121 : memref<10000x48xf32, #tpu.memory_space<vmem_shared>>) dst(%dma_wait3A_115 : memref<128x48xf32, #tpu.memory_space<vmem>>)
    %dma_start3A_124 = arith.constant 1 : i32
    %dma_start3A_125 = arith.constant 77 : i32
    %dma_start3A_126 = arith.constant 1 : i32
    %dma_start3A_127 = arith.constant 0 : i32
    %dma_start3A_128 = arith.constant 0 : i32
    %dma_start3A_129 = tpu.memref_slice %arg10[%dma_start3A_124, %dma_start3A_127, %dma_start3A_128] : memref<4x128x48xf32, #tpu.memory_space<vmem>> -> memref<1x128x48xf32, #tpu.memory_space<vmem>>
    %dma_start3A_130 = tpu.memref_squeeze %dma_start3A_129 : memref<1x128x48xf32, #tpu.memory_space<vmem>> -> memref<128x48xf32, #tpu.memory_space<vmem>>
    %dma_start3A_131 = arith.constant 0 : i32
    %dma_start3A_132 = tpu.memref_slice %arg9[%dma_start3A_125, %dma_start3A_131] : memref<80x128xi32, #tpu.memory_space<vmem>> -> memref<1x128xi32, #tpu.memory_space<vmem>>
    %dma_start3A_133 = tpu.memref_squeeze %dma_start3A_132 : memref<1x128xi32, #tpu.memory_space<vmem>> -> memref<128xi32, #tpu.memory_space<vmem>>
    %dma_start3A_134 = arith.constant 0 : i32
    %dma_start3A_135 = arith.constant 0 : i32
    %dma_start3A_136 = tpu.memref_slice %arg6[%dma_start3A_134, %dma_start3A_135] : memref<10240x48xf32, #tpu.memory_space<vmem_shared>> -> memref<10240x48xf32, #tpu.memory_space<vmem_shared>>
    %dma_start3A_137 = tpu.memref_slice %arg13[%dma_start3A_126] : memref<4x!tpu.dma_semaphore, #tpu.memory_space<semaphore_mem>> -> memref<1x!tpu.dma_semaphore, #tpu.memory_space<semaphore_mem>>
    %dma_start3A_138 = tpu.memref_squeeze %dma_start3A_137 : memref<1x!tpu.dma_semaphore, #tpu.memory_space<semaphore_mem>> -> memref<!tpu.dma_semaphore, #tpu.memory_space<semaphore_mem>>
    tpu.enqueue_indirect_dma source(%dma_start3A_130 : memref<128x48xf32, #tpu.memory_space<vmem>>) target(%dma_start3A_136 : memref<10240x48xf32, #tpu.memory_space<vmem_shared>>) offsets(%dma_start3A_133 : memref<128xi32, #tpu.memory_space<vmem>>) semaphore(%dma_start3A_138 : memref<!tpu.dma_semaphore, #tpu.memory_space<semaphore_mem>>) {add = true}
    %dma_wait3A_139 = arith.constant 78 : i32
    %dma_wait3A_140 = arith.constant 2 : i32
    %dma_wait3A_141 = arith.constant 2 : i32
    %dma_wait3A_142 = arith.constant 0 : i32
    %dma_wait3A_143 = arith.constant 0 : i32
    %dma_wait3A_144 = tpu.memref_slice %arg10[%dma_wait3A_140, %dma_wait3A_142, %dma_wait3A_143] : memref<4x128x48xf32, #tpu.memory_space<vmem>> -> memref<1x128x48xf32, #tpu.memory_space<vmem>>
    %dma_wait3A_145 = tpu.memref_squeeze %dma_wait3A_144 : memref<1x128x48xf32, #tpu.memory_space<vmem>> -> memref<128x48xf32, #tpu.memory_space<vmem>>
    %dma_wait3A_146 = arith.constant 0 : i32
    %dma_wait3A_147 = tpu.memref_slice %arg8[%dma_wait3A_139, %dma_wait3A_146] : memref<80x128xi32, #tpu.memory_space<vmem>> -> memref<1x128xi32, #tpu.memory_space<vmem>>
    %dma_wait3A_148 = tpu.memref_squeeze %dma_wait3A_147 : memref<1x128xi32, #tpu.memory_space<vmem>> -> memref<128xi32, #tpu.memory_space<vmem>>
    %dma_wait3A_149 = arith.constant 0 : i32
    %dma_wait3A_150 = arith.constant 0 : i32
    %dma_wait3A_151 = tpu.memref_slice %arg7[%dma_wait3A_149, %dma_wait3A_150] : memref<10000x48xf32, #tpu.memory_space<vmem_shared>> -> memref<10000x48xf32, #tpu.memory_space<vmem_shared>>
    %dma_wait3A_152 = tpu.memref_slice %arg12[%dma_wait3A_141] : memref<4x!tpu.dma_semaphore, #tpu.memory_space<semaphore_mem>> -> memref<1x!tpu.dma_semaphore, #tpu.memory_space<semaphore_mem>>
    %dma_wait3A_153 = tpu.memref_squeeze %dma_wait3A_152 : memref<1x!tpu.dma_semaphore, #tpu.memory_space<semaphore_mem>> -> memref<!tpu.dma_semaphore, #tpu.memory_space<semaphore_mem>>
    tpu.wait_indirect_dma semaphore(%dma_wait3A_153 : memref<!tpu.dma_semaphore, #tpu.memory_space<semaphore_mem>>) src(%dma_wait3A_151 : memref<10000x48xf32, #tpu.memory_space<vmem_shared>>) dst(%dma_wait3A_145 : memref<128x48xf32, #tpu.memory_space<vmem>>)
    %dma_start3A_154 = arith.constant 2 : i32
    %dma_start3A_155 = arith.constant 78 : i32
    %dma_start3A_156 = arith.constant 2 : i32
    %dma_start3A_157 = arith.constant 0 : i32
    %dma_start3A_158 = arith.constant 0 : i32
    %dma_start3A_159 = tpu.memref_slice %arg10[%dma_start3A_154, %dma_start3A_157, %dma_start3A_158] : memref<4x128x48xf32, #tpu.memory_space<vmem>> -> memref<1x128x48xf32, #tpu.memory_space<vmem>>
    %dma_start3A_160 = tpu.memref_squeeze %dma_start3A_159 : memref<1x128x48xf32, #tpu.memory_space<vmem>> -> memref<128x48xf32, #tpu.memory_space<vmem>>
    %dma_start3A_161 = arith.constant 0 : i32
    %dma_start3A_162 = tpu.memref_slice %arg9[%dma_start3A_155, %dma_start3A_161] : memref<80x128xi32, #tpu.memory_space<vmem>> -> memref<1x128xi32, #tpu.memory_space<vmem>>
    %dma_start3A_163 = tpu.memref_squeeze %dma_start3A_162 : memref<1x128xi32, #tpu.memory_space<vmem>> -> memref<128xi32, #tpu.memory_space<vmem>>
    %dma_start3A_164 = arith.constant 0 : i32
    %dma_start3A_165 = arith.constant 0 : i32
    %dma_start3A_166 = tpu.memref_slice %arg6[%dma_start3A_164, %dma_start3A_165] : memref<10240x48xf32, #tpu.memory_space<vmem_shared>> -> memref<10240x48xf32, #tpu.memory_space<vmem_shared>>
    %dma_start3A_167 = tpu.memref_slice %arg13[%dma_start3A_156] : memref<4x!tpu.dma_semaphore, #tpu.memory_space<semaphore_mem>> -> memref<1x!tpu.dma_semaphore, #tpu.memory_space<semaphore_mem>>
    %dma_start3A_168 = tpu.memref_squeeze %dma_start3A_167 : memref<1x!tpu.dma_semaphore, #tpu.memory_space<semaphore_mem>> -> memref<!tpu.dma_semaphore, #tpu.memory_space<semaphore_mem>>
    tpu.enqueue_indirect_dma source(%dma_start3A_160 : memref<128x48xf32, #tpu.memory_space<vmem>>) target(%dma_start3A_166 : memref<10240x48xf32, #tpu.memory_space<vmem_shared>>) offsets(%dma_start3A_163 : memref<128xi32, #tpu.memory_space<vmem>>) semaphore(%dma_start3A_168 : memref<!tpu.dma_semaphore, #tpu.memory_space<semaphore_mem>>) {add = true}
    %dma_wait3A_169 = arith.constant 79 : i32
    %dma_wait3A_170 = arith.constant 3 : i32
    %dma_wait3A_171 = arith.constant 3 : i32
    %dma_wait3A_172 = arith.constant 0 : i32
    %dma_wait3A_173 = arith.constant 0 : i32
    %dma_wait3A_174 = tpu.memref_slice %arg10[%dma_wait3A_170, %dma_wait3A_172, %dma_wait3A_173] : memref<4x128x48xf32, #tpu.memory_space<vmem>> -> memref<1x128x48xf32, #tpu.memory_space<vmem>>
    %dma_wait3A_175 = tpu.memref_squeeze %dma_wait3A_174 : memref<1x128x48xf32, #tpu.memory_space<vmem>> -> memref<128x48xf32, #tpu.memory_space<vmem>>
    %dma_wait3A_176 = arith.constant 0 : i32
    %dma_wait3A_177 = tpu.memref_slice %arg8[%dma_wait3A_169, %dma_wait3A_176] : memref<80x128xi32, #tpu.memory_space<vmem>> -> memref<1x128xi32, #tpu.memory_space<vmem>>
    %dma_wait3A_178 = tpu.memref_squeeze %dma_wait3A_177 : memref<1x128xi32, #tpu.memory_space<vmem>> -> memref<128xi32, #tpu.memory_space<vmem>>
    %dma_wait3A_179 = arith.constant 0 : i32
    %dma_wait3A_180 = arith.constant 0 : i32
    %dma_wait3A_181 = tpu.memref_slice %arg7[%dma_wait3A_179, %dma_wait3A_180] : memref<10000x48xf32, #tpu.memory_space<vmem_shared>> -> memref<10000x48xf32, #tpu.memory_space<vmem_shared>>
    %dma_wait3A_182 = tpu.memref_slice %arg12[%dma_wait3A_171] : memref<4x!tpu.dma_semaphore, #tpu.memory_space<semaphore_mem>> -> memref<1x!tpu.dma_semaphore, #tpu.memory_space<semaphore_mem>>
    %dma_wait3A_183 = tpu.memref_squeeze %dma_wait3A_182 : memref<1x!tpu.dma_semaphore, #tpu.memory_space<semaphore_mem>> -> memref<!tpu.dma_semaphore, #tpu.memory_space<semaphore_mem>>
    tpu.wait_indirect_dma semaphore(%dma_wait3A_183 : memref<!tpu.dma_semaphore, #tpu.memory_space<semaphore_mem>>) src(%dma_wait3A_181 : memref<10000x48xf32, #tpu.memory_space<vmem_shared>>) dst(%dma_wait3A_175 : memref<128x48xf32, #tpu.memory_space<vmem>>)
    %dma_start3A_184 = arith.constant 3 : i32
    %dma_start3A_185 = arith.constant 79 : i32
    %dma_start3A_186 = arith.constant 3 : i32
    %dma_start3A_187 = arith.constant 0 : i32
    %dma_start3A_188 = arith.constant 0 : i32
    %dma_start3A_189 = tpu.memref_slice %arg10[%dma_start3A_184, %dma_start3A_187, %dma_start3A_188] : memref<4x128x48xf32, #tpu.memory_space<vmem>> -> memref<1x128x48xf32, #tpu.memory_space<vmem>>
    %dma_start3A_190 = tpu.memref_squeeze %dma_start3A_189 : memref<1x128x48xf32, #tpu.memory_space<vmem>> -> memref<128x48xf32, #tpu.memory_space<vmem>>
    %dma_start3A_191 = arith.constant 0 : i32
    %dma_start3A_192 = tpu.memref_slice %arg9[%dma_start3A_185, %dma_start3A_191] : memref<80x128xi32, #tpu.memory_space<vmem>> -> memref<1x128xi32, #tpu.memory_space<vmem>>
    %dma_start3A_193 = tpu.memref_squeeze %dma_start3A_192 : memref<1x128xi32, #tpu.memory_space<vmem>> -> memref<128xi32, #tpu.memory_space<vmem>>
    %dma_start3A_194 = arith.constant 0 : i32
    %dma_start3A_195 = arith.constant 0 : i32
    %dma_start3A_196 = tpu.memref_slice %arg6[%dma_start3A_194, %dma_start3A_195] : memref<10240x48xf32, #tpu.memory_space<vmem_shared>> -> memref<10240x48xf32, #tpu.memory_space<vmem_shared>>
    %dma_start3A_197 = tpu.memref_slice %arg13[%dma_start3A_186] : memref<4x!tpu.dma_semaphore, #tpu.memory_space<semaphore_mem>> -> memref<1x!tpu.dma_semaphore, #tpu.memory_space<semaphore_mem>>
    %dma_start3A_198 = tpu.memref_squeeze %dma_start3A_197 : memref<1x!tpu.dma_semaphore, #tpu.memory_space<semaphore_mem>> -> memref<!tpu.dma_semaphore, #tpu.memory_space<semaphore_mem>>
    tpu.enqueue_indirect_dma source(%dma_start3A_190 : memref<128x48xf32, #tpu.memory_space<vmem>>) target(%dma_start3A_196 : memref<10240x48xf32, #tpu.memory_space<vmem_shared>>) offsets(%dma_start3A_193 : memref<128xi32, #tpu.memory_space<vmem>>) semaphore(%dma_start3A_198 : memref<!tpu.dma_semaphore, #tpu.memory_space<semaphore_mem>>) {add = true}
    %dma_wait3A_199 = arith.constant 0 : i32
    %dma_wait3A_200 = arith.constant 76 : i32
    %dma_wait3A_201 = arith.constant 0 : i32
    %dma_wait3A_202 = arith.constant 0 : i32
    %dma_wait3A_203 = arith.constant 0 : i32
    %dma_wait3A_204 = tpu.memref_slice %arg10[%dma_wait3A_199, %dma_wait3A_202, %dma_wait3A_203] : memref<4x128x48xf32, #tpu.memory_space<vmem>> -> memref<1x128x48xf32, #tpu.memory_space<vmem>>
    %dma_wait3A_205 = tpu.memref_squeeze %dma_wait3A_204 : memref<1x128x48xf32, #tpu.memory_space<vmem>> -> memref<128x48xf32, #tpu.memory_space<vmem>>
    %dma_wait3A_206 = arith.constant 0 : i32
    %dma_wait3A_207 = tpu.memref_slice %arg9[%dma_wait3A_200, %dma_wait3A_206] : memref<80x128xi32, #tpu.memory_space<vmem>> -> memref<1x128xi32, #tpu.memory_space<vmem>>
    %dma_wait3A_208 = tpu.memref_squeeze %dma_wait3A_207 : memref<1x128xi32, #tpu.memory_space<vmem>> -> memref<128xi32, #tpu.memory_space<vmem>>
    %dma_wait3A_209 = arith.constant 0 : i32
    %dma_wait3A_210 = arith.constant 0 : i32
    %dma_wait3A_211 = tpu.memref_slice %arg6[%dma_wait3A_209, %dma_wait3A_210] : memref<10240x48xf32, #tpu.memory_space<vmem_shared>> -> memref<10240x48xf32, #tpu.memory_space<vmem_shared>>
    %dma_wait3A_212 = tpu.memref_slice %arg13[%dma_wait3A_201] : memref<4x!tpu.dma_semaphore, #tpu.memory_space<semaphore_mem>> -> memref<1x!tpu.dma_semaphore, #tpu.memory_space<semaphore_mem>>
    %dma_wait3A_213 = tpu.memref_squeeze %dma_wait3A_212 : memref<1x!tpu.dma_semaphore, #tpu.memory_space<semaphore_mem>> -> memref<!tpu.dma_semaphore, #tpu.memory_space<semaphore_mem>>
    tpu.wait_indirect_dma semaphore(%dma_wait3A_213 : memref<!tpu.dma_semaphore, #tpu.memory_space<semaphore_mem>>) src(%dma_wait3A_205 : memref<128x48xf32, #tpu.memory_space<vmem>>) dst(%dma_wait3A_211 : memref<10240x48xf32, #tpu.memory_space<vmem_shared>>)
    %dma_wait3A_214 = arith.constant 1 : i32
    %dma_wait3A_215 = arith.constant 77 : i32
    %dma_wait3A_216 = arith.constant 1 : i32
    %dma_wait3A_217 = arith.constant 0 : i32
    %dma_wait3A_218 = arith.constant 0 : i32
    %dma_wait3A_219 = tpu.memref_slice %arg10[%dma_wait3A_214, %dma_wait3A_217, %dma_wait3A_218] : memref<4x128x48xf32, #tpu.memory_space<vmem>> -> memref<1x128x48xf32, #tpu.memory_space<vmem>>
    %dma_wait3A_220 = tpu.memref_squeeze %dma_wait3A_219 : memref<1x128x48xf32, #tpu.memory_space<vmem>> -> memref<128x48xf32, #tpu.memory_space<vmem>>
    %dma_wait3A_221 = arith.constant 0 : i32
    %dma_wait3A_222 = tpu.memref_slice %arg9[%dma_wait3A_215, %dma_wait3A_221] : memref<80x128xi32, #tpu.memory_space<vmem>> -> memref<1x128xi32, #tpu.memory_space<vmem>>
    %dma_wait3A_223 = tpu.memref_squeeze %dma_wait3A_222 : memref<1x128xi32, #tpu.memory_space<vmem>> -> memref<128xi32, #tpu.memory_space<vmem>>
    %dma_wait3A_224 = arith.constant 0 : i32
    %dma_wait3A_225 = arith.constant 0 : i32
    %dma_wait3A_226 = tpu.memref_slice %arg6[%dma_wait3A_224, %dma_wait3A_225] : memref<10240x48xf32, #tpu.memory_space<vmem_shared>> -> memref<10240x48xf32, #tpu.memory_space<vmem_shared>>
    %dma_wait3A_227 = tpu.memref_slice %arg13[%dma_wait3A_216] : memref<4x!tpu.dma_semaphore, #tpu.memory_space<semaphore_mem>> -> memref<1x!tpu.dma_semaphore, #tpu.memory_space<semaphore_mem>>
    %dma_wait3A_228 = tpu.memref_squeeze %dma_wait3A_227 : memref<1x!tpu.dma_semaphore, #tpu.memory_space<semaphore_mem>> -> memref<!tpu.dma_semaphore, #tpu.memory_space<semaphore_mem>>
    tpu.wait_indirect_dma semaphore(%dma_wait3A_228 : memref<!tpu.dma_semaphore, #tpu.memory_space<semaphore_mem>>) src(%dma_wait3A_220 : memref<128x48xf32, #tpu.memory_space<vmem>>) dst(%dma_wait3A_226 : memref<10240x48xf32, #tpu.memory_space<vmem_shared>>)
    %dma_wait3A_229 = arith.constant 2 : i32
    %dma_wait3A_230 = arith.constant 78 : i32
    %dma_wait3A_231 = arith.constant 2 : i32
    %dma_wait3A_232 = arith.constant 0 : i32
    %dma_wait3A_233 = arith.constant 0 : i32
    %dma_wait3A_234 = tpu.memref_slice %arg10[%dma_wait3A_229, %dma_wait3A_232, %dma_wait3A_233] : memref<4x128x48xf32, #tpu.memory_space<vmem>> -> memref<1x128x48xf32, #tpu.memory_space<vmem>>
    %dma_wait3A_235 = tpu.memref_squeeze %dma_wait3A_234 : memref<1x128x48xf32, #tpu.memory_space<vmem>> -> memref<128x48xf32, #tpu.memory_space<vmem>>
    %dma_wait3A_236 = arith.constant 0 : i32
    %dma_wait3A_237 = tpu.memref_slice %arg9[%dma_wait3A_230, %dma_wait3A_236] : memref<80x128xi32, #tpu.memory_space<vmem>> -> memref<1x128xi32, #tpu.memory_space<vmem>>
    %dma_wait3A_238 = tpu.memref_squeeze %dma_wait3A_237 : memref<1x128xi32, #tpu.memory_space<vmem>> -> memref<128xi32, #tpu.memory_space<vmem>>
    %dma_wait3A_239 = arith.constant 0 : i32
    %dma_wait3A_240 = arith.constant 0 : i32
    %dma_wait3A_241 = tpu.memref_slice %arg6[%dma_wait3A_239, %dma_wait3A_240] : memref<10240x48xf32, #tpu.memory_space<vmem_shared>> -> memref<10240x48xf32, #tpu.memory_space<vmem_shared>>
    %dma_wait3A_242 = tpu.memref_slice %arg13[%dma_wait3A_231] : memref<4x!tpu.dma_semaphore, #tpu.memory_space<semaphore_mem>> -> memref<1x!tpu.dma_semaphore, #tpu.memory_space<semaphore_mem>>
    %dma_wait3A_243 = tpu.memref_squeeze %dma_wait3A_242 : memref<1x!tpu.dma_semaphore, #tpu.memory_space<semaphore_mem>> -> memref<!tpu.dma_semaphore, #tpu.memory_space<semaphore_mem>>
    tpu.wait_indirect_dma semaphore(%dma_wait3A_243 : memref<!tpu.dma_semaphore, #tpu.memory_space<semaphore_mem>>) src(%dma_wait3A_235 : memref<128x48xf32, #tpu.memory_space<vmem>>) dst(%dma_wait3A_241 : memref<10240x48xf32, #tpu.memory_space<vmem_shared>>)
    %dma_wait3A_244 = arith.constant 3 : i32
    %dma_wait3A_245 = arith.constant 79 : i32
    %dma_wait3A_246 = arith.constant 3 : i32
    %dma_wait3A_247 = arith.constant 0 : i32
    %dma_wait3A_248 = arith.constant 0 : i32
    %dma_wait3A_249 = tpu.memref_slice %arg10[%dma_wait3A_244, %dma_wait3A_247, %dma_wait3A_248] : memref<4x128x48xf32, #tpu.memory_space<vmem>> -> memref<1x128x48xf32, #tpu.memory_space<vmem>>
    %dma_wait3A_250 = tpu.memref_squeeze %dma_wait3A_249 : memref<1x128x48xf32, #tpu.memory_space<vmem>> -> memref<128x48xf32, #tpu.memory_space<vmem>>
    %dma_wait3A_251 = arith.constant 0 : i32
    %dma_wait3A_252 = tpu.memref_slice %arg9[%dma_wait3A_245, %dma_wait3A_251] : memref<80x128xi32, #tpu.memory_space<vmem>> -> memref<1x128xi32, #tpu.memory_space<vmem>>
    %dma_wait3A_253 = tpu.memref_squeeze %dma_wait3A_252 : memref<1x128xi32, #tpu.memory_space<vmem>> -> memref<128xi32, #tpu.memory_space<vmem>>
    %dma_wait3A_254 = arith.constant 0 : i32
    %dma_wait3A_255 = arith.constant 0 : i32
    %dma_wait3A_256 = tpu.memref_slice %arg6[%dma_wait3A_254, %dma_wait3A_255] : memref<10240x48xf32, #tpu.memory_space<vmem_shared>> -> memref<10240x48xf32, #tpu.memory_space<vmem_shared>>
    %dma_wait3A_257 = tpu.memref_slice %arg13[%dma_wait3A_246] : memref<4x!tpu.dma_semaphore, #tpu.memory_space<semaphore_mem>> -> memref<1x!tpu.dma_semaphore, #tpu.memory_space<semaphore_mem>>
    %dma_wait3A_258 = tpu.memref_squeeze %dma_wait3A_257 : memref<1x!tpu.dma_semaphore, #tpu.memory_space<semaphore_mem>> -> memref<!tpu.dma_semaphore, #tpu.memory_space<semaphore_mem>>
    tpu.wait_indirect_dma semaphore(%dma_wait3A_258 : memref<!tpu.dma_semaphore, #tpu.memory_space<semaphore_mem>>) src(%dma_wait3A_250 : memref<128x48xf32, #tpu.memory_space<vmem>>) dst(%dma_wait3A_256 : memref<10240x48xf32, #tpu.memory_space<vmem_shared>>)
    %barrier3A_259 = arith.constant 0 : index
    tpu.barrier barrier_id(%barrier3A_259)
    %mul3A_260 = arith.constant 640 : i32
    %mul3A_261 = arith.muli %arg1, %mul3A_260 : i32
    %mul3A_262 = arith.constant 640 : i32
    %mul3A_263 = arith.muli %arg1, %mul3A_262 : i32
    "tpu.region"() ({
      %run_scoped3A = tpu.sem_alloc : memref<!tpu.dma_semaphore, #tpu.memory_space<semaphore_mem>>
      %dma_start3A_264 = arith.constant 0 : i32
      %dma_start3A_265 = arith.constant 0 : i32
      %dma_start3A_266 = tpu.memref_slice %arg5[%arg0, %dma_start3A_264, %dma_start3A_265] : memref<2x10240x48xf32, #tpu.memory_space<hbm>> -> memref<1x10240x48xf32, #tpu.memory_space<hbm>>
      %dma_start3A_267 = tpu.memref_squeeze %dma_start3A_266 : memref<1x10240x48xf32, #tpu.memory_space<hbm>> -> memref<10240x48xf32, #tpu.memory_space<hbm>>
      %dma_start3A_268 = arith.constant 0 : i32
      %dma_start3A_269 = tpu.memref_slice %dma_start3A_267[%mul3A_263, %dma_start3A_268] : memref<10240x48xf32, #tpu.memory_space<hbm>> -> memref<640x48xf32, #tpu.memory_space<hbm>>
      %dma_start3A_270 = arith.constant 0 : i32
      %dma_start3A_271 = tpu.memref_slice %arg6[%mul3A_261, %dma_start3A_270] : memref<10240x48xf32, #tpu.memory_space<vmem_shared>> -> memref<640x48xf32, #tpu.memory_space<vmem_shared>>
      tpu.enqueue_dma source(%dma_start3A_271 : memref<640x48xf32, #tpu.memory_space<vmem_shared>>) target(%dma_start3A_269 : memref<640x48xf32, #tpu.memory_space<hbm>>) target_semaphore(%run_scoped3A : memref<!tpu.dma_semaphore, #tpu.memory_space<semaphore_mem>>)
      %dma_wait3A_272 = arith.constant 0 : i32
      %dma_wait3A_273 = arith.constant 0 : i32
      %dma_wait3A_274 = tpu.memref_slice %arg5[%arg0, %dma_wait3A_272, %dma_wait3A_273] : memref<2x10240x48xf32, #tpu.memory_space<hbm>> -> memref<1x10240x48xf32, #tpu.memory_space<hbm>>
      %dma_wait3A_275 = tpu.memref_squeeze %dma_wait3A_274 : memref<1x10240x48xf32, #tpu.memory_space<hbm>> -> memref<10240x48xf32, #tpu.memory_space<hbm>>
      %dma_wait3A_276 = arith.constant 0 : i32
      %dma_wait3A_277 = tpu.memref_slice %dma_wait3A_275[%mul3A_263, %dma_wait3A_276] : memref<10240x48xf32, #tpu.memory_space<hbm>> -> memref<640x48xf32, #tpu.memory_space<hbm>>
      %dma_wait3A_278 = arith.constant 0 : i32
      %dma_wait3A_279 = tpu.memref_slice %arg6[%mul3A_261, %dma_wait3A_278] : memref<10240x48xf32, #tpu.memory_space<vmem_shared>> -> memref<640x48xf32, #tpu.memory_space<vmem_shared>>
      tpu.wait_dma2 semaphore(%run_scoped3A : memref<!tpu.dma_semaphore, #tpu.memory_space<semaphore_mem>>) src(%dma_wait3A_279 : memref<640x48xf32, #tpu.memory_space<vmem_shared>>) dst(%dma_wait3A_277 : memref<640x48xf32, #tpu.memory_space<hbm>>)
      tpu.yield
    }) : () -> ()
    return
  }
}

module attributes {stable_mosaic.version = 14 : i64} {
  func.func @body(%arg0: i32, %arg1: memref<1000x128xf32, #tpu.memory_space<vmem>>, %arg2: memref<48x128xf32, #tpu.memory_space<vmem>>, %arg3: memref<1000x48xf32, #tpu.memory_space<vmem>>) attributes {dimension_semantics = [#tpu.dimension_semantics<arbitrary>], iteration_bounds = array<i64: 10>, scalar_prefetch = 0 : i64, scratch_operands = 0 : i64, tpu.core_type = #tpu.core_type<tc>, window_params = [{transform_indices = @transform_0, window_bounds = array<i64: 1000, 128>}, {pipeline_mode = #tpu.pipeline_mode<synchronous>, transform_indices = @transform_1, window_bounds = array<i64: 48, 128>}, {transform_indices = @transform_2, window_bounds = array<i64: 1000, 48>}]} {
    %get3A = arith.constant 0 : index
    %get3A_0 = arith.constant 0 : index
    %get3A_1 = vector.load %arg1[%get3A, %get3A_0] : memref<1000x128xf32, #tpu.memory_space<vmem>>, vector<1000x128xf32>
    %get3A_2 = arith.constant 0 : index
    %get3A_3 = arith.constant 0 : index
    %get3A_4 = vector.load %arg2[%get3A_2, %get3A_3] : memref<48x128xf32, #tpu.memory_space<vmem>>, vector<48x128xf32>
    %dot_general3A = arith.constant dense<0.000000e+00> : vector<1000x48xf32>
    %dot_general3A_5 = tpu.matmul %get3A_1, %get3A_4, %dot_general3A {dimension_numbers = #tpu.dot_dimension_numbers<[1], [1], [0], [0], [0, 0, 1, 0], [], []>, transpose_lhs_hint = false} : vector<1000x128xf32>, vector<48x128xf32>, vector<1000x48xf32> -> vector<1000x48xf32>
    %swap3A = arith.constant 0 : index
    %swap3A_6 = arith.constant 0 : index
    %swap3A_7 = vector.load %arg3[%swap3A, %swap3A_6] : memref<1000x48xf32, #tpu.memory_space<vmem>>, vector<1000x48xf32>
    tpu.vector_store %arg3[%swap3A, %swap3A_6], %dot_general3A_5 {strides = array<i32>} : memref<1000x48xf32, #tpu.memory_space<vmem>>, vector<1000x48xf32>,
    return
  }
  func.func @transform_0(%arg0: i32) -> (i32, i32) {
    %c0_i32 = arith.constant 0 : i32
    %c0_i32_0 = arith.constant 0 : i32
    return %arg0, %c0_i32 : i32, i32
  }
  func.func @transform_1(%arg0: i32) -> (i32, i32) {
    %c0_i32 = arith.constant 0 : i32
    %c0_i32_0 = arith.constant 0 : i32
    %c0_i32_1 = arith.constant 0 : i32
    return %c0_i32, %c0_i32_0 : i32, i32
  }
  func.func @transform_2(%arg0: i32) -> (i32, i32) {
    %c0_i32 = arith.constant 0 : i32
    %c0_i32_0 = arith.constant 0 : i32
    return %arg0, %c0_i32 : i32, i32
  }
}

module attributes {stable_mosaic.version = 14 : i64} {
  func.func @body(%arg0: i32, %arg1: memref<1x1000x16xf32, #tpu.memory_space<vmem>>, %arg2: memref<1x1000x16xf32, #tpu.memory_space<vmem>>, %arg3: memref<1000x48xf32, #tpu.memory_space<vmem>>, %arg4: memref<1000x48xf32, #tpu.memory_space<vmem>>, %arg5: memref<1000x48xf32, #tpu.memory_space<vmem>>) attributes {dimension_semantics = [#tpu.dimension_semantics<arbitrary>], iteration_bounds = array<i64: 10>, scalar_prefetch = 0 : i64, scratch_operands = 0 : i64, tpu.core_type = #tpu.core_type<tc>, window_params = [{transform_indices = @transform_0, window_bounds = array<i64: 1, 1000, 16>}, {transform_indices = @transform_1, window_bounds = array<i64: 1, 1000, 16>}, {transform_indices = @transform_2, window_bounds = array<i64: 1000, 48>}, {transform_indices = @transform_3, window_bounds = array<i64: 1000, 48>}, {transform_indices = @transform_4, window_bounds = array<i64: 1000, 48>}]} {
    %get3A = arith.constant 0 : index
    %get3A_0 = arith.constant 0 : index
    %get3A_1 = arith.constant 0 : index
    %get3A_2 = vector.load %arg1[%get3A, %get3A_0, %get3A_1] : memref<1x1000x16xf32, #tpu.memory_space<vmem>>, vector<1x1000x1xf32>
    %get3A_3 = vector.shape_cast %get3A_2 : vector<1x1000x1xf32> to vector<1000x1xf32>
    %get3A_4 = arith.constant 0 : index
    %get3A_5 = arith.constant 0 : index
    %get3A_6 = arith.constant 0 : index
    %get3A_7 = vector.load %arg2[%get3A_4, %get3A_5, %get3A_6] : memref<1x1000x16xf32, #tpu.memory_space<vmem>>, vector<1x1000x1xf32>
    %get3A_8 = vector.shape_cast %get3A_7 : vector<1x1000x1xf32> to vector<1000x1xf32>
    %add3A = arith.addf %get3A_3, %get3A_8 : vector<1000x1xf32>
    %add3A_9 = arith.constant 1.000000e+00 : f32
    %add3A_10 = vector.broadcast %add3A_9 : f32 to vector<1000x1xf32>
    %add3A_11 = arith.addf %add3A, %add3A_10 : vector<1000x1xf32>
    %rsqrt3A = math.rsqrt %add3A_11 : vector<1000x1xf32>
    %broadcast_in_dim3A = vector.shape_cast %rsqrt3A : vector<1000x1xf32> to vector<1000x1xf32>
    %broadcast_in_dim3A_12 = vector.broadcast %broadcast_in_dim3A : vector<1000x1xf32> to vector<1000x48xf32>
    %swap3A = arith.constant 0 : index
    %swap3A_13 = arith.constant 0 : index
    %swap3A_14 = vector.load %arg4[%swap3A, %swap3A_13] : memref<1000x48xf32, #tpu.memory_space<vmem>>, vector<1000x48xf32>
    tpu.vector_store %arg4[%swap3A, %swap3A_13], %broadcast_in_dim3A_12 {strides = array<i32>} : memref<1000x48xf32, #tpu.memory_space<vmem>>, vector<1000x48xf32>,
    %get3A_15 = arith.constant 0 : index
    %get3A_16 = arith.constant 0 : index
    %get3A_17 = vector.load %arg3[%get3A_15, %get3A_16] : memref<1000x48xf32, #tpu.memory_space<vmem>>, vector<1000x48xf32>
    %mul3A = arith.mulf %get3A_17, %broadcast_in_dim3A_12 : vector<1000x48xf32>
    %swap3A_18 = arith.constant 0 : index
    %swap3A_19 = arith.constant 0 : index
    %swap3A_20 = vector.load %arg5[%swap3A_18, %swap3A_19] : memref<1000x48xf32, #tpu.memory_space<vmem>>, vector<1000x48xf32>
    tpu.vector_store %arg5[%swap3A_18, %swap3A_19], %mul3A {strides = array<i32>} : memref<1000x48xf32, #tpu.memory_space<vmem>>, vector<1000x48xf32>,
    return
  }
  func.func @transform_0(%arg0: i32) -> (i32, i32, i32) {
    %c0_i32 = arith.constant 0 : i32
    %c0_i32_0 = arith.constant 0 : i32
    %c0_i32_1 = arith.constant 0 : i32
    return %c0_i32, %arg0, %c0_i32_0 : i32, i32, i32
  }
  func.func @transform_1(%arg0: i32) -> (i32, i32, i32) {
    %c1_i32 = arith.constant 1 : i32
    %c0_i32 = arith.constant 0 : i32
    %c0_i32_0 = arith.constant 0 : i32
    return %c1_i32, %arg0, %c0_i32 : i32, i32, i32
  }
  func.func @transform_2(%arg0: i32) -> (i32, i32) {
    %c0_i32 = arith.constant 0 : i32
    %c0_i32_0 = arith.constant 0 : i32
    return %arg0, %c0_i32 : i32, i32
  }
  func.func @transform_3(%arg0: i32) -> (i32, i32) {
    %c0_i32 = arith.constant 0 : i32
    %c0_i32_0 = arith.constant 0 : i32
    return %arg0, %c0_i32 : i32, i32
  }
  func.func @transform_4(%arg0: i32) -> (i32, i32) {
    %c0_i32 = arith.constant 0 : i32
    %c0_i32_0 = arith.constant 0 : i32
    return %arg0, %c0_i32 : i32, i32
  }
}

module attributes {stable_mosaic.version = 14 : i64} {
  func.func @body(%arg0: i32, %arg1: memref<1x1000x48xf32, #tpu.memory_space<vmem>>, %arg2: memref<1x1000x48xf32, #tpu.memory_space<vmem>>, %arg3: memref<1000x48xf32, #tpu.memory_space<vmem>>, %arg4: memref<1000x48xf32, #tpu.memory_space<vmem>>, %arg5: memref<1000x48xf32, #tpu.memory_space<vmem>>) attributes {dimension_semantics = [#tpu.dimension_semantics<arbitrary>], iteration_bounds = array<i64: 10>, scalar_prefetch = 0 : i64, scratch_operands = 0 : i64, tpu.core_type = #tpu.core_type<tc>, window_params = [{transform_indices = @transform_0, window_bounds = array<i64: 1, 1000, 48>}, {transform_indices = @transform_1, window_bounds = array<i64: 1, 1000, 48>}, {transform_indices = @transform_2, window_bounds = array<i64: 1000, 48>}, {transform_indices = @transform_3, window_bounds = array<i64: 1000, 48>}, {transform_indices = @transform_4, window_bounds = array<i64: 1000, 48>}]} {
    %get3A = arith.constant 0 : index
    %get3A_0 = arith.constant 0 : index
    %get3A_1 = vector.load %arg4[%get3A, %get3A_0] : memref<1000x48xf32, #tpu.memory_space<vmem>>, vector<1000x48xf32>
    %mul3A = arith.mulf %get3A_1, %get3A_1 : vector<1000x48xf32>
    %get3A_2 = arith.constant 0 : index
    %get3A_3 = arith.constant 0 : index
    %get3A_4 = arith.constant 0 : index
    %get3A_5 = vector.load %arg1[%get3A_2, %get3A_3, %get3A_4] : memref<1x1000x48xf32, #tpu.memory_space<vmem>>, vector<1x1000x48xf32>
    %get3A_6 = vector.shape_cast %get3A_5 : vector<1x1000x48xf32> to vector<1000x48xf32>
    %get3A_7 = arith.constant 0 : index
    %get3A_8 = arith.constant 0 : index
    %get3A_9 = arith.constant 0 : index
    %get3A_10 = vector.load %arg2[%get3A_7, %get3A_8, %get3A_9] : memref<1x1000x48xf32, #tpu.memory_space<vmem>>, vector<1x1000x48xf32>
    %get3A_11 = vector.shape_cast %get3A_10 : vector<1x1000x48xf32> to vector<1000x48xf32>
    %add3A = arith.addf %get3A_6, %get3A_11 : vector<1000x48xf32>
    %get3A_12 = arith.constant 0 : index
    %get3A_13 = arith.constant 0 : index
    %get3A_14 = vector.load %arg3[%get3A_12, %get3A_13] : memref<1000x48xf32, #tpu.memory_space<vmem>>, vector<1000x48xf32>
    %add3A_15 = arith.addf %add3A, %get3A_14 : vector<1000x48xf32>
    %mul3A_16 = arith.mulf %mul3A, %add3A_15 : vector<1000x48xf32>
    %swap3A = arith.constant 0 : index
    %swap3A_17 = arith.constant 0 : index
    %swap3A_18 = vector.load %arg5[%swap3A, %swap3A_17] : memref<1000x48xf32, #tpu.memory_space<vmem>>, vector<1000x48xf32>
    tpu.vector_store %arg5[%swap3A, %swap3A_17], %mul3A_16 {strides = array<i32>} : memref<1000x48xf32, #tpu.memory_space<vmem>>, vector<1000x48xf32>,
    return
  }
  func.func @transform_0(%arg0: i32) -> (i32, i32, i32) {
    %c0_i32 = arith.constant 0 : i32
    %c0_i32_0 = arith.constant 0 : i32
    %c0_i32_1 = arith.constant 0 : i32
    return %c0_i32, %arg0, %c0_i32_0 : i32, i32, i32
  }
  func.func @transform_1(%arg0: i32) -> (i32, i32, i32) {
    %c1_i32 = arith.constant 1 : i32
    %c0_i32 = arith.constant 0 : i32
    %c0_i32_0 = arith.constant 0 : i32
    return %c1_i32, %arg0, %c0_i32 : i32, i32, i32
  }
  func.func @transform_2(%arg0: i32) -> (i32, i32) {
    %c0_i32 = arith.constant 0 : i32
    %c0_i32_0 = arith.constant 0 : i32
    return %arg0, %c0_i32 : i32, i32
  }
  func.func @transform_3(%arg0: i32) -> (i32, i32) {
    %c0_i32 = arith.constant 0 : i32
    %c0_i32_0 = arith.constant 0 : i32
    return %arg0, %c0_i32 : i32, i32
  }
  func.func @transform_4(%arg0: i32) -> (i32, i32) {
    %c0_i32 = arith.constant 0 : i32
    %c0_i32_0 = arith.constant 0 : i32
    return %arg0, %c0_i32 : i32, i32
  }
}

module attributes {stable_mosaic.version = 14 : i64} {
  func.func @body(%arg0: i32, %arg1: memref<1x1000x48xf32, #tpu.memory_space<vmem>>, %arg2: memref<1x1000x48xf32, #tpu.memory_space<vmem>>, %arg3: memref<1000x48xf32, #tpu.memory_space<vmem>>, %arg4: memref<1000x48xf32, #tpu.memory_space<vmem>>, %arg5: memref<1x40xf32, #tpu.memory_space<vmem>>, %arg6: memref<1000x40xf32, #tpu.memory_space<vmem>>) attributes {dimension_semantics = [#tpu.dimension_semantics<arbitrary>], iteration_bounds = array<i64: 10>, scalar_prefetch = 0 : i64, scratch_operands = 0 : i64, tpu.core_type = #tpu.core_type<tc>, window_params = [{transform_indices = @transform_0, window_bounds = array<i64: 1, 1000, 48>}, {transform_indices = @transform_1, window_bounds = array<i64: 1, 1000, 48>}, {transform_indices = @transform_2, window_bounds = array<i64: 1000, 48>}, {transform_indices = @transform_3, window_bounds = array<i64: 1000, 48>}, {pipeline_mode = #tpu.pipeline_mode<synchronous>, transform_indices = @transform_4, window_bounds = array<i64: 1, 40>}, {transform_indices = @transform_5, window_bounds = array<i64: 1000, 40>}]} {
    %get3A = arith.constant 0 : index
    %get3A_0 = arith.constant 0 : index
    %get3A_1 = vector.load %arg4[%get3A, %get3A_0] : memref<1000x48xf32, #tpu.memory_space<vmem>>, vector<1000x48xf32>
    %get3A_2 = arith.constant 0 : index
    %get3A_3 = arith.constant 0 : index
    %get3A_4 = arith.constant 0 : index
    %get3A_5 = vector.load %arg1[%get3A_2, %get3A_3, %get3A_4] : memref<1x1000x48xf32, #tpu.memory_space<vmem>>, vector<1x1000x48xf32>
    %get3A_6 = vector.shape_cast %get3A_5 : vector<1x1000x48xf32> to vector<1000x48xf32>
    %get3A_7 = arith.constant 0 : index
    %get3A_8 = arith.constant 0 : index
    %get3A_9 = arith.constant 0 : index
    %get3A_10 = vector.load %arg2[%get3A_7, %get3A_8, %get3A_9] : memref<1x1000x48xf32, #tpu.memory_space<vmem>>, vector<1x1000x48xf32>
    %get3A_11 = vector.shape_cast %get3A_10 : vector<1x1000x48xf32> to vector<1000x48xf32>
    %add3A = arith.addf %get3A_6, %get3A_11 : vector<1000x48xf32>
    %get3A_12 = arith.constant 0 : index
    %get3A_13 = arith.constant 0 : index
    %get3A_14 = vector.load %arg3[%get3A_12, %get3A_13] : memref<1000x48xf32, #tpu.memory_space<vmem>>, vector<1000x48xf32>
    %add3A_15 = arith.addf %add3A, %get3A_14 : vector<1000x48xf32>
    %mul3A = arith.mulf %get3A_1, %add3A_15 : vector<1000x48xf32>
    %slice3A = vector.extract_strided_slice %mul3A {offsets = [0, 0], sizes = [1000, 40], strides = [1, 1]} : vector<1000x48xf32> to vector<1000x40xf32>
    %get3A_16 = arith.constant 0 : index
    %get3A_17 = arith.constant 0 : index
    %get3A_18 = vector.load %arg5[%get3A_16, %get3A_17] : memref<1x40xf32, #tpu.memory_space<vmem>>, vector<1x40xf32>
    %add3A_19 = vector.broadcast %get3A_18 : vector<1x40xf32> to vector<1000x40xf32>
    %add3A_20 = arith.addf %slice3A, %add3A_19 : vector<1000x40xf32>
    %reduce_max3A = arith.constant dense<0xFF800000> : vector<1000xf32>
    %reduce_max3A_21 = vector.multi_reduction <maximumf>, %add3A_20, %reduce_max3A [1] : vector<1000x40xf32> to vector<1000xf32>
    %broadcast_in_dim3A = vector.shape_cast %reduce_max3A_21 : vector<1000xf32> to vector<1000x1xf32>
    %sub3A = vector.broadcast %broadcast_in_dim3A : vector<1000x1xf32> to vector<1000x40xf32>
    %sub3A_22 = arith.subf %add3A_20, %sub3A : vector<1000x40xf32>
    %exp3A = math.exp %sub3A_22 : vector<1000x40xf32>
    %reduce_sum3A = arith.constant dense<0.000000e+00> : vector<1000xf32>
    %reduce_sum3A_23 = vector.multi_reduction <add>, %exp3A, %reduce_sum3A [1] : vector<1000x40xf32> to vector<1000xf32>
    %broadcast_in_dim3A_24 = vector.shape_cast %reduce_sum3A_23 : vector<1000xf32> to vector<1000x1xf32>
    %log3A = math.log %broadcast_in_dim3A_24 : vector<1000x1xf32>
    %add3A_25 = arith.addf %log3A, %broadcast_in_dim3A : vector<1000x1xf32>
    %sub3A_26 = vector.broadcast %add3A_25 : vector<1000x1xf32> to vector<1000x40xf32>
    %sub3A_27 = arith.subf %add3A_20, %sub3A_26 : vector<1000x40xf32>
    %swap3A = arith.constant 0 : index
    %swap3A_28 = arith.constant 0 : index
    %swap3A_29 = vector.load %arg6[%swap3A, %swap3A_28] : memref<1000x40xf32, #tpu.memory_space<vmem>>, vector<1000x40xf32>
    tpu.vector_store %arg6[%swap3A, %swap3A_28], %sub3A_27 {strides = array<i32>} : memref<1000x40xf32, #tpu.memory_space<vmem>>, vector<1000x40xf32>,
    return
  }
  func.func @transform_0(%arg0: i32) -> (i32, i32, i32) {
    %c0_i32 = arith.constant 0 : i32
    %c0_i32_0 = arith.constant 0 : i32
    %c0_i32_1 = arith.constant 0 : i32
    return %c0_i32, %arg0, %c0_i32_0 : i32, i32, i32
  }
  func.func @transform_1(%arg0: i32) -> (i32, i32, i32) {
    %c1_i32 = arith.constant 1 : i32
    %c0_i32 = arith.constant 0 : i32
    %c0_i32_0 = arith.constant 0 : i32
    return %c1_i32, %arg0, %c0_i32 : i32, i32, i32
  }
  func.func @transform_2(%arg0: i32) -> (i32, i32) {
    %c0_i32 = arith.constant 0 : i32
    %c0_i32_0 = arith.constant 0 : i32
    return %arg0, %c0_i32 : i32, i32
  }
  func.func @transform_3(%arg0: i32) -> (i32, i32) {
    %c0_i32 = arith.constant 0 : i32
    %c0_i32_0 = arith.constant 0 : i32
    return %arg0, %c0_i32 : i32, i32
  }
  func.func @transform_4(%arg0: i32) -> (i32, i32) {
    %c0_i32 = arith.constant 0 : i32
    %c0_i32_0 = arith.constant 0 : i32
    %c0_i32_1 = arith.constant 0 : i32
    return %c0_i32, %c0_i32_0 : i32, i32
  }
  func.func @transform_5(%arg0: i32) -> (i32, i32) {
    %c0_i32 = arith.constant 0 : i32
    %c0_i32_0 = arith.constant 0 : i32
    return %arg0, %c0_i32 : i32, i32
  }
}

</mosaic_0001>

<sc_bundles>
// kernel: kernel.12.cloned.1.call-start
scs
__scs_entry_jumppad:
0x0: {  	(pc) =	sbr.rel $0x88, $3  }
0x1: {  	(tag) =	ssettag $0x0;
	lr =	simm.s32 $0x1  }
0x2: {  	[smem:$0x3F9D] =	sst lr;
	_ =	strace $0xD0000000  }
0x3: {  	_ = 	snop  }
0x4: {  	_ = 	snop  }
0x5: {  	_ = 	snop  }
0x6: {  	_ = 	snop  }
0x7: {  	_ = 	snop  }
__scs_overlays_trampoline_lowered:
0x8: {  	[smem:$0x3FAC] =	sst s0  }
0x9: {  	[smem:$0x3FAD] =	sst s1  }
0xa: {  	[smem:$0x3FAE] =	sst s2  }
0xb: {  	[smem:$0x3FAF] =	sst s3  }
0xc: {  	[smem:$0x3FB0] =	sst s4  }
0xd: {  	[smem:$0x3FB1] =	sst s5  }
0xe: {  	[smem:$0x3FB2] =	sst s6  }
0xf: {  	[smem:$0x3FB3] =	sst s7  }
0x10: {  	[smem:$0x3FB4] =	sst s8  }
0x11: {  	[smem:$0x3FB5] =	sst s9;
	s0 =	simm.s32 @!p0 $0x0  }
0x12: {  	s1 =	sld [smem:$0x3F9B];
	s0 =	simm.s32 @p0 $0x1  }
0x13: {  	[smem:$0x3FB6] =	sst s0;
	s0 =	simm.s32 @!p1 $0x0  }
0x14: {  	s2 =	sld [smem:$0x3F9A];
	s0 =	simm.s32 @p1 $0x1  }
0x15: {  	[smem:$0x3FB7] =	sst s0;
	s0 =	simm.s32 @!p2 $0x0  }
0x16: {  	s3 =	sld [smem:$0x3FDB];
	s0 =	simm.s32 @p2 $0x1  }
0x17: {  	s4 =	simm.s32 $0x1BF5;
	[smem:$0x3FB9] =	sst s0  }
0x18: {  	s0 =	sld [smem:$0x3F9C];
	_ =	swait.ge [sflag:s4], $0x0  }
0x19: {  	s7 =	sld [smem:$0x3F9D]  }
0x1a: {  	s8 =	sadd.s32 $0xFFFFE003, lr  }
0x1b: {  	s9 =	sadd.s32 $0xFFFFFEF7, lr;
	s5 =	simm.s32 $0xFFFFFFFF;
	p2 =	slt.u32 s8, $0xFFFFF086  }
0x1c: {  	p1 =	slt.u32 s9, $0xF7A;
	s5 =	simm.s32 @!p2 $0x0  }
0x1d: {  	s5 =	simm.s32 @p1 $0x1;
	p0 =	seq.s32 s7, s2  }
0x1e: {  	s7 =	smul.u32 @!p0 $0xF7A, s2;
	p2 =	seq.s32 @!p0 s5, $0x0  }
0x1f: {  	s9 =	smul.u32 $0xF7A, s1;
	s8 =	simm.s32 @!p0 $0x1BF5;
	p2 =	por !p2, p0  }
0x20: {  	[sflag:s8] =	ssyncset.s32 @!p0 $0xFFFFF086;
	s6 =	sadd.s32 @!p0 s3, s7;
	s7 =	simm.s32 @!p0 $0x108  }
0x21: {  	s3 =	sadd.s32 s3, s9;
	s6 =	sadd.s32 @!p0 $0x88, s6;
	s7 =	simm.s32 @p2 $0x1082  }
0x22: {  	[simem:s7], [sflag:s8] =	dma.local @!p0 [hbm:s6], $0xF7A  }
0x23: {  	s9 =	sor.u32 $0xD0000000, s2;
	s6 =	simm.s32 $0x108;
	_ =	swait.ge @!p0 [sflag:s8], $0x0  }
0x24: {  	s3 =	sadd.s32 $0x88, s3;
	s6 =	simm.s32 @!p1 $0x1082;
	[sflag:s4] =	ssyncset.s32 $0xFFFFF086  }
0x25: {  	[simem:s6], [sflag:s4] =	dma.local [hbm:s3], $0xF7A  }
0x26: {  	[smem:$0x3F9D] =	sst s1;
	(tag) =	ssettag s2;
	_ =	strace s9  }
0x27: {  	s1 =	sld [smem:$0x3FAD]  }
0x28: {  	s2 =	sld [smem:$0x3FAE]  }
0x29: {  	s4 =	sld [smem:$0x3FB0]  }
0x2a: {  	p0 =	seq.s32 s5, $0x0;
	s5 =	sld [smem:$0x3FB1]  }
0x2b: {  	s6 =	sld [smem:$0x3FB2]  }
0x2c: {  	s7 =	sld [smem:$0x3FB3]  }
0x2d: {  	s3 =	simm.s32 $0x108;
	s8 =	sld [smem:$0x3FB4]  }
0x2e: {  	s3 =	simm.s32 @!p0 $0x1082;
	s9 =	sld [smem:$0x3FB5]  }
0x2f: {  	lr =	sadd.s32 s0, s3;
	s0 =	sld [smem:$0x3FAC]  }
0x30: {  	s3 =	sld [smem:$0x3FAF]  }
0x31: {  	[smem:$0x3FB8] =	sst s10  }
0x32: {  	s10 =	sld [smem:$0x3FB6];
	_ =	sdelay $0x3  }
0x33: {  	p0 =	seq.s32 s10, $0x1;
	s10 =	sld [smem:$0x3FB8];
	_ =	sdelay $0x3  }
0x34: {  	[smem:$0x3FB8] =	sst s10  }
0x35: {  	s10 =	sld [smem:$0x3FB7];
	_ =	sdelay $0x3  }
0x36: {  	p1 =	seq.s32 s10, $0x1;
	s10 =	sld [smem:$0x3FB8];
	_ =	sdelay $0x3  }
0x37: {  	[smem:$0x3FB8] =	sst s10  }
0x38: {  	s10 =	sld [smem:$0x3FB9]  }
0x39: {  	_ = 	snop;
	(pc) =	sbr.ind lr, $3  }
0x3a: {  	_ = 	snop  }
0x3b: {  	_ = 	snop  }
0x3c: {  	p2 =	seq.s32 s10, $0x1;
	s10 =	sld [smem:$0x3FB8]  }
0x3d: {  	_ =	shalt  }
0x3e: {  	_ =	shalt  }
0x3f: {  	_ =	shalt  }
0x40: {  	_ =	shalt  }
0x41: {  	_ =	shalt  }
0x42: {  	_ =	shalt  }
0x43: {  	_ =	shalt  }
0x44: {  	_ =	shalt  }
0x45: {  	_ =	shalt  }
0x46: {  	_ =	shalt  }
0x47: {  	_ =	shalt  }
0x48: {  	_ =	shalt  }
0x49: {  	_ =	shalt  }
0x4a: {  	_ =	shalt  }
0x4b: {  	_ =	shalt  }
0x4c: {  	_ =	shalt  }
0x4d: {  	_ =	shalt  }
0x4e: {  	_ =	shalt  }
0x4f: {  	_ =	shalt  }
0x50: {  	_ =	shalt  }
0x51: {  	_ =	shalt  }
0x52: {  	_ =	shalt  }
0x53: {  	_ =	shalt  }
0x54: {  	_ =	shalt  }
0x55: {  	_ =	shalt  }
0x56: {  	_ =	shalt  }
0x57: {  	_ =	shalt  }
0x58: {  	_ =	shalt  }
0x59: {  	_ =	shalt  }
0x5a: {  	_ =	shalt  }
0x5b: {  	_ =	shalt  }
0x5c: {  	_ =	shalt  }
0x5d: {  	_ =	shalt  }
0x5e: {  	_ =	shalt  }
0x5f: {  	_ =	shalt  }
0x60: {  	_ =	shalt  }
0x61: {  	_ =	shalt  }
0x62: {  	_ =	shalt  }
0x63: {  	_ =	shalt  }
0x64: {  	_ =	shalt  }
0x65: {  	_ =	shalt  }
0x66: {  	_ =	shalt  }
0x67: {  	_ =	shalt  }
0x68: {  	_ =	shalt  }
0x69: {  	_ =	shalt  }
0x6a: {  	_ =	shalt  }
0x6b: {  	_ =	shalt  }
0x6c: {  	_ =	shalt  }
0x6d: {  	_ =	shalt  }
0x6e: {  	_ =	shalt  }
0x6f: {  	_ =	shalt  }
0x70: {  	_ =	shalt  }
0x71: {  	_ =	shalt  }
0x72: {  	_ =	shalt  }
0x73: {  	_ =	shalt  }
0x74: {  	_ =	shalt  }
0x75: {  	_ =	shalt  }
0x76: {  	_ =	shalt  }
0x77: {  	_ =	shalt  }
0x78: {  	_ =	shalt  }
0x79: {  	_ =	shalt  }
0x7a: {  	_ =	shalt  }
0x7b: {  	_ =	shalt  }
0x7c: {  	_ =	shalt  }
0x7d: {  	_ =	shalt  }
0x7e: {  	_ =	shalt  }
0x7f: {  	_ =	shalt  }
0x80: {  	_ =	shalt  }
0x81: {  	_ =	shalt  }
0x82: {  	_ =	shalt  }
0x83: {  	_ =	shalt  }
0x84: {  	_ =	shalt  }
0x85: {  	_ =	shalt  }
0x86: {  	_ =	shalt  }
0x87: {  	_ =	shalt  }
.Lfunc_end0:
.L_simem_size_0:
called_computation.1_lowered:
.L_overlay_start_0:
0x88: {  	s2 =	sld [smem:$0x3FD9]  }
0x89: {  	s3 =	sld [smem:$0x3FFE];
	_ =	sdelay $0x1  }
0x8a: {  	s1 =	srdreg.scid  }
0x8b: {  	s0 =	sand.u32 $0x1, s1  }
0x8c: {  	s17 =	sshll.u32 s0, $0xA;
	s2 =	sadd.s32 s3, s2  }
0x8d: {  	s2 =	sadd.s32 s2, s17  }
0x8e: {  	[smem:$0x3FC4] =	sst s2  }
0x8f: {  	_ = 	snop  }
0x90: {  	s2 =	sld [smem:$0x3FD0];
	(tm) =	ssettm $0x1  }
0x91: {  	s18 =	sld [smem:$0x3FFB];
	_ =	sdelay $0x3  }
0x92: {  	_ =	strace s18  }
0x93: {  	s3 =	sld [smem:$0x3FFC];
	_ =	sdelay $0x3  }
0x94: {  	_ =	strace s3  }
0x95: {  	s3 =	sld [smem:$0x3FFD];
	_ =	sdelay $0x3  }
0x96: {  	_ =	strace s3  }
0x97: {  	_ =	strace $0x8FFFFFFF  }
0x98: {  	s19 =	sld [smem:$0x3FDB];
	_ =	sdelay $0x1  }
0x99: {  	s4 =	simm.s32 $_scs_section_size  }
0x9a: {  	s5 =	simm.s32 $_size__tile_overlayer_lowered;
	s6 =	simm.s32 $_tile_overlayer_lowered  }
0x9b: {  	s22 =	simm.s32 $0x1BFF;
	s21 =	sshll.u32 s6, $0x1;
	s3 =	sadd.s32 s4, s19  }
0x9c: {  	s7 =	simm.s32 $0x0;
	s20 =	sshll.u32 s5, $0x1;
	s5 =	sadd.s32 s21, s3  }
0x9d: {  	[timem:s7], [sflag:s22] =	dma.local [hbm:s5], s20  }
0x9e: {  	_ =	swait.ge [sflag:s22], s20  }
0x9f: {  	s4 =	ssub.s32 $0x0, s20;
	[sflag:s22] =	ssyncset.done $0x0  }
0xa0: {  	[sflag:s22] =	ssyncadd.s32 s4;
	_ =	sdelay $0x1  }
0xa1: {  	s23 =	simm.s32 $0x1B8B  }
0xa2: {  	_ =	swait.ge [sflag:s23], $0x1  }
0xa3: {  	[sflag:s23] =	ssyncset.done $0x0  }
0xa4: {  	s25 =	simm.s32 $0x1B8E;
	s24 =	sld [smem:$0x3FFE];
	[sflag:s23] =	ssyncadd.s32 $0xFFFFFFFF  }
0xa5: {  	s26 =	simm.s32 $execute0_lowered;
	[smem:$0x3FD2] =	sst s25  }
0xa6: {  	s5 =	sshll.u32 s26, $0x1;
	_ =	strace $0x80000049;
	[dreg:$0x1] =	wrdreg $0xFFFFFFFF  }
0xa7: {  	s28 =	simm.s32 $_size_execute0_lowered;
	s3 =	sadd.s32 s3, s5;
	[dreg:$0x0] =	wrdreg $0x0  }
0xa8: {  	s5 =	sshll.u32 s28, $0x1;
	[dreg:$0x2] =	wrdreg s3  }
0xa9: {  	[dreg:$0x3] =	wrdreg s5  }
0xaa: {  	[dreg:$0x4] =	wrdreg $0xC0  }
0xab: {  	_ =	task [dreg:s7], $0x5FFFF  }
0xac: {  	[dreg:$0x1] =	wrdreg $0xFFFFFFFF  }
0xad: {  	[dreg:$0x0] =	wrdreg $0x60  }
0xae: {  	[dreg:$0x2] =	wrdreg s24  }
0xaf: {  	[dreg:$0x3] =	wrdreg s2  }
0xb0: {  	[dreg:$0x4] =	wrdreg $0x78000  }
0xb1: {  	[dreg:$0x5] =	wrdreg $0x0  }
0xb2: {  	[dreg:$0x6] =	wrdreg $0x9  }
0xb3: {  	_ =	task.clear_ibuf [dreg:s7], $0x7FFFF;
	_ =	strace $0x90000049  }
0xb4: {  	s29 =	simm.s32 $0x9;
	_ =	strace $0x8000004B  }
0xb5: {  	_ =	swait.ge [sflag:s29], $0x1  }
0xb6: {  	[sflag:s29] =	ssyncadd.s32 $0xFFFFFFFF  }
0xb7: {  	_ =	strace $0x9000004B  }
0xb8: {  	_ =	sfence  }
0xb9: {  	s30 =	sld [smem:$0x0];
	_ =	sdelay $0x2  }
0xba: {  	s31 =	sshll.u32 s1, $0xD;
	s1 =	sshrl.u32 s1, $0x2  }
0xbb: {  	s3 =	sand.u32 $0x4000, s31;
	s1 =	sadd.s32 s1, s30  }
0xbc: {  	s0 =	sor.u32 s3, s0;
	s1 =	sshll.u32 s1, $0x11  }
0xbd: {  	s0 =	sor.u32 s1, s0  }
0xbe: {  	s0 =	sadd.s32 $0x8F2B, s0  }
0xbf: {  	[sflag:s0] =	ssyncadd.remote.s32 $0x1  }
0xc0: {  	_ =	sfence.sel $0xFFFF  }
0xc1: {  	[dreg:$0x0] =	wrdreg $0xFFFFFFFF;
	(pc) =	sbr.abs _section_cstart, $3  }
0xc2: {  	[dreg:$0x1] =	wrdreg $0xFFFFFFFF  }
0xc3: {  	_ =	task.clear_ibuf [dreg:s7], $0x2FFFF;
	_ =	strace $0x9FFFFFFF  }
0xc4: {  	(tm) =	ssettm $0x7FFFFFFF  }
0xc5: {  	_ =	shalt  }
tec
execute0_lowered:
.L_overlay_start_1:
0x0: {  	(tag) =	ssettag $0x1  }
0x1: {  	s0 =	rddreg [dreg:$0x0]  }
0x2: {  	s1 =	rddreg [dreg:$0x1]  }
0x3: {  	s2 =	rddreg [dreg:$0x2]  }
0x4: {  	s3 =	rddreg [dreg:$0x3]  }
0x5: {  	s16 =	stileid.u32;
	s5 =	srdreg.scid  }
0x6: {  	s4 =	simm.s32 $0x0;
	s22 =	simm.s32 $0x80;
	s28 =	simm.s32 $0x15530  }
0x7: {  	s30 =	simm.s32 $0x16D30;
	s29 =	simm.s32 $0x4;
	s31 =	simm.s32 $0x5  }
0x8: {  	s5 =	sand.u32 $0x1, s5;
	s6 =	sshll.u32 s16, $0x1;
	s7 =	smul.u32 $0x7500, s16  }
0x9: {  	[smem:$0x7FF] =	sst s4;
	s15 =	sshll.u32 s16, $0x6;
	s17 =	smul.u32 $0x7800, s16  }
0xa: {  	s18 =	sadd.s32 $0x75000, s2;
	s12 =	smul.u32 $0x1E000, s16;
	p0 =	sne.s32 s16, $0xF  }
0xb: {  	s6 =	sor.u32 s5, s6;
	_ =	strace $0x8000004A;
	s9 =	smul.u32 $0xF000, s5  }
0xc: {  	s5 =	ssub.s32 $0x2, s5;
	s18 =	sshrl.u32 @!p0 s18, $0x3;
	s8 =	smul.u32 $0x500, s6  }
0xd: {  	s14 =	sshrl.u32 s7, $0x3;
	s11 =	sshrl.u32 s5, $0x1;
	s7 =	sadd.s32 s7, s2  }
0xe: {  	s23 =	sshrl.u32 s17, $0x3;
	s24 =	sshrl.u32 s12, $0x2;
	s25 =	sadd.s32 s17, s3  }
0xf: {  	s17 =	simm.s32 $0x9;
	s6 =	sadd.s32 s14, s0;
	s9 =	sadd.s32 s9, s0  }
0x10: {  	s5 =	ssub.s32 s5, s11;
	s11 =	sadd.s32 s24, s3;
	s16 =	sshrl.u32 s7, $0x3  }
0x11: {  	s24 =	simm.s32 $0x13D30;
	s25 =	sshrl.u32 s25, $0x3;
	s7 =	simm.s32 $0x7  }
0x12: {  	s10 =	sadd.s32 s8, s0;
	s6 =	sadd.s32 $0x15200, s6;
	s0 =	sadd.s32 $0x23C00, s0  }
0x13: {  	s20 =	sadd.s32 s1, s8;
	s21 =	sadd.s32 $0x23E00, s9;
	[dreg:$0x5] =	wrdreg s6  }
0x14: {  	s5 =	smax.u32 s5, $0x1;
	s26 =	sadd.s32 $0x1800, s11;
	[dreg:$0x6] =	wrdreg s0  }
0x15: {  	s13 =	sadd.s32 $0x3000, s11;
	s14 =	sadd.s32 $0x4800, s11;
	[dreg:$0x8] =	wrdreg s20  }
0x16: {  	s1 =	simm.s32 $0x1;
	s8 =	simm.s32 $0x8;
	[dreg:$0x9] =	wrdreg s5  }
0x17: {  	s6 =	sor.u32 $0x1C09, s15;
	s19 =	sadd.s32 $0xB200, s10;
	[dreg:$0xa] =	wrdreg s26  }
0x18: {  	s15 =	sadd.s32 $0x6000, s11;
	s20 =	simm.s32 $0xED30;
	s23 =	sadd.s32 s23, s21  }
0x19: {  	s0 =	simm.s32 $0x18530;
	s21 =	simm.s32 $0x2;
	s26 =	simm.s32 $0x3  }
0x1a: {  	v0 =	vimm.f32 $0.0e+00;
	s5 =	simm.s32 $0x6;
	[dreg:$0x7] =	wrdreg s19;
	s19 =	simm.s32 $0x19D30  }
.LBB2_1:
0x1b: {  	s9 =	simm.s32 $0xC0;
	s10 =	simm.s32 $0x0  }
.LBB2_2:
0x1c: {  	p1 =	sne.s32 s9, $0x5F40;
	[tilespmem:s10+$0x19D50] =	vst v0;
	s12 =	smov.u32 s9;
	s9 =	sadd.s32 $0xC0, s9  }
.Ltmp0:
0x1d: {  	[tilespmem:s10+$0x19D30] =	vst v0;
	(pc) =	sbr.rel @p1 .LBB2_2-.Ltmp0, $2  }
0x1e: {  	[tilespmem:s10+$0x19D40] =	vst v0;
	_ =	sdelay $0x2  }
0x1f: {  	s10 =	sshra.s32 s12, $0x2  }
0x20: {  	[tilespmem:s10+$0x19D50] =	vst v0  }
0x21: {  	[tilespmem:s10+$0x19D30] =	vst v0  }
0x22: {  	[tilespmem:s10+$0x19D40] =	vst v0;
	s9 =	rddreg [dreg:$0x5]  }
0x23: {  	[spmem:s16], [sflag:s6] =	dma.local [hbm:s9], $0xEA0  }
0x24: {  	_ =	swait.ge [sflag:s17], $0xEA0  }
0x25: {  	[sflag:s17] =	ssyncset.done $0x0  }
0x26: {  	s9 =	rddreg [dreg:$0x6];
	[sflag:s17] =	ssyncadd.s32 $0xFFFFF160  }
0x27: {  	[spmem:s18], [sflag:s6] =	dma.local @!p0 [hbm:s9], $0x60  }
0x28: {  	s9 =	simm.s32 @!p0 $0x9  }
0x29: {  	_ =	swait.ge @!p0 [sflag:s9], $0x60  }
0x2a: {  	[sflag:s9] =	ssyncset.done @!p0 $0x0  }
0x2b: {  	[sflag:s9] =	ssyncadd.s32 @!p0 $0xFFFFFFA0  }
0x2c: {  	[spmem:s11] =	stream.linear.scatter [tilespmem:s19], [sflag:$0x9], $0x1800, $0x38;
	[tilespmem:$0x1B530] =	vst v63  }
0x2d: {  	_ =	swait.ge [sflag:s17], $0x1800  }
0x2e: {  	[sflag:s17] =	ssyncset.done $0x0  }
0x2f: {  	s10 =	rddreg [dreg:$0xa];
	[sflag:s17] =	ssyncadd.s32 $0xFFFFE800  }
0x30: {  	[spmem:s10] =	stream.linear.scatter [tilespmem:s19], [sflag:$0x9], $0x1800, $0x38;
	[tilespmem:$0x1B530] =	vst v63  }
0x31: {  	_ =	swait.ge [sflag:s17], $0x1800  }
0x32: {  	[sflag:s17] =	ssyncset.done $0x0  }
0x33: {  	[sflag:s17] =	ssyncadd.s32 $0xFFFFE800  }
0x34: {  	[spmem:s13] =	stream.linear.scatter [tilespmem:s19], [sflag:$0x9], $0x1800, $0x38;
	[tilespmem:$0x1B530] =	vst v63  }
0x35: {  	_ =	swait.ge [sflag:s17], $0x1800  }
0x36: {  	[sflag:s17] =	ssyncset.done $0x0  }
0x37: {  	[sflag:s17] =	ssyncadd.s32 $0xFFFFE800  }
0x38: {  	[spmem:s14] =	stream.linear.scatter [tilespmem:s19], [sflag:$0x9], $0x1800, $0x38;
	[tilespmem:$0x1B530] =	vst v63  }
0x39: {  	_ =	swait.ge [sflag:s17], $0x1800  }
0x3a: {  	[sflag:s17] =	ssyncset.done $0x0  }
0x3b: {  	[sflag:s17] =	ssyncadd.s32 $0xFFFFE800  }
0x3c: {  	[spmem:s15] =	stream.linear.scatter [tilespmem:s19], [sflag:$0x9], $0x1800, $0x38;
	[tilespmem:$0x1B530] =	vst v63  }
0x3d: {  	_ =	swait.ge [sflag:s17], $0x1800  }
0x3e: {  	[sflag:s17] =	ssyncset.done $0x0  }
0x3f: {  	s9 =	simm.s32 $0x0;
	s12 =	rddreg [dreg:$0x7];
	[sflag:s17] =	ssyncadd.s32 $0xFFFFE800  }
0x40: {  	[tilespmem:s20], [sflag:$0x9] =	stream.linear.gather [hbm4b:s12+s9], $0x2800, $0x38;
	[tilespmem:$0x1B530] =	vst v63  }
0x41: {  	_ =	swait.ge [sflag:s17], $0x2800  }
0x42: {  	[sflag:s17] =	ssyncset.done $0x0  }
0x43: {  	s12 =	simm.s32 $0x11530;
	s10 =	rddreg [dreg:$0x8];
	[sflag:s17] =	ssyncadd.s32 $0xFFFFD800  }
0x44: {  	[tilespmem:s12], [sflag:$0x9] =	stream.linear.gather [hbm4b:s10+s9], $0x2800, $0x38;
	[tilespmem:$0x1B530] =	vst v63  }
0x45: {  	_ =	swait.ge [sflag:s17], $0x2800  }
0x46: {  	[sflag:s17] =	ssyncset.done $0x0  }
0x47: {  	[sflag:s17] =	ssyncadd.s32 $0xFFFFD800  }
0x48: {  	[bflag:$0x0] =	sbarrier.arrive $0xFFFF  }
0x49: {  	[tilespmem:s24], [sflag:$0x1] =	stream.indirect.gather [spmem:s2], $0x30, s20, s22, $0xb8;
	[tilespmem:$0x1B530] =	vst v63  }
0x4a: {  	s10 =	simm.s32 $0xEDB0  }
0x4b: {  	[tilespmem:s28], [sflag:$0x2] =	stream.indirect.gather [spmem:s2], $0x30, s10, s22, $0xb8;
	[tilespmem:$0x1B530] =	vst v63  }
0x4c: {  	s12 =	simm.s32 $0xEE30  }
0x4d: {  	[tilespmem:s30], [sflag:$0x3] =	stream.indirect.gather [spmem:s2], $0x30, s12, s22, $0xb8;
	[tilespmem:$0x1B530] =	vst v63  }
0x4e: {  	s10 =	simm.s32 $0xEEB0  }
0x4f: {  	[tilespmem:s0], [sflag:$0x4] =	stream.indirect.gather [spmem:s2], $0x30, s10, s22, $0xb8;
	[tilespmem:$0x1B530] =	vst v63  }
0x50: {  	_ =	swait.ge [sflag:s1], $0x1800  }
0x51: {  	[sflag:s1] =	ssyncset.done $0x0  }
0x52: {  	s12 =	simm.s32 $0x11530;
	[sflag:s1] =	ssyncadd.s32 $0xFFFFE800  }
0x53: {  	[spmem:s3] =	stream.indirect.scatter.add.f32 [tilespmem:s24], [sflag:$0x5], $0x30, s12, s22, $0xb8;
	[tilespmem:$0x1B530] =	vst v63  }
0x54: {  	_ =	swait.ge [sflag:s21], $0x1800  }
0x55: {  	[sflag:s21] =	ssyncset.done $0x0  }
0x56: {  	s10 =	simm.s32 $0x115B0;
	[sflag:s21] =	ssyncadd.s32 $0xFFFFE800  }
0x57: {  	[spmem:s3] =	stream.indirect.scatter.add.f32 [tilespmem:s28], [sflag:$0x6], $0x30, s10, s22, $0xb8;
	[tilespmem:$0x1B530] =	vst v63  }
0x58: {  	_ =	swait.ge [sflag:s26], $0x1800  }
0x59: {  	[sflag:s26] =	ssyncset.done $0x0  }
0x5a: {  	s12 =	simm.s32 $0x11630;
	[sflag:s26] =	ssyncadd.s32 $0xFFFFE800  }
0x5b: {  	[spmem:s3] =	stream.indirect.scatter.add.f32 [tilespmem:s30], [sflag:$0x7], $0x30, s12, s22, $0xb8;
	[tilespmem:$0x1B530] =	vst v63  }
0x5c: {  	_ =	swait.ge [sflag:s29], $0x1800  }
0x5d: {  	[sflag:s29] =	ssyncset.done $0x0  }
0x5e: {  	s10 =	simm.s32 $0x116B0;
	[sflag:s29] =	ssyncadd.s32 $0xFFFFE800  }
0x5f: {  	[spmem:s3] =	stream.indirect.scatter.add.f32 [tilespmem:s0], [sflag:$0x8], $0x30, s10, s22, $0xb8;
	[tilespmem:$0x1B530] =	vst v63  }
0x60: {  	_ =	swait.ge [sflag:s31], $0x1800  }
0x61: {  	[sflag:s31] =	ssyncset.done $0x0  }
0x62: {  	s12 =	simm.s32 $0xEF30;
	[sflag:s31] =	ssyncadd.s32 $0xFFFFE800  }
0x63: {  	[tilespmem:s24], [sflag:$0x1] =	stream.indirect.gather [spmem:s2], $0x30, s12, s22, $0xb8;
	[tilespmem:$0x1B530] =	vst v63  }
0x64: {  	_ =	swait.ge [sflag:s5], $0x1800  }
0x65: {  	[sflag:s5] =	ssyncset.done $0x0  }
0x66: {  	s10 =	simm.s32 $0xEFB0;
	[sflag:s5] =	ssyncadd.s32 $0xFFFFE800  }
0x67: {  	[tilespmem:s28], [sflag:$0x2] =	stream.indirect.gather [spmem:s2], $0x30, s10, s22, $0xb8;
	[tilespmem:$0x1B530] =	vst v63  }
0x68: {  	_ =	swait.ge [sflag:s7], $0x1800  }
0x69: {  	[sflag:s7] =	ssyncset.done $0x0  }
0x6a: {  	s12 =	simm.s32 $0xF030;
	[sflag:s7] =	ssyncadd.s32 $0xFFFFE800  }
0x6b: {  	[tilespmem:s30], [sflag:$0x3] =	stream.indirect.gather [spmem:s2], $0x30, s12, s22, $0xb8;
	[tilespmem:$0x1B530] =	vst v63  }
0x6c: {  	_ =	swait.ge [sflag:s8], $0x1800  }
0x6d: {  	[sflag:s8] =	ssyncset.done $0x0  }
0x6e: {  	s9 =	simm.s32 $0x800;
	s10 =	simm.s32 $0xF0B0;
	[sflag:s8] =	ssyncadd.s32 $0xFFFFE800  }
.LBB2_4:
0x6f: {  	[tilespmem:s0], [sflag:$0x4] =	stream.indirect.gather [spmem:s2], $0x30, s10, s22, $0xb8;
	[tilespmem:$0x1B530] =	vst v63  }
0x70: {  	s10 =	smov.u32 s9  }
0x71: {  	p1 =	sne.s32 s9, $0x9000;
	s9 =	sadd.s32 $0x800, s9;
	_ =	swait.ge [sflag:s1], $0x1800  }
0x72: {  	s10 =	sshra.s32 s10, $0x2;
	[sflag:s1] =	ssyncset.done $0x0  }
0x73: {  	s12 =	sadd.s32 $0x11530, s10;
	[sflag:s1] =	ssyncadd.s32 $0xFFFFE800  }
0x74: {  	[spmem:s3] =	stream.indirect.scatter.add.f32 [tilespmem:s24], [sflag:$0x5], $0x30, s12, s22, $0xb8;
	[tilespmem:$0x1B530] =	vst v63  }
0x75: {  	_ =	swait.ge [sflag:s21], $0x1800  }
0x76: {  	[sflag:s21] =	ssyncset.done $0x0  }
0x77: {  	s12 =	sadd.s32 $0x115B0, s10;
	[sflag:s21] =	ssyncadd.s32 $0xFFFFE800  }
0x78: {  	[spmem:s3] =	stream.indirect.scatter.add.f32 [tilespmem:s28], [sflag:$0x6], $0x30, s12, s22, $0xb8;
	[tilespmem:$0x1B530] =	vst v63  }
0x79: {  	_ =	swait.ge [sflag:s26], $0x1800  }
0x7a: {  	[sflag:s26] =	ssyncset.done $0x0  }
0x7b: {  	s12 =	sadd.s32 $0x11630, s10;
	[sflag:s26] =	ssyncadd.s32 $0xFFFFE800  }
0x7c: {  	[spmem:s3] =	stream.indirect.scatter.add.f32 [tilespmem:s30], [sflag:$0x7], $0x30, s12, s22, $0xb8;
	[tilespmem:$0x1B530] =	vst v63  }
0x7d: {  	_ =	swait.ge [sflag:s29], $0x1800  }
0x7e: {  	[sflag:s29] =	ssyncset.done $0x0  }
0x7f: {  	s12 =	sadd.s32 $0x116B0, s10;
	[sflag:s29] =	ssyncadd.s32 $0xFFFFE800  }
0x80: {  	[spmem:s3] =	stream.indirect.scatter.add.f32 [tilespmem:s0], [sflag:$0x8], $0x30, s12, s22, $0xb8;
	[tilespmem:$0x1B530] =	vst v63  }
0x81: {  	_ =	swait.ge [sflag:s31], $0x1800  }
0x82: {  	[sflag:s31] =	ssyncset.done $0x0  }
0x83: {  	s12 =	sadd.s32 $0xEF30, s10;
	[sflag:s31] =	ssyncadd.s32 $0xFFFFE800  }
0x84: {  	[tilespmem:s24], [sflag:$0x1] =	stream.indirect.gather [spmem:s2], $0x30, s12, s22, $0xb8;
	[tilespmem:$0x1B530] =	vst v63  }
0x85: {  	_ =	swait.ge [sflag:s5], $0x1800  }
0x86: {  	[sflag:s5] =	ssyncset.done $0x0  }
0x87: {  	s12 =	sadd.s32 $0xEFB0, s10;
	[sflag:s5] =	ssyncadd.s32 $0xFFFFE800  }
0x88: {  	[tilespmem:s28], [sflag:$0x2] =	stream.indirect.gather [spmem:s2], $0x30, s12, s22, $0xb8;
	[tilespmem:$0x1B530] =	vst v63  }
0x89: {  	_ =	swait.ge [sflag:s7], $0x1800  }
0x8a: {  	[sflag:s7] =	ssyncset.done $0x0  }
.Ltmp1:
0x8b: {  	s12 =	sadd.s32 $0xF030, s10;
	[sflag:s7] =	ssyncadd.s32 $0xFFFFE800;
	(pc) =	sbr.rel @p1 .LBB2_4-.Ltmp1, $4  }
0x8c: {  	[tilespmem:s30], [sflag:$0x3] =	stream.indirect.gather [spmem:s2], $0x30, s12, s22, $0xb8;
	[tilespmem:$0x1B530] =	vst v63  }
0x8d: {  	_ =	swait.ge [sflag:s8], $0x1800  }
0x8e: {  	[sflag:s8] =	ssyncset.done $0x0  }
0x8f: {  	s10 =	sadd.s32 $0xF0B0, s10;
	[sflag:s8] =	ssyncadd.s32 $0xFFFFE800  }
0x90: {  	[tilespmem:s0], [sflag:$0x4] =	stream.indirect.gather [spmem:s2], $0x30, s10, s22, $0xb8;
	[tilespmem:$0x1B530] =	vst v63  }
0x91: {  	_ =	swait.ge [sflag:s1], $0x1800  }
0x92: {  	[sflag:s1] =	ssyncset.done $0x0  }
0x93: {  	s9 =	simm.s32 $0x13B30;
	[sflag:s1] =	ssyncadd.s32 $0xFFFFE800  }
0x94: {  	[spmem:s3] =	stream.indirect.scatter.add.f32 [tilespmem:s24], [sflag:$0x5], $0x30, s9, s22, $0xb8;
	[tilespmem:$0x1B530] =	vst v63  }
0x95: {  	_ =	swait.ge [sflag:s21], $0x1800  }
0x96: {  	[sflag:s21] =	ssyncset.done $0x0  }
0x97: {  	s10 =	simm.s32 $0x13BB0;
	[sflag:s21] =	ssyncadd.s32 $0xFFFFE800  }
0x98: {  	[spmem:s3] =	stream.indirect.scatter.add.f32 [tilespmem:s28], [sflag:$0x6], $0x30, s10, s22, $0xb8;
	[tilespmem:$0x1B530] =	vst v63  }
0x99: {  	_ =	swait.ge [sflag:s26], $0x1800  }
0x9a: {  	[sflag:s26] =	ssyncset.done $0x0  }
0x9b: {  	s12 =	simm.s32 $0x13C30;
	[sflag:s26] =	ssyncadd.s32 $0xFFFFE800  }
0x9c: {  	[spmem:s3] =	stream.indirect.scatter.add.f32 [tilespmem:s30], [sflag:$0x7], $0x30, s12, s22, $0xb8;
	[tilespmem:$0x1B530] =	vst v63  }
0x9d: {  	_ =	swait.ge [sflag:s29], $0x1800  }
0x9e: {  	[sflag:s29] =	ssyncset.done $0x0  }
0x9f: {  	s10 =	simm.s32 $0x13CB0;
	[sflag:s29] =	ssyncadd.s32 $0xFFFFE800  }
0xa0: {  	[spmem:s3] =	stream.indirect.scatter.add.f32 [tilespmem:s0], [sflag:$0x8], $0x30, s10, s22, $0xb8;
	[tilespmem:$0x1B530] =	vst v63  }
0xa1: {  	_ =	swait.ge [sflag:s31], $0x1800  }
0xa2: {  	[sflag:s31] =	ssyncset.done $0x0  }
0xa3: {  	[sflag:s31] =	ssyncadd.s32 $0xFFFFE800  }
0xa4: {  	_ =	swait.ge [sflag:s5], $0x1800  }
0xa5: {  	[sflag:s5] =	ssyncset.done $0x0  }
0xa6: {  	[sflag:s5] =	ssyncadd.s32 $0xFFFFE800  }
0xa7: {  	_ =	swait.ge [sflag:s7], $0x1800  }
0xa8: {  	[sflag:s7] =	ssyncset.done $0x0  }
0xa9: {  	[sflag:s7] =	ssyncadd.s32 $0xFFFFE800  }
0xaa: {  	_ =	swait.ge [sflag:s8], $0x1800  }
0xab: {  	[sflag:s8] =	ssyncset.done $0x0  }
0xac: {  	[sflag:s8] =	ssyncadd.s32 $0xFFFFE800  }
0xad: {  	[bflag:$0x0] =	sbarrier.arrive $0xFFFF  }
0xae: {  	[hbm:s23], [sflag:s6] =	dma.local [spmem:s25], $0xF00  }
0xaf: {  	_ =	swait.ge [sflag:s17], $0xF00  }
0xb0: {  	s4 =	sadd.s32 $0x1, s4;
	s12 =	rddreg [dreg:$0x9]  }
0xb1: {  	p1 =	sne.s32 s4, s12  }
.Ltmp2:
0xb2: {  	_ = 	snop;
	(pc) =	sbr.rel @p1 .LBB2_1-.Ltmp2, $3  }
0xb3: {  	_ =	sdelay $0x1  }
0xb4: {  	[sflag:s17] =	ssyncset.done $0x0  }
0xb5: {  	[sflag:s17] =	ssyncadd.s32 $0xFFFFF100  }
0xb6: {  	_ =	sfence.sel $0x180000  }
0xb7: {  	[bflag:$0x0] =	sbarrier.arrive $0xFFFF  }
0xb8: {  	_ =	strace $0x9000004A  }
0xb9: {  	s0 =	stileid.u32;
	[bflag:$0x2] =	sbarrier.arrive $0xFFFF  }
0xba: {  	p0 =	sne.s32 s0, $0x0;
	s0 =	rddreg [dreg:$0x4]  }
0xbb: {  	s0 =	sadd.s32 @!p0 $0x100000, s0  }
0xbc: {  	[sflag:s0] =	ssyncadd.tile.s32 @!p0 $0x1;
	_ =	shalt  }
.Lfunc_end2:
_tile_overlayer_lowered:
.L_overlay_start_2:
0xbd: {  	(tag) =	ssettag $0x2  }
0xbe: {  	s0 =	rddreg [dreg:$0x0];
	s2 =	stileid.u32  }
0xbf: {  	s1 =	rddreg [dreg:$0x1];
	p0 =	sne.s32 s2, $0x0  }
0xc0: {  	s3 =	rddreg [dreg:$0x2];
	[bflag:$0x3] =	sbarrier.arrive $0xFFFF;
	s2 =	simm.s32 @!p0 $0x1C09  }
0xc1: {  	[timem:s3], [sflag:s2] =	dma.local @!p0 [hbm:s0], s1  }
0xc2: {  	s0 =	simm.s32 @!p0 $0x9  }
0xc3: {  	_ =	swait.ge @!p0 [sflag:s0], s1  }
0xc4: {  	s1 =	ssub.s32 @!p0 $0x0, s1;
	[sflag:s0] =	ssyncset.done @!p0 $0x0  }
0xc5: {  	[sflag:s0] =	ssyncadd.s32 @!p0 s1  }
0xc6: {  	[bflag:$0x3] =	sbarrier.arrive $0xFFFF  }
0xc7: {  	_ =	shalt  }

// kernel: kernel.15.cloned.1.call-start
scs
__scs_entry_jumppad:
0x0: {  	(pc) =	sbr.rel $0x88, $3  }
0x1: {  	(tag) =	ssettag $0x0;
	lr =	simm.s32 $0x1  }
0x2: {  	[smem:$0x3F9D] =	sst lr;
	_ =	strace $0xD0000000  }
0x3: {  	_ = 	snop  }
0x4: {  	_ = 	snop  }
0x5: {  	_ = 	snop  }
0x6: {  	_ = 	snop  }
0x7: {  	_ = 	snop  }
__scs_overlays_trampoline_lowered:
0x8: {  	[smem:$0x3FAC] =	sst s0  }
0x9: {  	[smem:$0x3FAD] =	sst s1  }
0xa: {  	[smem:$0x3FAE] =	sst s2  }
0xb: {  	[smem:$0x3FAF] =	sst s3  }
0xc: {  	[smem:$0x3FB0] =	sst s4  }
0xd: {  	[smem:$0x3FB1] =	sst s5  }
0xe: {  	[smem:$0x3FB2] =	sst s6  }
0xf: {  	[smem:$0x3FB3] =	sst s7  }
0x10: {  	[smem:$0x3FB4] =	sst s8  }
0x11: {  	[smem:$0x3FB5] =	sst s9;
	s0 =	simm.s32 @!p0 $0x0  }
0x12: {  	s1 =	sld [smem:$0x3F9B];
	s0 =	simm.s32 @p0 $0x1  }
0x13: {  	[smem:$0x3FB6] =	sst s0;
	s0 =	simm.s32 @!p1 $0x0  }
0x14: {  	s2 =	sld [smem:$0x3F9A];
	s0 =	simm.s32 @p1 $0x1  }
0x15: {  	[smem:$0x3FB7] =	sst s0;
	s0 =	simm.s32 @!p2 $0x0  }
0x16: {  	s3 =	sld [smem:$0x3FDB];
	s0 =	simm.s32 @p2 $0x1  }
0x17: {  	s4 =	simm.s32 $0x1BF5;
	[smem:$0x3FB9] =	sst s0  }
0x18: {  	s0 =	sld [smem:$0x3F9C];
	_ =	swait.ge [sflag:s4], $0x0  }
0x19: {  	s7 =	sld [smem:$0x3F9D]  }
0x1a: {  	s8 =	sadd.s32 $0xFFFFE003, lr  }
0x1b: {  	s9 =	sadd.s32 $0xFFFFFEF7, lr;
	s5 =	simm.s32 $0xFFFFFFFF;
	p2 =	slt.u32 s8, $0xFFFFF086  }
0x1c: {  	p1 =	slt.u32 s9, $0xF7A;
	s5 =	simm.s32 @!p2 $0x0  }
0x1d: {  	s5 =	simm.s32 @p1 $0x1;
	p0 =	seq.s32 s7, s2  }
0x1e: {  	s7 =	smul.u32 @!p0 $0xF7A, s2;
	p2 =	seq.s32 @!p0 s5, $0x0  }
0x1f: {  	s9 =	smul.u32 $0xF7A, s1;
	s8 =	simm.s32 @!p0 $0x1BF5;
	p2 =	por !p2, p0  }
0x20: {  	[sflag:s8] =	ssyncset.s32 @!p0 $0xFFFFF086;
	s6 =	sadd.s32 @!p0 s3, s7;
	s7 =	simm.s32 @!p0 $0x108  }
0x21: {  	s3 =	sadd.s32 s3, s9;
	s6 =	sadd.s32 @!p0 $0x88, s6;
	s7 =	simm.s32 @p2 $0x1082  }
0x22: {  	[simem:s7], [sflag:s8] =	dma.local @!p0 [hbm:s6], $0xF7A  }
0x23: {  	s9 =	sor.u32 $0xD0000000, s2;
	s6 =	simm.s32 $0x108;
	_ =	swait.ge @!p0 [sflag:s8], $0x0  }
0x24: {  	s3 =	sadd.s32 $0x88, s3;
	s6 =	simm.s32 @!p1 $0x1082;
	[sflag:s4] =	ssyncset.s32 $0xFFFFF086  }
0x25: {  	[simem:s6], [sflag:s4] =	dma.local [hbm:s3], $0xF7A  }
0x26: {  	[smem:$0x3F9D] =	sst s1;
	(tag) =	ssettag s2;
	_ =	strace s9  }
0x27: {  	s1 =	sld [smem:$0x3FAD]  }
0x28: {  	s2 =	sld [smem:$0x3FAE]  }
0x29: {  	s4 =	sld [smem:$0x3FB0]  }
0x2a: {  	p0 =	seq.s32 s5, $0x0;
	s5 =	sld [smem:$0x3FB1]  }
0x2b: {  	s6 =	sld [smem:$0x3FB2]  }
0x2c: {  	s7 =	sld [smem:$0x3FB3]  }
0x2d: {  	s3 =	simm.s32 $0x108;
	s8 =	sld [smem:$0x3FB4]  }
0x2e: {  	s3 =	simm.s32 @!p0 $0x1082;
	s9 =	sld [smem:$0x3FB5]  }
0x2f: {  	lr =	sadd.s32 s0, s3;
	s0 =	sld [smem:$0x3FAC]  }
0x30: {  	s3 =	sld [smem:$0x3FAF]  }
0x31: {  	[smem:$0x3FB8] =	sst s10  }
0x32: {  	s10 =	sld [smem:$0x3FB6];
	_ =	sdelay $0x3  }
0x33: {  	p0 =	seq.s32 s10, $0x1;
	s10 =	sld [smem:$0x3FB8];
	_ =	sdelay $0x3  }
0x34: {  	[smem:$0x3FB8] =	sst s10  }
0x35: {  	s10 =	sld [smem:$0x3FB7];
	_ =	sdelay $0x3  }
0x36: {  	p1 =	seq.s32 s10, $0x1;
	s10 =	sld [smem:$0x3FB8];
	_ =	sdelay $0x3  }
0x37: {  	[smem:$0x3FB8] =	sst s10  }
0x38: {  	s10 =	sld [smem:$0x3FB9]  }
0x39: {  	_ = 	snop;
	(pc) =	sbr.ind lr, $3  }
0x3a: {  	_ = 	snop  }
0x3b: {  	_ = 	snop  }
0x3c: {  	p2 =	seq.s32 s10, $0x1;
	s10 =	sld [smem:$0x3FB8]  }
0x3d: {  	_ =	shalt  }
0x3e: {  	_ =	shalt  }
0x3f: {  	_ =	shalt  }
0x40: {  	_ =	shalt  }
0x41: {  	_ =	shalt  }
0x42: {  	_ =	shalt  }
0x43: {  	_ =	shalt  }
0x44: {  	_ =	shalt  }
0x45: {  	_ =	shalt  }
0x46: {  	_ =	shalt  }
0x47: {  	_ =	shalt  }
0x48: {  	_ =	shalt  }
0x49: {  	_ =	shalt  }
0x4a: {  	_ =	shalt  }
0x4b: {  	_ =	shalt  }
0x4c: {  	_ =	shalt  }
0x4d: {  	_ =	shalt  }
0x4e: {  	_ =	shalt  }
0x4f: {  	_ =	shalt  }
0x50: {  	_ =	shalt  }
0x51: {  	_ =	shalt  }
0x52: {  	_ =	shalt  }
0x53: {  	_ =	shalt  }
0x54: {  	_ =	shalt  }
0x55: {  	_ =	shalt  }
0x56: {  	_ =	shalt  }
0x57: {  	_ =	shalt  }
0x58: {  	_ =	shalt  }
0x59: {  	_ =	shalt  }
0x5a: {  	_ =	shalt  }
0x5b: {  	_ =	shalt  }
0x5c: {  	_ =	shalt  }
0x5d: {  	_ =	shalt  }
0x5e: {  	_ =	shalt  }
0x5f: {  	_ =	shalt  }
0x60: {  	_ =	shalt  }
0x61: {  	_ =	shalt  }
0x62: {  	_ =	shalt  }
0x63: {  	_ =	shalt  }
0x64: {  	_ =	shalt  }
0x65: {  	_ =	shalt  }
0x66: {  	_ =	shalt  }
0x67: {  	_ =	shalt  }
0x68: {  	_ =	shalt  }
0x69: {  	_ =	shalt  }
0x6a: {  	_ =	shalt  }
0x6b: {  	_ =	shalt  }
0x6c: {  	_ =	shalt  }
0x6d: {  	_ =	shalt  }
0x6e: {  	_ =	shalt  }
0x6f: {  	_ =	shalt  }
0x70: {  	_ =	shalt  }
0x71: {  	_ =	shalt  }
0x72: {  	_ =	shalt  }
0x73: {  	_ =	shalt  }
0x74: {  	_ =	shalt  }
0x75: {  	_ =	shalt  }
0x76: {  	_ =	shalt  }
0x77: {  	_ =	shalt  }
0x78: {  	_ =	shalt  }
0x79: {  	_ =	shalt  }
0x7a: {  	_ =	shalt  }
0x7b: {  	_ =	shalt  }
0x7c: {  	_ =	shalt  }
0x7d: {  	_ =	shalt  }
0x7e: {  	_ =	shalt  }
0x7f: {  	_ =	shalt  }
0x80: {  	_ =	shalt  }
0x81: {  	_ =	shalt  }
0x82: {  	_ =	shalt  }
0x83: {  	_ =	shalt  }
0x84: {  	_ =	shalt  }
0x85: {  	_ =	shalt  }
0x86: {  	_ =	shalt  }
0x87: {  	_ =	shalt  }
.Lfunc_end0:
.L_simem_size_0:
called_computation.2_lowered:
.L_overlay_start_0:
0x88: {  	s2 =	sld [smem:$0x3FD9]  }
0x89: {  	s3 =	sld [smem:$0x3FFE];
	_ =	sdelay $0x1  }
0x8a: {  	s1 =	srdreg.scid  }
0x8b: {  	s0 =	sand.u32 $0x1, s1  }
0x8c: {  	s17 =	sshll.u32 s0, $0xA;
	s2 =	sadd.s32 s3, s2  }
0x8d: {  	s2 =	sadd.s32 s2, s17  }
0x8e: {  	[smem:$0x3FC4] =	sst s2  }
0x8f: {  	_ = 	snop  }
0x90: {  	s2 =	sld [smem:$0x3FD0];
	(tm) =	ssettm $0x1  }
0x91: {  	s18 =	sld [smem:$0x3FFB];
	_ =	sdelay $0x3  }
0x92: {  	_ =	strace s18  }
0x93: {  	s3 =	sld [smem:$0x3FFC];
	_ =	sdelay $0x3  }
0x94: {  	_ =	strace s3  }
0x95: {  	s3 =	sld [smem:$0x3FFD];
	_ =	sdelay $0x3  }
0x96: {  	_ =	strace s3  }
0x97: {  	_ =	strace $0x8FFFFFFF  }
0x98: {  	s19 =	sld [smem:$0x3FDB];
	_ =	sdelay $0x1  }
0x99: {  	s4 =	simm.s32 $_scs_section_size  }
0x9a: {  	s5 =	simm.s32 $_size__tile_overlayer_lowered;
	s6 =	simm.s32 $_tile_overlayer_lowered  }
0x9b: {  	s22 =	simm.s32 $0x1BFF;
	s21 =	sshll.u32 s6, $0x1;
	s3 =	sadd.s32 s4, s19  }
0x9c: {  	s7 =	simm.s32 $0x0;
	s20 =	sshll.u32 s5, $0x1;
	s5 =	sadd.s32 s21, s3  }
0x9d: {  	[timem:s7], [sflag:s22] =	dma.local [hbm:s5], s20  }
0x9e: {  	_ =	swait.ge [sflag:s22], s20  }
0x9f: {  	s4 =	ssub.s32 $0x0, s20;
	[sflag:s22] =	ssyncset.done $0x0  }
0xa0: {  	[sflag:s22] =	ssyncadd.s32 s4;
	_ =	sdelay $0x1  }
0xa1: {  	s23 =	simm.s32 $0x1B8B  }
0xa2: {  	_ =	swait.ge [sflag:s23], $0x1  }
0xa3: {  	[sflag:s23] =	ssyncset.done $0x0  }
0xa4: {  	s25 =	simm.s32 $0x1B8E;
	s24 =	sld [smem:$0x3FFE];
	[sflag:s23] =	ssyncadd.s32 $0xFFFFFFFF  }
0xa5: {  	s26 =	simm.s32 $execute0_lowered;
	[smem:$0x3FD2] =	sst s25  }
0xa6: {  	s5 =	sshll.u32 s26, $0x1;
	_ =	strace $0x8000004C;
	[dreg:$0x1] =	wrdreg $0xFFFFFFFF  }
0xa7: {  	s28 =	simm.s32 $_size_execute0_lowered;
	s3 =	sadd.s32 s3, s5;
	[dreg:$0x0] =	wrdreg $0x0  }
0xa8: {  	s5 =	sshll.u32 s28, $0x1;
	[dreg:$0x2] =	wrdreg s3  }
0xa9: {  	[dreg:$0x3] =	wrdreg s5  }
0xaa: {  	[dreg:$0x4] =	wrdreg $0xC0  }
0xab: {  	_ =	task [dreg:s7], $0x5FFFF  }
0xac: {  	[dreg:$0x1] =	wrdreg $0xFFFFFFFF  }
0xad: {  	[dreg:$0x0] =	wrdreg $0x60  }
0xae: {  	[dreg:$0x2] =	wrdreg s24  }
0xaf: {  	[dreg:$0x3] =	wrdreg s2  }
0xb0: {  	[dreg:$0x4] =	wrdreg $0x78000  }
0xb1: {  	[dreg:$0x5] =	wrdreg $0x0  }
0xb2: {  	[dreg:$0x6] =	wrdreg $0x9  }
0xb3: {  	_ =	task.clear_ibuf [dreg:s7], $0x7FFFF;
	_ =	strace $0x9000004C  }
0xb4: {  	s29 =	simm.s32 $0x9;
	_ =	strace $0x8000004E  }
0xb5: {  	_ =	swait.ge [sflag:s29], $0x1  }
0xb6: {  	[sflag:s29] =	ssyncadd.s32 $0xFFFFFFFF  }
0xb7: {  	_ =	strace $0x9000004E  }
0xb8: {  	_ =	sfence  }
0xb9: {  	s30 =	sld [smem:$0x0];
	_ =	sdelay $0x2  }
0xba: {  	s31 =	sshll.u32 s1, $0xD;
	s1 =	sshrl.u32 s1, $0x2  }
0xbb: {  	s3 =	sand.u32 $0x4000, s31;
	s1 =	sadd.s32 s1, s30  }
0xbc: {  	s0 =	sor.u32 s3, s0;
	s1 =	sshll.u32 s1, $0x11  }
0xbd: {  	s0 =	sor.u32 s1, s0  }
0xbe: {  	s0 =	sadd.s32 $0x8F2B, s0  }
0xbf: {  	[sflag:s0] =	ssyncadd.remote.s32 $0x1  }
0xc0: {  	_ =	sfence.sel $0xFFFF  }
0xc1: {  	[dreg:$0x0] =	wrdreg $0xFFFFFFFF;
	(pc) =	sbr.abs _section_cstart, $3  }
0xc2: {  	[dreg:$0x1] =	wrdreg $0xFFFFFFFF  }
0xc3: {  	_ =	task.clear_ibuf [dreg:s7], $0x2FFFF;
	_ =	strace $0x9FFFFFFF  }
0xc4: {  	(tm) =	ssettm $0x7FFFFFFF  }
0xc5: {  	_ =	shalt  }
tec
execute0_lowered:
.L_overlay_start_1:
0x0: {  	(tag) =	ssettag $0x1  }
0x1: {  	s0 =	rddreg [dreg:$0x0]  }
0x2: {  	s1 =	rddreg [dreg:$0x1]  }
0x3: {  	s2 =	rddreg [dreg:$0x2]  }
0x4: {  	s3 =	rddreg [dreg:$0x3]  }
0x5: {  	s16 =	stileid.u32;
	s5 =	srdreg.scid  }
0x6: {  	s4 =	simm.s32 $0x0;
	s22 =	simm.s32 $0x80;
	s28 =	simm.s32 $0x15530  }
0x7: {  	s30 =	simm.s32 $0x16D30;
	s29 =	simm.s32 $0x4;
	s31 =	simm.s32 $0x5  }
0x8: {  	s5 =	sand.u32 $0x1, s5;
	s6 =	sshll.u32 s16, $0x1;
	s7 =	smul.u32 $0x7500, s16  }
0x9: {  	[smem:$0x7FF] =	sst s4;
	s15 =	sshll.u32 s16, $0x6;
	s17 =	smul.u32 $0x7800, s16  }
0xa: {  	s18 =	sadd.s32 $0x75000, s2;
	s12 =	smul.u32 $0x1E000, s16;
	p0 =	sne.s32 s16, $0xF  }
0xb: {  	s6 =	sor.u32 s5, s6;
	_ =	strace $0x8000004D;
	s9 =	smul.u32 $0xF000, s5  }
0xc: {  	s5 =	ssub.s32 $0x2, s5;
	s18 =	sshrl.u32 @!p0 s18, $0x3;
	s8 =	smul.u32 $0x500, s6  }
0xd: {  	s14 =	sshrl.u32 s7, $0x3;
	s11 =	sshrl.u32 s5, $0x1;
	s7 =	sadd.s32 s7, s2  }
0xe: {  	s23 =	sshrl.u32 s17, $0x3;
	s24 =	sshrl.u32 s12, $0x2;
	s25 =	sadd.s32 s17, s3  }
0xf: {  	s17 =	simm.s32 $0x9;
	s6 =	sadd.s32 s14, s0;
	s9 =	sadd.s32 s9, s0  }
0x10: {  	s5 =	ssub.s32 s5, s11;
	s11 =	sadd.s32 s24, s3;
	s16 =	sshrl.u32 s7, $0x3  }
0x11: {  	s24 =	simm.s32 $0x13D30;
	s25 =	sshrl.u32 s25, $0x3;
	s7 =	simm.s32 $0x7  }
0x12: {  	s10 =	sadd.s32 s8, s0;
	s6 =	sadd.s32 $0x15200, s6;
	s0 =	sadd.s32 $0x23C00, s0  }
0x13: {  	s20 =	sadd.s32 s1, s8;
	s21 =	sadd.s32 $0x23E00, s9;
	[dreg:$0x5] =	wrdreg s6  }
0x14: {  	s5 =	smax.u32 s5, $0x1;
	s26 =	sadd.s32 $0x1800, s11;
	[dreg:$0x6] =	wrdreg s0  }
0x15: {  	s13 =	sadd.s32 $0x3000, s11;
	s14 =	sadd.s32 $0x4800, s11;
	[dreg:$0x8] =	wrdreg s20  }
0x16: {  	s1 =	simm.s32 $0x1;
	s8 =	simm.s32 $0x8;
	[dreg:$0x9] =	wrdreg s5  }
0x17: {  	s6 =	sor.u32 $0x1C09, s15;
	s19 =	sadd.s32 $0xB200, s10;
	[dreg:$0xa] =	wrdreg s26  }
0x18: {  	s15 =	sadd.s32 $0x6000, s11;
	s20 =	simm.s32 $0xED30;
	s23 =	sadd.s32 s23, s21  }
0x19: {  	s0 =	simm.s32 $0x18530;
	s21 =	simm.s32 $0x2;
	s26 =	simm.s32 $0x3  }
0x1a: {  	v0 =	vimm.f32 $0.0e+00;
	s5 =	simm.s32 $0x6;
	[dreg:$0x7] =	wrdreg s19;
	s19 =	simm.s32 $0x19D30  }
.LBB2_1:
0x1b: {  	s9 =	simm.s32 $0xC0;
	s10 =	simm.s32 $0x0  }
.LBB2_2:
0x1c: {  	p1 =	sne.s32 s9, $0x5F40;
	[tilespmem:s10+$0x19D50] =	vst v0;
	s12 =	smov.u32 s9;
	s9 =	sadd.s32 $0xC0, s9  }
.Ltmp0:
0x1d: {  	[tilespmem:s10+$0x19D30] =	vst v0;
	(pc) =	sbr.rel @p1 .LBB2_2-.Ltmp0, $2  }
0x1e: {  	[tilespmem:s10+$0x19D40] =	vst v0;
	_ =	sdelay $0x2  }
0x1f: {  	s10 =	sshra.s32 s12, $0x2  }
0x20: {  	[tilespmem:s10+$0x19D50] =	vst v0  }
0x21: {  	[tilespmem:s10+$0x19D30] =	vst v0  }
0x22: {  	[tilespmem:s10+$0x19D40] =	vst v0;
	s9 =	rddreg [dreg:$0x5]  }
0x23: {  	[spmem:s16], [sflag:s6] =	dma.local [hbm:s9], $0xEA0  }
0x24: {  	_ =	swait.ge [sflag:s17], $0xEA0  }
0x25: {  	[sflag:s17] =	ssyncset.done $0x0  }
0x26: {  	s9 =	rddreg [dreg:$0x6];
	[sflag:s17] =	ssyncadd.s32 $0xFFFFF160  }
0x27: {  	[spmem:s18], [sflag:s6] =	dma.local @!p0 [hbm:s9], $0x60  }
0x28: {  	s9 =	simm.s32 @!p0 $0x9  }
0x29: {  	_ =	swait.ge @!p0 [sflag:s9], $0x60  }
0x2a: {  	[sflag:s9] =	ssyncset.done @!p0 $0x0  }
0x2b: {  	[sflag:s9] =	ssyncadd.s32 @!p0 $0xFFFFFFA0  }
0x2c: {  	[spmem:s11] =	stream.linear.scatter [tilespmem:s19], [sflag:$0x9], $0x1800, $0x38;
	[tilespmem:$0x1B530] =	vst v63  }
0x2d: {  	_ =	swait.ge [sflag:s17], $0x1800  }
0x2e: {  	[sflag:s17] =	ssyncset.done $0x0  }
0x2f: {  	s10 =	rddreg [dreg:$0xa];
	[sflag:s17] =	ssyncadd.s32 $0xFFFFE800  }
0x30: {  	[spmem:s10] =	stream.linear.scatter [tilespmem:s19], [sflag:$0x9], $0x1800, $0x38;
	[tilespmem:$0x1B530] =	vst v63  }
0x31: {  	_ =	swait.ge [sflag:s17], $0x1800  }
0x32: {  	[sflag:s17] =	ssyncset.done $0x0  }
0x33: {  	[sflag:s17] =	ssyncadd.s32 $0xFFFFE800  }
0x34: {  	[spmem:s13] =	stream.linear.scatter [tilespmem:s19], [sflag:$0x9], $0x1800, $0x38;
	[tilespmem:$0x1B530] =	vst v63  }
0x35: {  	_ =	swait.ge [sflag:s17], $0x1800  }
0x36: {  	[sflag:s17] =	ssyncset.done $0x0  }
0x37: {  	[sflag:s17] =	ssyncadd.s32 $0xFFFFE800  }
0x38: {  	[spmem:s14] =	stream.linear.scatter [tilespmem:s19], [sflag:$0x9], $0x1800, $0x38;
	[tilespmem:$0x1B530] =	vst v63  }
0x39: {  	_ =	swait.ge [sflag:s17], $0x1800  }
0x3a: {  	[sflag:s17] =	ssyncset.done $0x0  }
0x3b: {  	[sflag:s17] =	ssyncadd.s32 $0xFFFFE800  }
0x3c: {  	[spmem:s15] =	stream.linear.scatter [tilespmem:s19], [sflag:$0x9], $0x1800, $0x38;
	[tilespmem:$0x1B530] =	vst v63  }
0x3d: {  	_ =	swait.ge [sflag:s17], $0x1800  }
0x3e: {  	[sflag:s17] =	ssyncset.done $0x0  }
0x3f: {  	s9 =	simm.s32 $0x0;
	s12 =	rddreg [dreg:$0x7];
	[sflag:s17] =	ssyncadd.s32 $0xFFFFE800  }
0x40: {  	[tilespmem:s20], [sflag:$0x9] =	stream.linear.gather [hbm4b:s12+s9], $0x2800, $0x38;
	[tilespmem:$0x1B530] =	vst v63  }
0x41: {  	_ =	swait.ge [sflag:s17], $0x2800  }
0x42: {  	[sflag:s17] =	ssyncset.done $0x0  }
0x43: {  	s12 =	simm.s32 $0x11530;
	s10 =	rddreg [dreg:$0x8];
	[sflag:s17] =	ssyncadd.s32 $0xFFFFD800  }
0x44: {  	[tilespmem:s12], [sflag:$0x9] =	stream.linear.gather [hbm4b:s10+s9], $0x2800, $0x38;
	[tilespmem:$0x1B530] =	vst v63  }
0x45: {  	_ =	swait.ge [sflag:s17], $0x2800  }
0x46: {  	[sflag:s17] =	ssyncset.done $0x0  }
0x47: {  	[sflag:s17] =	ssyncadd.s32 $0xFFFFD800  }
0x48: {  	[bflag:$0x0] =	sbarrier.arrive $0xFFFF  }
0x49: {  	[tilespmem:s24], [sflag:$0x1] =	stream.indirect.gather [spmem:s2], $0x30, s20, s22, $0xb8;
	[tilespmem:$0x1B530] =	vst v63  }
0x4a: {  	s10 =	simm.s32 $0xEDB0  }
0x4b: {  	[tilespmem:s28], [sflag:$0x2] =	stream.indirect.gather [spmem:s2], $0x30, s10, s22, $0xb8;
	[tilespmem:$0x1B530] =	vst v63  }
0x4c: {  	s12 =	simm.s32 $0xEE30  }
0x4d: {  	[tilespmem:s30], [sflag:$0x3] =	stream.indirect.gather [spmem:s2], $0x30, s12, s22, $0xb8;
	[tilespmem:$0x1B530] =	vst v63  }
0x4e: {  	s10 =	simm.s32 $0xEEB0  }
0x4f: {  	[tilespmem:s0], [sflag:$0x4] =	stream.indirect.gather [spmem:s2], $0x30, s10, s22, $0xb8;
	[tilespmem:$0x1B530] =	vst v63  }
0x50: {  	_ =	swait.ge [sflag:s1], $0x1800  }
0x51: {  	[sflag:s1] =	ssyncset.done $0x0  }
0x52: {  	s12 =	simm.s32 $0x11530;
	[sflag:s1] =	ssyncadd.s32 $0xFFFFE800  }
0x53: {  	[spmem:s3] =	stream.indirect.scatter.add.f32 [tilespmem:s24], [sflag:$0x5], $0x30, s12, s22, $0xb8;
	[tilespmem:$0x1B530] =	vst v63  }
0x54: {  	_ =	swait.ge [sflag:s21], $0x1800  }
0x55: {  	[sflag:s21] =	ssyncset.done $0x0  }
0x56: {  	s10 =	simm.s32 $0x115B0;
	[sflag:s21] =	ssyncadd.s32 $0xFFFFE800  }
0x57: {  	[spmem:s3] =	stream.indirect.scatter.add.f32 [tilespmem:s28], [sflag:$0x6], $0x30, s10, s22, $0xb8;
	[tilespmem:$0x1B530] =	vst v63  }
0x58: {  	_ =	swait.ge [sflag:s26], $0x1800  }
0x59: {  	[sflag:s26] =	ssyncset.done $0x0  }
0x5a: {  	s12 =	simm.s32 $0x11630;
	[sflag:s26] =	ssyncadd.s32 $0xFFFFE800  }
0x5b: {  	[spmem:s3] =	stream.indirect.scatter.add.f32 [tilespmem:s30], [sflag:$0x7], $0x30, s12, s22, $0xb8;
	[tilespmem:$0x1B530] =	vst v63  }
0x5c: {  	_ =	swait.ge [sflag:s29], $0x1800  }
0x5d: {  	[sflag:s29] =	ssyncset.done $0x0  }
0x5e: {  	s10 =	simm.s32 $0x116B0;
	[sflag:s29] =	ssyncadd.s32 $0xFFFFE800  }
0x5f: {  	[spmem:s3] =	stream.indirect.scatter.add.f32 [tilespmem:s0], [sflag:$0x8], $0x30, s10, s22, $0xb8;
	[tilespmem:$0x1B530] =	vst v63  }
0x60: {  	_ =	swait.ge [sflag:s31], $0x1800  }
0x61: {  	[sflag:s31] =	ssyncset.done $0x0  }
0x62: {  	s12 =	simm.s32 $0xEF30;
	[sflag:s31] =	ssyncadd.s32 $0xFFFFE800  }
0x63: {  	[tilespmem:s24], [sflag:$0x1] =	stream.indirect.gather [spmem:s2], $0x30, s12, s22, $0xb8;
	[tilespmem:$0x1B530] =	vst v63  }
0x64: {  	_ =	swait.ge [sflag:s5], $0x1800  }
0x65: {  	[sflag:s5] =	ssyncset.done $0x0  }
0x66: {  	s10 =	simm.s32 $0xEFB0;
	[sflag:s5] =	ssyncadd.s32 $0xFFFFE800  }
0x67: {  	[tilespmem:s28], [sflag:$0x2] =	stream.indirect.gather [spmem:s2], $0x30, s10, s22, $0xb8;
	[tilespmem:$0x1B530] =	vst v63  }
0x68: {  	_ =	swait.ge [sflag:s7], $0x1800  }
0x69: {  	[sflag:s7] =	ssyncset.done $0x0  }
0x6a: {  	s12 =	simm.s32 $0xF030;
	[sflag:s7] =	ssyncadd.s32 $0xFFFFE800  }
0x6b: {  	[tilespmem:s30], [sflag:$0x3] =	stream.indirect.gather [spmem:s2], $0x30, s12, s22, $0xb8;
	[tilespmem:$0x1B530] =	vst v63  }
0x6c: {  	_ =	swait.ge [sflag:s8], $0x1800  }
0x6d: {  	[sflag:s8] =	ssyncset.done $0x0  }
0x6e: {  	s9 =	simm.s32 $0x800;
	s10 =	simm.s32 $0xF0B0;
	[sflag:s8] =	ssyncadd.s32 $0xFFFFE800  }
.LBB2_4:
0x6f: {  	[tilespmem:s0], [sflag:$0x4] =	stream.indirect.gather [spmem:s2], $0x30, s10, s22, $0xb8;
	[tilespmem:$0x1B530] =	vst v63  }
0x70: {  	s10 =	smov.u32 s9  }
0x71: {  	p1 =	sne.s32 s9, $0x9000;
	s9 =	sadd.s32 $0x800, s9;
	_ =	swait.ge [sflag:s1], $0x1800  }
0x72: {  	s10 =	sshra.s32 s10, $0x2;
	[sflag:s1] =	ssyncset.done $0x0  }
0x73: {  	s12 =	sadd.s32 $0x11530, s10;
	[sflag:s1] =	ssyncadd.s32 $0xFFFFE800  }
0x74: {  	[spmem:s3] =	stream.indirect.scatter.add.f32 [tilespmem:s24], [sflag:$0x5], $0x30, s12, s22, $0xb8;
	[tilespmem:$0x1B530] =	vst v63  }
0x75: {  	_ =	swait.ge [sflag:s21], $0x1800  }
0x76: {  	[sflag:s21] =	ssyncset.done $0x0  }
0x77: {  	s12 =	sadd.s32 $0x115B0, s10;
	[sflag:s21] =	ssyncadd.s32 $0xFFFFE800  }
0x78: {  	[spmem:s3] =	stream.indirect.scatter.add.f32 [tilespmem:s28], [sflag:$0x6], $0x30, s12, s22, $0xb8;
	[tilespmem:$0x1B530] =	vst v63  }
0x79: {  	_ =	swait.ge [sflag:s26], $0x1800  }
0x7a: {  	[sflag:s26] =	ssyncset.done $0x0  }
0x7b: {  	s12 =	sadd.s32 $0x11630, s10;
	[sflag:s26] =	ssyncadd.s32 $0xFFFFE800  }
0x7c: {  	[spmem:s3] =	stream.indirect.scatter.add.f32 [tilespmem:s30], [sflag:$0x7], $0x30, s12, s22, $0xb8;
	[tilespmem:$0x1B530] =	vst v63  }
0x7d: {  	_ =	swait.ge [sflag:s29], $0x1800  }
0x7e: {  	[sflag:s29] =	ssyncset.done $0x0  }
0x7f: {  	s12 =	sadd.s32 $0x116B0, s10;
	[sflag:s29] =	ssyncadd.s32 $0xFFFFE800  }
0x80: {  	[spmem:s3] =	stream.indirect.scatter.add.f32 [tilespmem:s0], [sflag:$0x8], $0x30, s12, s22, $0xb8;
	[tilespmem:$0x1B530] =	vst v63  }
0x81: {  	_ =	swait.ge [sflag:s31], $0x1800  }
0x82: {  	[sflag:s31] =	ssyncset.done $0x0  }
0x83: {  	s12 =	sadd.s32 $0xEF30, s10;
	[sflag:s31] =	ssyncadd.s32 $0xFFFFE800  }
0x84: {  	[tilespmem:s24], [sflag:$0x1] =	stream.indirect.gather [spmem:s2], $0x30, s12, s22, $0xb8;
	[tilespmem:$0x1B530] =	vst v63  }
0x85: {  	_ =	swait.ge [sflag:s5], $0x1800  }
0x86: {  	[sflag:s5] =	ssyncset.done $0x0  }
0x87: {  	s12 =	sadd.s32 $0xEFB0, s10;
	[sflag:s5] =	ssyncadd.s32 $0xFFFFE800  }
0x88: {  	[tilespmem:s28], [sflag:$0x2] =	stream.indirect.gather [spmem:s2], $0x30, s12, s22, $0xb8;
	[tilespmem:$0x1B530] =	vst v63  }
0x89: {  	_ =	swait.ge [sflag:s7], $0x1800  }
0x8a: {  	[sflag:s7] =	ssyncset.done $0x0  }
.Ltmp1:
0x8b: {  	s12 =	sadd.s32 $0xF030, s10;
	[sflag:s7] =	ssyncadd.s32 $0xFFFFE800;
	(pc) =	sbr.rel @p1 .LBB2_4-.Ltmp1, $4  }
0x8c: {  	[tilespmem:s30], [sflag:$0x3] =	stream.indirect.gather [spmem:s2], $0x30, s12, s22, $0xb8;
	[tilespmem:$0x1B530] =	vst v63  }
0x8d: {  	_ =	swait.ge [sflag:s8], $0x1800  }
0x8e: {  	[sflag:s8] =	ssyncset.done $0x0  }
0x8f: {  	s10 =	sadd.s32 $0xF0B0, s10;
	[sflag:s8] =	ssyncadd.s32 $0xFFFFE800  }
0x90: {  	[tilespmem:s0], [sflag:$0x4] =	stream.indirect.gather [spmem:s2], $0x30, s10, s22, $0xb8;
	[tilespmem:$0x1B530] =	vst v63  }
0x91: {  	_ =	swait.ge [sflag:s1], $0x1800  }
0x92: {  	[sflag:s1] =	ssyncset.done $0x0  }
0x93: {  	s9 =	simm.s32 $0x13B30;
	[sflag:s1] =	ssyncadd.s32 $0xFFFFE800  }
0x94: {  	[spmem:s3] =	stream.indirect.scatter.add.f32 [tilespmem:s24], [sflag:$0x5], $0x30, s9, s22, $0xb8;
	[tilespmem:$0x1B530] =	vst v63  }
0x95: {  	_ =	swait.ge [sflag:s21], $0x1800  }
0x96: {  	[sflag:s21] =	ssyncset.done $0x0  }
0x97: {  	s10 =	simm.s32 $0x13BB0;
	[sflag:s21] =	ssyncadd.s32 $0xFFFFE800  }
0x98: {  	[spmem:s3] =	stream.indirect.scatter.add.f32 [tilespmem:s28], [sflag:$0x6], $0x30, s10, s22, $0xb8;
	[tilespmem:$0x1B530] =	vst v63  }
0x99: {  	_ =	swait.ge [sflag:s26], $0x1800  }
0x9a: {  	[sflag:s26] =	ssyncset.done $0x0  }
0x9b: {  	s12 =	simm.s32 $0x13C30;
	[sflag:s26] =	ssyncadd.s32 $0xFFFFE800  }
0x9c: {  	[spmem:s3] =	stream.indirect.scatter.add.f32 [tilespmem:s30], [sflag:$0x7], $0x30, s12, s22, $0xb8;
	[tilespmem:$0x1B530] =	vst v63  }
0x9d: {  	_ =	swait.ge [sflag:s29], $0x1800  }
0x9e: {  	[sflag:s29] =	ssyncset.done $0x0  }
0x9f: {  	s10 =	simm.s32 $0x13CB0;
	[sflag:s29] =	ssyncadd.s32 $0xFFFFE800  }
0xa0: {  	[spmem:s3] =	stream.indirect.scatter.add.f32 [tilespmem:s0], [sflag:$0x8], $0x30, s10, s22, $0xb8;
	[tilespmem:$0x1B530] =	vst v63  }
0xa1: {  	_ =	swait.ge [sflag:s31], $0x1800  }
0xa2: {  	[sflag:s31] =	ssyncset.done $0x0  }
0xa3: {  	[sflag:s31] =	ssyncadd.s32 $0xFFFFE800  }
0xa4: {  	_ =	swait.ge [sflag:s5], $0x1800  }
0xa5: {  	[sflag:s5] =	ssyncset.done $0x0  }
0xa6: {  	[sflag:s5] =	ssyncadd.s32 $0xFFFFE800  }
0xa7: {  	_ =	swait.ge [sflag:s7], $0x1800  }
0xa8: {  	[sflag:s7] =	ssyncset.done $0x0  }
0xa9: {  	[sflag:s7] =	ssyncadd.s32 $0xFFFFE800  }
0xaa: {  	_ =	swait.ge [sflag:s8], $0x1800  }
0xab: {  	[sflag:s8] =	ssyncset.done $0x0  }
0xac: {  	[sflag:s8] =	ssyncadd.s32 $0xFFFFE800  }
0xad: {  	[bflag:$0x0] =	sbarrier.arrive $0xFFFF  }
0xae: {  	[hbm:s23], [sflag:s6] =	dma.local [spmem:s25], $0xF00  }
0xaf: {  	_ =	swait.ge [sflag:s17], $0xF00  }
0xb0: {  	s4 =	sadd.s32 $0x1, s4;
	s12 =	rddreg [dreg:$0x9]  }
0xb1: {  	p1 =	sne.s32 s4, s12  }
.Ltmp2:
0xb2: {  	_ = 	snop;
	(pc) =	sbr.rel @p1 .LBB2_1-.Ltmp2, $3  }
0xb3: {  	_ =	sdelay $0x1  }
0xb4: {  	[sflag:s17] =	ssyncset.done $0x0  }
0xb5: {  	[sflag:s17] =	ssyncadd.s32 $0xFFFFF100  }
0xb6: {  	_ =	sfence.sel $0x180000  }
0xb7: {  	[bflag:$0x0] =	sbarrier.arrive $0xFFFF  }
0xb8: {  	_ =	strace $0x9000004D  }
0xb9: {  	s0 =	stileid.u32;
	[bflag:$0x2] =	sbarrier.arrive $0xFFFF  }
0xba: {  	p0 =	sne.s32 s0, $0x0;
	s0 =	rddreg [dreg:$0x4]  }
0xbb: {  	s0 =	sadd.s32 @!p0 $0x100000, s0  }
0xbc: {  	[sflag:s0] =	ssyncadd.tile.s32 @!p0 $0x1;
	_ =	shalt  }
.Lfunc_end2:
_tile_overlayer_lowered:
.L_overlay_start_2:
0xbd: {  	(tag) =	ssettag $0x2  }
0xbe: {  	s0 =	rddreg [dreg:$0x0];
	s2 =	stileid.u32  }
0xbf: {  	s1 =	rddreg [dreg:$0x1];
	p0 =	sne.s32 s2, $0x0  }
0xc0: {  	s3 =	rddreg [dreg:$0x2];
	[bflag:$0x3] =	sbarrier.arrive $0xFFFF;
	s2 =	simm.s32 @!p0 $0x1C09  }
0xc1: {  	[timem:s3], [sflag:s2] =	dma.local @!p0 [hbm:s0], s1  }
0xc2: {  	s0 =	simm.s32 @!p0 $0x9  }
0xc3: {  	_ =	swait.ge @!p0 [sflag:s0], s1  }
0xc4: {  	s1 =	ssub.s32 @!p0 $0x0, s1;
	[sflag:s0] =	ssyncset.done @!p0 $0x0  }
0xc5: {  	[sflag:s0] =	ssyncadd.s32 @!p0 s1  }
0xc6: {  	[bflag:$0x3] =	sbarrier.arrive $0xFFFF  }
0xc7: {  	_ =	shalt  }

// kernel: kernel.9.cloned.1.call-start
scs
__scs_entry_jumppad:
0x0: {  	(pc) =	sbr.rel $0x88, $3  }
0x1: {  	(tag) =	ssettag $0x0;
	lr =	simm.s32 $0x1  }
0x2: {  	[smem:$0x3F9D] =	sst lr;
	_ =	strace $0xD0000000  }
0x3: {  	_ = 	snop  }
0x4: {  	_ = 	snop  }
0x5: {  	_ = 	snop  }
0x6: {  	_ = 	snop  }
0x7: {  	_ = 	snop  }
__scs_overlays_trampoline_lowered:
0x8: {  	[smem:$0x3FAC] =	sst s0  }
0x9: {  	[smem:$0x3FAD] =	sst s1  }
0xa: {  	[smem:$0x3FAE] =	sst s2  }
0xb: {  	[smem:$0x3FAF] =	sst s3  }
0xc: {  	[smem:$0x3FB0] =	sst s4  }
0xd: {  	[smem:$0x3FB1] =	sst s5  }
0xe: {  	[smem:$0x3FB2] =	sst s6  }
0xf: {  	[smem:$0x3FB3] =	sst s7  }
0x10: {  	[smem:$0x3FB4] =	sst s8  }
0x11: {  	[smem:$0x3FB5] =	sst s9;
	s0 =	simm.s32 @!p0 $0x0  }
0x12: {  	s1 =	sld [smem:$0x3F9B];
	s0 =	simm.s32 @p0 $0x1  }
0x13: {  	[smem:$0x3FB6] =	sst s0;
	s0 =	simm.s32 @!p1 $0x0  }
0x14: {  	s2 =	sld [smem:$0x3F9A];
	s0 =	simm.s32 @p1 $0x1  }
0x15: {  	[smem:$0x3FB7] =	sst s0;
	s0 =	simm.s32 @!p2 $0x0  }
0x16: {  	s3 =	sld [smem:$0x3FDB];
	s0 =	simm.s32 @p2 $0x1  }
0x17: {  	s4 =	simm.s32 $0x1BF5;
	[smem:$0x3FB9] =	sst s0  }
0x18: {  	s0 =	sld [smem:$0x3F9C];
	_ =	swait.ge [sflag:s4], $0x0  }
0x19: {  	s7 =	sld [smem:$0x3F9D]  }
0x1a: {  	s8 =	sadd.s32 $0xFFFFE003, lr  }
0x1b: {  	s9 =	sadd.s32 $0xFFFFFEF7, lr;
	s5 =	simm.s32 $0xFFFFFFFF;
	p2 =	slt.u32 s8, $0xFFFFF086  }
0x1c: {  	p1 =	slt.u32 s9, $0xF7A;
	s5 =	simm.s32 @!p2 $0x0  }
0x1d: {  	s5 =	simm.s32 @p1 $0x1;
	p0 =	seq.s32 s7, s2  }
0x1e: {  	s7 =	smul.u32 @!p0 $0xF7A, s2;
	p2 =	seq.s32 @!p0 s5, $0x0  }
0x1f: {  	s9 =	smul.u32 $0xF7A, s1;
	s8 =	simm.s32 @!p0 $0x1BF5;
	p2 =	por !p2, p0  }
0x20: {  	[sflag:s8] =	ssyncset.s32 @!p0 $0xFFFFF086;
	s6 =	sadd.s32 @!p0 s3, s7;
	s7 =	simm.s32 @!p0 $0x108  }
0x21: {  	s3 =	sadd.s32 s3, s9;
	s6 =	sadd.s32 @!p0 $0x88, s6;
	s7 =	simm.s32 @p2 $0x1082  }
0x22: {  	[simem:s7], [sflag:s8] =	dma.local @!p0 [hbm:s6], $0xF7A  }
0x23: {  	s9 =	sor.u32 $0xD0000000, s2;
	s6 =	simm.s32 $0x108;
	_ =	swait.ge @!p0 [sflag:s8], $0x0  }
0x24: {  	s3 =	sadd.s32 $0x88, s3;
	s6 =	simm.s32 @!p1 $0x1082;
	[sflag:s4] =	ssyncset.s32 $0xFFFFF086  }
0x25: {  	[simem:s6], [sflag:s4] =	dma.local [hbm:s3], $0xF7A  }
0x26: {  	[smem:$0x3F9D] =	sst s1;
	(tag) =	ssettag s2;
	_ =	strace s9  }
0x27: {  	s1 =	sld [smem:$0x3FAD]  }
0x28: {  	s2 =	sld [smem:$0x3FAE]  }
0x29: {  	s4 =	sld [smem:$0x3FB0]  }
0x2a: {  	p0 =	seq.s32 s5, $0x0;
	s5 =	sld [smem:$0x3FB1]  }
0x2b: {  	s6 =	sld [smem:$0x3FB2]  }
0x2c: {  	s7 =	sld [smem:$0x3FB3]  }
0x2d: {  	s3 =	simm.s32 $0x108;
	s8 =	sld [smem:$0x3FB4]  }
0x2e: {  	s3 =	simm.s32 @!p0 $0x1082;
	s9 =	sld [smem:$0x3FB5]  }
0x2f: {  	lr =	sadd.s32 s0, s3;
	s0 =	sld [smem:$0x3FAC]  }
0x30: {  	s3 =	sld [smem:$0x3FAF]  }
0x31: {  	[smem:$0x3FB8] =	sst s10  }
0x32: {  	s10 =	sld [smem:$0x3FB6];
	_ =	sdelay $0x3  }
0x33: {  	p0 =	seq.s32 s10, $0x1;
	s10 =	sld [smem:$0x3FB8];
	_ =	sdelay $0x3  }
0x34: {  	[smem:$0x3FB8] =	sst s10  }
0x35: {  	s10 =	sld [smem:$0x3FB7];
	_ =	sdelay $0x3  }
0x36: {  	p1 =	seq.s32 s10, $0x1;
	s10 =	sld [smem:$0x3FB8];
	_ =	sdelay $0x3  }
0x37: {  	[smem:$0x3FB8] =	sst s10  }
0x38: {  	s10 =	sld [smem:$0x3FB9]  }
0x39: {  	_ = 	snop;
	(pc) =	sbr.ind lr, $3  }
0x3a: {  	_ = 	snop  }
0x3b: {  	_ = 	snop  }
0x3c: {  	p2 =	seq.s32 s10, $0x1;
	s10 =	sld [smem:$0x3FB8]  }
0x3d: {  	_ =	shalt  }
0x3e: {  	_ =	shalt  }
0x3f: {  	_ =	shalt  }
0x40: {  	_ =	shalt  }
0x41: {  	_ =	shalt  }
0x42: {  	_ =	shalt  }
0x43: {  	_ =	shalt  }
0x44: {  	_ =	shalt  }
0x45: {  	_ =	shalt  }
0x46: {  	_ =	shalt  }
0x47: {  	_ =	shalt  }
0x48: {  	_ =	shalt  }
0x49: {  	_ =	shalt  }
0x4a: {  	_ =	shalt  }
0x4b: {  	_ =	shalt  }
0x4c: {  	_ =	shalt  }
0x4d: {  	_ =	shalt  }
0x4e: {  	_ =	shalt  }
0x4f: {  	_ =	shalt  }
0x50: {  	_ =	shalt  }
0x51: {  	_ =	shalt  }
0x52: {  	_ =	shalt  }
0x53: {  	_ =	shalt  }
0x54: {  	_ =	shalt  }
0x55: {  	_ =	shalt  }
0x56: {  	_ =	shalt  }
0x57: {  	_ =	shalt  }
0x58: {  	_ =	shalt  }
0x59: {  	_ =	shalt  }
0x5a: {  	_ =	shalt  }
0x5b: {  	_ =	shalt  }
0x5c: {  	_ =	shalt  }
0x5d: {  	_ =	shalt  }
0x5e: {  	_ =	shalt  }
0x5f: {  	_ =	shalt  }
0x60: {  	_ =	shalt  }
0x61: {  	_ =	shalt  }
0x62: {  	_ =	shalt  }
0x63: {  	_ =	shalt  }
0x64: {  	_ =	shalt  }
0x65: {  	_ =	shalt  }
0x66: {  	_ =	shalt  }
0x67: {  	_ =	shalt  }
0x68: {  	_ =	shalt  }
0x69: {  	_ =	shalt  }
0x6a: {  	_ =	shalt  }
0x6b: {  	_ =	shalt  }
0x6c: {  	_ =	shalt  }
0x6d: {  	_ =	shalt  }
0x6e: {  	_ =	shalt  }
0x6f: {  	_ =	shalt  }
0x70: {  	_ =	shalt  }
0x71: {  	_ =	shalt  }
0x72: {  	_ =	shalt  }
0x73: {  	_ =	shalt  }
0x74: {  	_ =	shalt  }
0x75: {  	_ =	shalt  }
0x76: {  	_ =	shalt  }
0x77: {  	_ =	shalt  }
0x78: {  	_ =	shalt  }
0x79: {  	_ =	shalt  }
0x7a: {  	_ =	shalt  }
0x7b: {  	_ =	shalt  }
0x7c: {  	_ =	shalt  }
0x7d: {  	_ =	shalt  }
0x7e: {  	_ =	shalt  }
0x7f: {  	_ =	shalt  }
0x80: {  	_ =	shalt  }
0x81: {  	_ =	shalt  }
0x82: {  	_ =	shalt  }
0x83: {  	_ =	shalt  }
0x84: {  	_ =	shalt  }
0x85: {  	_ =	shalt  }
0x86: {  	_ =	shalt  }
0x87: {  	_ =	shalt  }
.Lfunc_end0:
.L_simem_size_0:
called_computation_lowered:
.L_overlay_start_0:
0x88: {  	s2 =	sld [smem:$0x3FD9]  }
0x89: {  	s3 =	sld [smem:$0x3FFE];
	_ =	sdelay $0x1  }
0x8a: {  	s1 =	srdreg.scid  }
0x8b: {  	s0 =	sand.u32 $0x1, s1  }
0x8c: {  	s17 =	sshll.u32 s0, $0xA;
	s2 =	sadd.s32 s3, s2  }
0x8d: {  	s2 =	sadd.s32 s2, s17  }
0x8e: {  	[smem:$0x3FC4] =	sst s2  }
0x8f: {  	_ = 	snop  }
0x90: {  	s2 =	sld [smem:$0x3FD0];
	(tm) =	ssettm $0x1  }
0x91: {  	s18 =	sld [smem:$0x3FFB];
	_ =	sdelay $0x3  }
0x92: {  	_ =	strace s18  }
0x93: {  	s3 =	sld [smem:$0x3FFC];
	_ =	sdelay $0x3  }
0x94: {  	_ =	strace s3  }
0x95: {  	s3 =	sld [smem:$0x3FFD];
	_ =	sdelay $0x3  }
0x96: {  	_ =	strace s3  }
0x97: {  	_ =	strace $0x8FFFFFFF  }
0x98: {  	s19 =	sld [smem:$0x3FDB];
	_ =	sdelay $0x1  }
0x99: {  	s4 =	simm.s32 $_scs_section_size  }
0x9a: {  	s5 =	simm.s32 $_size__tile_overlayer_lowered;
	s6 =	simm.s32 $_tile_overlayer_lowered  }
0x9b: {  	s22 =	simm.s32 $0x1BFF;
	s21 =	sshll.u32 s6, $0x1;
	s3 =	sadd.s32 s4, s19  }
0x9c: {  	s7 =	simm.s32 $0x0;
	s20 =	sshll.u32 s5, $0x1;
	s5 =	sadd.s32 s21, s3  }
0x9d: {  	[timem:s7], [sflag:s22] =	dma.local [hbm:s5], s20  }
0x9e: {  	_ =	swait.ge [sflag:s22], s20  }
0x9f: {  	s4 =	ssub.s32 $0x0, s20;
	[sflag:s22] =	ssyncset.done $0x0  }
0xa0: {  	[sflag:s22] =	ssyncadd.s32 s4;
	_ =	sdelay $0x1  }
0xa1: {  	s23 =	simm.s32 $0x1B8B  }
0xa2: {  	_ =	swait.ge [sflag:s23], $0x1  }
0xa3: {  	[sflag:s23] =	ssyncset.done $0x0  }
0xa4: {  	s25 =	simm.s32 $0x1B8E;
	s24 =	sld [smem:$0x3FFE];
	[sflag:s23] =	ssyncadd.s32 $0xFFFFFFFF  }
0xa5: {  	s26 =	simm.s32 $execute0_lowered;
	[smem:$0x3FD2] =	sst s25  }
0xa6: {  	s5 =	sshll.u32 s26, $0x1;
	_ =	strace $0x80000046;
	[dreg:$0x1] =	wrdreg $0xFFFFFFFF  }
0xa7: {  	s28 =	simm.s32 $_size_execute0_lowered;
	s3 =	sadd.s32 s3, s5;
	[dreg:$0x0] =	wrdreg $0x0  }
0xa8: {  	s5 =	sshll.u32 s28, $0x1;
	[dreg:$0x2] =	wrdreg s3  }
0xa9: {  	[dreg:$0x3] =	wrdreg s5  }
0xaa: {  	[dreg:$0x4] =	wrdreg $0xC0  }
0xab: {  	_ =	task [dreg:s7], $0x5FFFF  }
0xac: {  	[dreg:$0x1] =	wrdreg $0xFFFFFFFF  }
0xad: {  	[dreg:$0x0] =	wrdreg $0x60  }
0xae: {  	[dreg:$0x2] =	wrdreg s2  }
0xaf: {  	[dreg:$0x3] =	wrdreg s24  }
0xb0: {  	[dreg:$0x4] =	wrdreg $0x0  }
0xb1: {  	[dreg:$0x5] =	wrdreg $0x9  }
0xb2: {  	_ =	task.clear_ibuf [dreg:s7], $0x6FFFF;
	_ =	strace $0x90000046  }
0xb3: {  	s29 =	simm.s32 $0x9;
	_ =	strace $0x80000048  }
0xb4: {  	_ =	swait.ge [sflag:s29], $0x1  }
0xb5: {  	[sflag:s29] =	ssyncadd.s32 $0xFFFFFFFF  }
0xb6: {  	_ =	strace $0x90000048  }
0xb7: {  	_ =	sfence  }
0xb8: {  	s30 =	sld [smem:$0x0];
	_ =	sdelay $0x2  }
0xb9: {  	s31 =	sshll.u32 s1, $0xD;
	s1 =	sshrl.u32 s1, $0x2  }
0xba: {  	s3 =	sand.u32 $0x4000, s31;
	s1 =	sadd.s32 s1, s30  }
0xbb: {  	s0 =	sor.u32 s3, s0;
	s1 =	sshll.u32 s1, $0x11  }
0xbc: {  	s0 =	sor.u32 s1, s0  }
0xbd: {  	s0 =	sadd.s32 $0x8F2B, s0  }
0xbe: {  	[sflag:s0] =	ssyncadd.remote.s32 $0x1  }
0xbf: {  	_ =	sfence.sel $0xFFFF  }
0xc0: {  	[dreg:$0x0] =	wrdreg $0xFFFFFFFF;
	(pc) =	sbr.abs _section_cstart, $3  }
0xc1: {  	[dreg:$0x1] =	wrdreg $0xFFFFFFFF  }
0xc2: {  	_ =	task.clear_ibuf [dreg:s7], $0x2FFFF;
	_ =	strace $0x9FFFFFFF  }
0xc3: {  	(tm) =	ssettm $0x7FFFFFFF  }
tec
execute0_lowered:
.L_overlay_start_1:
0x0: {  	(tag) =	ssettag $0x1  }
0x1: {  	s5 =	rddreg [dreg:$0x0]  }
0x2: {  	s4 =	rddreg [dreg:$0x1]  }
0x3: {  	s2 =	rddreg [dreg:$0x2];
	s1 =	srdreg.scid  }
0x4: {  	s0 =	rddreg [dreg:$0x3];
	s3 =	simm.s32 $0x0;
	s12 =	simm.s32 $0x5  }
0x5: {  	s13 =	simm.s32 $0x2800;
	s14 =	simm.s32 $0x80;
	s15 =	simm.s32 $0x5000  }
0x6: {  	s16 =	simm.s32 $0x2880;
	s17 =	simm.s32 $0x2900;
	s18 =	simm.s32 $0x2980  }
0x7: {  	s19 =	simm.s32 $0x1;
	s20 =	simm.s32 $0x2;
	s6 =	sand.u32 $0x1, s1  }
0x8: {  	s21 =	simm.s32 $0x3;
	s1 =	stileid.u32;
	s7 =	smul.u32 $0x5000, s6  }
0x9: {  	s22 =	simm.s32 $0x4;
	s8 =	sshll.u32 s1, $0x1;
	s9 =	smul.u32 $0xA000, s1  }
0xa: {  	[smem:$0x7FF] =	sst s3;
	s11 =	smul.u32 $0x2800, s1;
	s8 =	sor.u32 s6, s8  }
0xb: {  	_ =	strace $0x80000047;
	s6 =	ssub.s32 $0x2, s6;
	s8 =	smul.u32 $0x500, s8  }
0xc: {  	s10 =	sshrl.u32 s6, $0x1;
	s9 =	sshrl.u32 s9, $0x2;
	s7 =	sadd.s32 s7, s4  }
0xd: {  	s24 =	sshrl.u32 s11, $0x3;
	s25 =	sadd.s32 s11, s2;
	s11 =	simm.s32 $0x5800  }
0xe: {  	s6 =	ssub.s32 s6, s10;
	s4 =	sadd.s32 s9, s2;
	s23 =	sadd.s32 $0x1200, s7  }
0xf: {  	s5 =	sadd.s32 s5, s8;
	s6 =	smax.u32 s6, $0x1;
	s7 =	sadd.s32 $0x800, s4  }
0x10: {  	s8 =	sadd.s32 $0x1000, s4;
	s9 =	sadd.s32 $0x1800, s4;
	s10 =	sadd.s32 $0x2000, s4  }
0x11: {  	v0 =	vimm.f32 $1.000000000e+00;
	v1 =	vimm.f32 $0.0e+00;
	s23 =	sadd.s32 s24, s23;
	s24 =	sshrl.u32 s25, $0x3;
	s25 =	simm.s32 $0x0  }
.LBB2_1:
0x12: {  	s26 =	simm.s32 $0x40;
	s28 =	simm.s32 $0x0  }
.LBB2_2:
0x13: {  	p0 =	sne.s32 s26, $0x1FC0;
	[tilespmem:s28+$0x5000] =	vst v0;
	s29 =	smov.u32 s26;
	s26 =	sadd.s32 $0x40, s26  }
.Ltmp0:
0x14: {  	[tilespmem:s28+$0x5800] =	vst v1;
	(pc) =	sbr.rel @p0 .LBB2_2-.Ltmp0, $2  }
0x15: {  	_ =	sdelay $0x2  }
0x16: {  	s28 =	sshra.s32 s29, $0x2  }
0x17: {  	[tilespmem:s28+$0x5000] =	vst v0  }
0x18: {  	[tilespmem:s28+$0x5800] =	vst v1  }
0x19: {  	[spmem:s4] =	stream.linear.scatter [tilespmem:s11], [sflag:$0x5], $0x800, $0x38;
	[tilespmem:$0x6000] =	vst v63  }
0x1a: {  	_ =	swait.ge [sflag:s12], $0x800  }
0x1b: {  	[sflag:s12] =	ssyncset.done $0x0  }
0x1c: {  	[sflag:s12] =	ssyncadd.s32 $0xFFFFF800  }
0x1d: {  	[spmem:s7] =	stream.linear.scatter [tilespmem:s11], [sflag:$0x5], $0x800, $0x38;
	[tilespmem:$0x6000] =	vst v63  }
0x1e: {  	_ =	swait.ge [sflag:s12], $0x800  }
0x1f: {  	[sflag:s12] =	ssyncset.done $0x0  }
0x20: {  	[sflag:s12] =	ssyncadd.s32 $0xFFFFF800  }
0x21: {  	[spmem:s8] =	stream.linear.scatter [tilespmem:s11], [sflag:$0x5], $0x800, $0x38;
	[tilespmem:$0x6000] =	vst v63  }
0x22: {  	_ =	swait.ge [sflag:s12], $0x800  }
0x23: {  	[sflag:s12] =	ssyncset.done $0x0  }
0x24: {  	[sflag:s12] =	ssyncadd.s32 $0xFFFFF800  }
0x25: {  	[spmem:s9] =	stream.linear.scatter [tilespmem:s11], [sflag:$0x5], $0x800, $0x38;
	[tilespmem:$0x6000] =	vst v63  }
0x26: {  	_ =	swait.ge [sflag:s12], $0x800  }
0x27: {  	[sflag:s12] =	ssyncset.done $0x0  }
0x28: {  	[sflag:s12] =	ssyncadd.s32 $0xFFFFF800  }
0x29: {  	[spmem:s10] =	stream.linear.scatter [tilespmem:s11], [sflag:$0x5], $0x800, $0x38;
	[tilespmem:$0x6000] =	vst v63  }
0x2a: {  	_ =	swait.ge [sflag:s12], $0x800  }
0x2b: {  	[sflag:s12] =	ssyncset.done $0x0  }
0x2c: {  	[sflag:s12] =	ssyncadd.s32 $0xFFFFF800  }
0x2d: {  	[bflag:$0x0] =	sbarrier.arrive $0xFFFF  }
0x2e: {  	[tilespmem:s13], [sflag:$0x5] =	stream.linear.gather [hbm4b:s5+s3], $0x2800, $0x38;
	[tilespmem:$0x6000] =	vst v63  }
0x2f: {  	_ =	swait.ge [sflag:s12], $0x2800  }
0x30: {  	[sflag:s12] =	ssyncset.done $0x0  }
0x31: {  	[sflag:s12] =	ssyncadd.s32 $0xFFFFD800  }
0x32: {  	[spmem:s2] =	stream.indirect.scatter.add.f32 [tilespmem:s15], [sflag:$0x1], $0x10, s13, s14, $0xb8;
	[tilespmem:$0x6000] =	vst v63  }
0x33: {  	_ = 	snop  }
0x34: {  	[spmem:s2] =	stream.indirect.scatter.add.f32 [tilespmem:s15], [sflag:$0x2], $0x10, s16, s14, $0xb8;
	[tilespmem:$0x6000] =	vst v63  }
0x35: {  	_ = 	snop  }
0x36: {  	[spmem:s2] =	stream.indirect.scatter.add.f32 [tilespmem:s15], [sflag:$0x3], $0x10, s17, s14, $0xb8;
	[tilespmem:$0x6000] =	vst v63  }
0x37: {  	_ = 	snop  }
0x38: {  	[spmem:s2] =	stream.indirect.scatter.add.f32 [tilespmem:s15], [sflag:$0x4], $0x10, s18, s14, $0xb8;
	[tilespmem:$0x6000] =	vst v63  }
0x39: {  	_ =	swait.ge [sflag:s19], $0x800  }
0x3a: {  	[sflag:s19] =	ssyncset.done $0x0  }
0x3b: {  	s26 =	simm.s32 $0x2A00;
	[sflag:s19] =	ssyncadd.s32 $0xFFFFF800  }
0x3c: {  	[spmem:s2] =	stream.indirect.scatter.add.f32 [tilespmem:s15], [sflag:$0x1], $0x10, s26, s14, $0xb8;
	[tilespmem:$0x6000] =	vst v63  }
0x3d: {  	_ =	swait.ge [sflag:s20], $0x800  }
0x3e: {  	[sflag:s20] =	ssyncset.done $0x0  }
0x3f: {  	s30 =	simm.s32 $0x2A80;
	[sflag:s20] =	ssyncadd.s32 $0xFFFFF800  }
0x40: {  	[spmem:s2] =	stream.indirect.scatter.add.f32 [tilespmem:s15], [sflag:$0x2], $0x10, s30, s14, $0xb8;
	[tilespmem:$0x6000] =	vst v63  }
0x41: {  	_ =	swait.ge [sflag:s21], $0x800  }
0x42: {  	[sflag:s21] =	ssyncset.done $0x0  }
0x43: {  	s31 =	simm.s32 $0x2B00;
	[sflag:s21] =	ssyncadd.s32 $0xFFFFF800  }
0x44: {  	[spmem:s2] =	stream.indirect.scatter.add.f32 [tilespmem:s15], [sflag:$0x3], $0x10, s31, s14, $0xb8;
	[tilespmem:$0x6000] =	vst v63  }
0x45: {  	_ =	swait.ge [sflag:s22], $0x800  }
0x46: {  	[sflag:s22] =	ssyncset.done $0x0  }
0x47: {  	s28 =	simm.s32 $0x2B80;
	s26 =	simm.s32 $0xFFFF7000;
	[sflag:s22] =	ssyncadd.s32 $0xFFFFF800  }
.LBB2_4:
0x48: {  	[spmem:s2] =	stream.indirect.scatter.add.f32 [tilespmem:s15], [sflag:$0x4], $0x10, s28, s14, $0xb8;
	[tilespmem:$0x6000] =	vst v63  }
0x49: {  	s28 =	smov.u32 s26  }
0x4a: {  	p0 =	sne.s32 s26, $0xFFFFF800;
	s26 =	sadd.s32 $0x800, s26;
	_ =	swait.ge [sflag:s19], $0x800  }
0x4b: {  	s28 =	sshra.s32 s28, $0x2;
	[sflag:s19] =	ssyncset.done $0x0  }
0x4c: {  	s29 =	sadd.s32 $0x5000, s28;
	[sflag:s19] =	ssyncadd.s32 $0xFFFFF800  }
0x4d: {  	[spmem:s2] =	stream.indirect.scatter.add.f32 [tilespmem:s15], [sflag:$0x1], $0x10, s29, s14, $0xb8;
	[tilespmem:$0x6000] =	vst v63  }
0x4e: {  	_ =	swait.ge [sflag:s20], $0x800  }
0x4f: {  	[sflag:s20] =	ssyncset.done $0x0  }
0x50: {  	s29 =	sadd.s32 $0x5080, s28;
	[sflag:s20] =	ssyncadd.s32 $0xFFFFF800  }
0x51: {  	[spmem:s2] =	stream.indirect.scatter.add.f32 [tilespmem:s15], [sflag:$0x2], $0x10, s29, s14, $0xb8;
	[tilespmem:$0x6000] =	vst v63  }
0x52: {  	_ =	swait.ge [sflag:s21], $0x800  }
0x53: {  	[sflag:s21] =	ssyncset.done $0x0  }
.Ltmp1:
0x54: {  	s29 =	sadd.s32 $0x5100, s28;
	[sflag:s21] =	ssyncadd.s32 $0xFFFFF800;
	(pc) =	sbr.rel @p0 .LBB2_4-.Ltmp1, $4  }
0x55: {  	[spmem:s2] =	stream.indirect.scatter.add.f32 [tilespmem:s15], [sflag:$0x3], $0x10, s29, s14, $0xb8;
	[tilespmem:$0x6000] =	vst v63  }
0x56: {  	_ =	swait.ge [sflag:s22], $0x800  }
0x57: {  	[sflag:s22] =	ssyncset.done $0x0  }
0x58: {  	s28 =	sadd.s32 $0x5180, s28;
	[sflag:s22] =	ssyncadd.s32 $0xFFFFF800  }
0x59: {  	[spmem:s2] =	stream.indirect.scatter.add.f32 [tilespmem:s15], [sflag:$0x4], $0x10, s28, s14, $0xb8;
	[tilespmem:$0x6000] =	vst v63  }
0x5a: {  	_ =	swait.ge [sflag:s19], $0x800  }
0x5b: {  	[sflag:s19] =	ssyncset.done $0x0  }
0x5c: {  	[sflag:s19] =	ssyncadd.s32 $0xFFFFF800  }
0x5d: {  	_ =	swait.ge [sflag:s20], $0x800  }
0x5e: {  	[sflag:s20] =	ssyncset.done $0x0  }
0x5f: {  	[sflag:s20] =	ssyncadd.s32 $0xFFFFF800  }
0x60: {  	_ =	swait.ge [sflag:s21], $0x800  }
0x61: {  	[sflag:s21] =	ssyncset.done $0x0  }
0x62: {  	[sflag:s21] =	ssyncadd.s32 $0xFFFFF800  }
0x63: {  	_ =	swait.ge [sflag:s22], $0x800  }
0x64: {  	s25 =	sadd.s32 $0x1, s25;
	[sflag:s22] =	ssyncset.done $0x0  }
0x65: {  	s26 =	sshll.u32 s1, $0x6;
	p0 =	sne.s32 s25, s6;
	[sflag:s22] =	ssyncadd.s32 $0xFFFFF800  }
.Ltmp2:
0x66: {  	s26 =	sor.u32 $0x1C05, s26;
	[bflag:$0x0] =	sbarrier.arrive $0xFFFF;
	(pc) =	sbr.rel @p0 .LBB2_1-.Ltmp2, $4  }
0x67: {  	[hbm:s23], [sflag:s26] =	dma.local [spmem:s24], $0x500  }
0x68: {  	_ =	swait.ge [sflag:s12], $0x500  }
0x69: {  	[sflag:s12] =	ssyncset.done $0x0  }
0x6a: {  	[sflag:s12] =	ssyncadd.s32 $0xFFFFFB00  }
0x6b: {  	_ =	sfence.sel $0x180000  }
0x6c: {  	[bflag:$0x0] =	sbarrier.arrive $0xFFFF  }
0x6d: {  	p0 =	sne.s32 s1, $0x0;
	_ =	strace $0x90000047  }
0x6e: {  	s0 =	sadd.s32 @!p0 $0x100000, s0;
	[bflag:$0x2] =	sbarrier.arrive $0xFFFF  }
0x6f: {  	[sflag:s0] =	ssyncadd.tile.s32 @!p0 $0x1;
	_ =	shalt  }
.Lfunc_end2:
_tile_overlayer_lowered:
.L_overlay_start_2:
0x70: {  	(tag) =	ssettag $0x2  }
0x71: {  	s0 =	rddreg [dreg:$0x0];
	s2 =	stileid.u32  }
0x72: {  	s1 =	rddreg [dreg:$0x1];
	p0 =	sne.s32 s2, $0x0  }
0x73: {  	s3 =	rddreg [dreg:$0x2];
	[bflag:$0x3] =	sbarrier.arrive $0xFFFF;
	s2 =	simm.s32 @!p0 $0x1C05  }
0x74: {  	[timem:s3], [sflag:s2] =	dma.local @!p0 [hbm:s0], s1  }
0x75: {  	s0 =	simm.s32 @!p0 $0x5  }
0x76: {  	_ =	swait.ge @!p0 [sflag:s0], s1  }
0x77: {  	s1 =	ssub.s32 @!p0 $0x0, s1;
	[sflag:s0] =	ssyncset.done @!p0 $0x0  }
0x78: {  	[sflag:s0] =	ssyncadd.s32 @!p0 s1  }
0x79: {  	[bflag:$0x3] =	sbarrier.arrive $0xFFFF  }
0x7a: {  	_ =	shalt  }

</sc_bundles>
